<compile_context>
chip_gen: v7x
topology: tpu7x:2x2x1
jax: 0.10.2.dev20260603
libtpu: 0.0.44.dev20260713+nightly
codegen_flags: <defaults>
</compile_context>

<pallas_src>
import functools

import jax
import jax.numpy as jnp
from jax import lax
from jax.experimental import pallas as pl
from jax.experimental.pallas import tpu as pltpu
from jax.experimental.pallas import tpu_sc as plsc

N = 10000
E = 320000
D = 128
H = 64

NC = 2
NS = 16
NW = NC * NS
EPT = E // NW
CP = 80
NCH = EPT // CP
NBUF = 5
WCH = 125
NV = EPT // 16
REG = 640

_MESH = plsc.VectorSubcoreMesh(core_axis_name="c", subcore_axis_name="s")
_NOTC = pltpu.CompilerParams(use_tc_tiling_on_sc=False,
                             needs_layout_passes=False)

_Z16 = functools.partial(jnp.zeros, (16,), jnp.float32)


def _zero2(buf, rows):
    def zb(r, c):
        for k in range(H // 16):
            buf[r, pl.ds(k * 16, 16)] = _Z16()
        return c
    lax.fori_loop(0, rows, zb, 0)


def _zero1_loop(buf, nvec):
    def zb(i, c):
        buf[pl.ds(i * 16, 16)] = _Z16()
        return c
    lax.fori_loop(0, nvec, zb, 0)


def _hist_reduce_out(stg, hbuf, obuf, out_hbm, cid, sid):
    def _region(r0, nv16):
        pltpu.sync_copy(stg.at[:, pl.ds(r0, nv16 * 16)],
                        hbuf.at[:, pl.ds(0, nv16 * 16)])

        def red(i, c):
            s = hbuf[0, pl.ds(i * 16, 16)]
            for k in range(1, NS):
                s = s + hbuf[k, pl.ds(i * 16, 16)]
            obuf[pl.ds(i * 16, 16)] = s
            return c
        lax.fori_loop(0, nv16, red, 0)
        pltpu.sync_copy(obuf.at[pl.ds(0, nv16 * 16)],
                        out_hbm.at[pl.ds(cid * N + r0, nv16 * 16)])

    @pl.when(sid < NS - 1)
    def _():
        _region(sid * REG, REG // 16)

    @pl.when(sid == NS - 1)
    def _():
        _region((NS - 1) * REG, (N - (NS - 1) * REG) // 16)


@functools.partial(
    pl.kernel,
    mesh=_MESH,
    compiler_params=_NOTC,
    out_type=jax.ShapeDtypeStruct((NC * N,), jnp.float32),
    scratch_types=[
        pltpu.VMEM((EPT,), jnp.int32),
        pltpu.VMEM((N,), jnp.float32),
        pltpu.VMEM((NS, REG), jnp.float32),
        pltpu.VMEM((REG,), jnp.float32),
        pltpu.VMEM_SHARED((NS, N), jnp.float32),
        pltpu.SemaphoreType.DMA,
    ],
)
def _deg_sc(e5_hbm, out_hbm, didx, hist, hbuf, obuf, stg, sem):
    cid = lax.axis_index("c")
    sid = lax.axis_index("s")
    wid = cid * NS + sid

    d0 = pltpu.async_copy(e5_hbm.at[1, wid], didx, sem)
    _zero1_loop(hist, N // 16)
    d0.wait()

    ones = jnp.full((16,), 1.0, jnp.float32)

    def body(g, c):
        for u in range(5):
            di = didx[pl.ds((g * 5 + u) * 16, 16)]
            plsc.addupdate_scatter(hist, [di], ones)
        return c

    lax.fori_loop(0, NV // 5, body, 0)

    pltpu.sync_copy(hist, stg.at[sid])
    plsc.subcore_barrier()
    _hist_reduce_out(stg, hbuf, obuf, out_hbm, cid, sid)


@functools.partial(
    pl.kernel,
    mesh=_MESH,
    compiler_params=_NOTC,
    out_type=jax.ShapeDtypeStruct((NC, N, H), jnp.float32),
    scratch_types=(
        [pltpu.VMEM((EPT,), jnp.int32),
         pltpu.VMEM((EPT,), jnp.int32)]
        + [pltpu.VMEM((WCH, H), jnp.float32) for _ in range(NBUF)]
        + [pltpu.VMEM_SHARED((N, H), jnp.float32)]
        + [pltpu.SemaphoreType.DMA for _ in range(2 * NBUF)]
    ),
)
def _prop64_sc(y_hbm, e5_hbm, out_hbm, sidx, didx, *rest):
    rows = rest[:NBUF]
    acc = rest[NBUF]
    sem_g = rest[NBUF + 1:2 * NBUF + 1]
    sem_s = rest[2 * NBUF + 1:]
    cid = lax.axis_index("c")
    sid = lax.axis_index("s")
    wid = cid * NS + sid
    nrt = N // NS

    d0 = pltpu.async_copy(e5_hbm.at[0, wid], sidx, sem_g[0])
    d1 = pltpu.async_copy(e5_hbm.at[1, wid], didx, sem_g[1])
    _zero2(rows[0], WCH)
    d0.wait()
    d1.wait()
    for k in range(nrt // WCH):
        pltpu.sync_copy(rows[0], acc.at[pl.ds(sid * nrt + k * WCH, WCH)])

    plsc.subcore_barrier()

    def body(g, carry):
        gd = []
        for b in range(NBUF):
            @pl.when(g > 0)
            def _(b=b):
                pltpu.make_async_copy(rows[b].at[pl.ds(0, CP)],
                                      acc.at[didx.at[pl.ds(0, CP)]],
                                      sem_s[b]).wait()
            gd.append(pltpu.async_copy(y_hbm.at[sidx.at[pl.ds((g * NBUF + b) * CP, CP)]],
                                       rows[b].at[pl.ds(0, CP)], sem_g[b]))
        for b in range(NBUF):
            gd[b].wait()
            pltpu.async_copy(rows[b].at[pl.ds(0, CP)],
                             acc.at[didx.at[pl.ds((g * NBUF + b) * CP, CP)]],
                             sem_s[b], add=True)
        return carry

    lax.fori_loop(0, NCH // NBUF, body, 0)
    for b in range(NBUF):
        pltpu.make_async_copy(rows[b].at[pl.ds(0, CP)],
                              acc.at[didx.at[pl.ds(0, CP)]], sem_s[b]).wait()

    plsc.subcore_barrier()

    wo = []
    for k in range(nrt // WCH):
        r0 = sid * nrt + k * WCH
        wo.append(pltpu.async_copy(acc.at[pl.ds(r0, WCH)], rows[k], sem_g[k]))
    wo2 = []
    for k in range(nrt // WCH):
        r0 = sid * nrt + k * WCH
        wo[k].wait()
        wo2.append(pltpu.async_copy(rows[k], out_hbm.at[cid, pl.ds(r0, WCH)],
                                    sem_s[k]))
    for d in wo2:
        d.wait()


@functools.partial(
    pl.kernel,
    mesh=_MESH,
    compiler_params=_NOTC,
    out_type=jax.ShapeDtypeStruct((NC * N,), jnp.float32),
    scratch_types=[
        pltpu.VMEM((EPT,), jnp.int32),
        pltpu.VMEM((EPT,), jnp.int32),
        pltpu.VMEM((N,), jnp.float32),
        pltpu.VMEM((N,), jnp.float32),
        pltpu.VMEM((NS, REG), jnp.float32),
        pltpu.VMEM((REG,), jnp.float32),
        pltpu.VMEM_SHARED((NS, N), jnp.float32),
        pltpu.SemaphoreType.DMA,
        pltpu.SemaphoreType.DMA,
        pltpu.SemaphoreType.DMA,
    ],
)
def _prop1_sc(y_hbm, e5_hbm, out_hbm, sidx, didx, yv, hist, hbuf, obuf, stg,
              s0, s1, s2):
    cid = lax.axis_index("c")
    sid = lax.axis_index("s")
    wid = cid * NS + sid

    d0 = pltpu.async_copy(e5_hbm.at[0, wid], sidx, s0)
    d1 = pltpu.async_copy(e5_hbm.at[1, wid], didx, s1)
    d2 = pltpu.async_copy(y_hbm, yv, s2)
    _zero1_loop(hist, N // 16)
    d0.wait()
    d1.wait()
    d2.wait()

    def body(g, c):
        for u in range(5):
            j16 = (g * 5 + u) * 16
            si = sidx[pl.ds(j16, 16)]
            di = didx[pl.ds(j16, 16)]
            vals = plsc.load_gather(yv, [si])
            plsc.addupdate_scatter(hist, [di], vals)
        return c

    lax.fori_loop(0, NV // 5, body, 0)

    pltpu.sync_copy(hist, stg.at[sid])
    plsc.subcore_barrier()
    _hist_reduce_out(stg, hbuf, obuf, out_hbm, cid, sid)


def _prep_body(x_ref, w_ref, degp_ref, dinv_ref, y1_ref):
    deg = degp_ref[pl.ds(0, N)] + degp_ref[pl.ds(N, N)] + 1.0
    dinv = lax.rsqrt(deg)
    dinv_ref[...] = dinv
    xw = jnp.dot(x_ref[...], w_ref[...], preferred_element_type=jnp.float32)
    y1_ref[...] = xw * dinv[:, None]


def _prep(x, W1, degp):
    return pl.pallas_call(
        _prep_body,
        out_shape=[jax.ShapeDtypeStruct((N,), jnp.float32),
                   jax.ShapeDtypeStruct((N, H), jnp.float32)],
    )(x, W1, degp)


def _l2_body(accp_ref, y1_ref, dinv_ref, w2_ref, b1_ref, y2_ref):
    a = accp_ref[0] + accp_ref[1] + y1_ref[...]
    h = jnp.maximum(a * dinv_ref[...][:, None] + b1_ref[...], 0.0)
    hw = jnp.dot(h, w2_ref[...], preferred_element_type=jnp.float32)
    y2_ref[...] = hw[:, 0] * dinv_ref[...]


def _l2(accp, y1, dinv, W2, b1_row):
    return pl.pallas_call(
        _l2_body,
        out_shape=jax.ShapeDtypeStruct((N,), jnp.float32),
    )(accp, y1, dinv, W2, b1_row)


def _fin_body(acc2_ref, y2_ref, dinv_ref, b2_ref, out_ref):
    a = acc2_ref[pl.ds(0, N)] + acc2_ref[pl.ds(N, N)]
    out_ref[...] = ((a + y2_ref[...]) * dinv_ref[...] + b2_ref[0])[:, None]


def _fin(acc2, y2, dinv, b2):
    return pl.pallas_call(
        _fin_body,
        out_shape=jax.ShapeDtypeStruct((N, 1), jnp.float32),
    )(acc2, y2, dinv, b2)


def kernel(x, e, W1, b1, W2, b2):
    e5 = jnp.reshape(e, (2, NW, EPT))

    degp = _deg_sc(e5)
    dinv, y1 = _prep(x, W1, degp)
    accp = _prop64_sc(y1, e5)
    y2 = _l2(accp, y1, dinv, W2, jnp.reshape(b1, (1, H)))
    acc2 = _prop1_sc(y2, e5)
    out = _fin(acc2, y2, dinv, b2)
    return out

# --- scband reference (transcript-rebuilt; emitter-appended) ---
"""Pipeline reference for scband-gcn-base-25804163514759 (READ-ONLY COPY).

The authoritative reference and input builder live on the scoring server;
editing this copy changes nothing except your own understanding.
"""

import jax, jax.numpy as jnp
import numpy as np

N = 10000
E = 320000
D = 128
H = 64

def _gcn_conv(x, src, dst, W, b):
    n = x.shape[0]
    # linear transform first (PyG GCNConv applies lin before propagate)
    xw = x @ W
    # add self-loops
    loop = jnp.arange(n, dtype=src.dtype)
    s = jnp.concatenate([src, loop])
    d = jnp.concatenate([dst, loop])
    # symmetric normalization: deg computed on dst with unit edge weights
    deg = jnp.zeros((n,), dtype=xw.dtype).at[d].add(1.0)
    dinv = jnp.where(deg > 0, 1.0 / jnp.sqrt(deg), 0.0)
    norm = dinv[s] * dinv[d]
    msg = xw[s] * norm[:, None]
    out = jnp.zeros((n, xw.shape[1]), dtype=xw.dtype).at[d].add(msg)
    return out + b

def setup_inputs(seed: int = 0) -> dict:
    key = jax.random.key(seed)
    k1, k2, k3, k4, k5, k6 = jax.random.split(key, 6)
    x = jax.random.normal(k1, (N, D), dtype=jnp.float32)
    e = jax.random.randint(k2, (2, E), 0, N, dtype=jnp.int32)
    W1 = jax.random.normal(k3, (D, H), dtype=jnp.float32) * (1.0 / np.sqrt(D))
    b1 = jnp.zeros((H,), dtype=jnp.float32)
    W2 = jax.random.normal(k4, (H, 1), dtype=jnp.float32) * (1.0 / np.sqrt(H))
    b2 = jnp.zeros((1,), dtype=jnp.float32)
    return {"x": x, "e": e, "W1": W1, "b1": b1, "W2": W2, "b2": b2}

def reference(x, e, W1, b1, W2, b2):
    src, dst = e[0], e[1]
    h = _gcn_conv(x, src, dst, W1, b1)
    h = jax.nn.relu(h)
    out = _gcn_conv(h, src, dst, W2, b2)
    return out

if __name__ == "__main__":
    import jax
    _d = setup_inputs()
    print(jax.jit(kernel)(*tuple(_d.values())))

</pallas_src>

<mosaic_0001>
#map = affine_map<(d0, d1) -> (0)>
#map1 = affine_map<(d0, d1) -> (0, 0, 0)>
module attributes {stable_mosaic.version = 14 : i64} {
  func.func @_prop1_sc(%arg0: i32, %arg1: i32, %arg2: memref<10000xf32, #tpu.memory_space<hbm>>, %arg3: memref<2x32x10000xi32, #tpu.memory_space<hbm>>, %arg4: memref<20000xf32, #tpu.memory_space<hbm>>, %arg5: memref<10000xi32, #tpu.memory_space<vmem>>, %arg6: memref<10000xi32, #tpu.memory_space<vmem>>, %arg7: memref<10000xf32, #tpu.memory_space<vmem>>, %arg8: memref<10000xf32, #tpu.memory_space<vmem>>, %arg9: memref<16x640xf32, #tpu.memory_space<vmem>>, %arg10: memref<640xf32, #tpu.memory_space<vmem>>, %arg11: memref<16x10000xf32, #tpu.memory_space<vmem_shared>>, %arg12: memref<!tpu.dma_semaphore, #tpu.memory_space<semaphore_mem>>, %arg13: memref<!tpu.dma_semaphore, #tpu.memory_space<semaphore_mem>>, %arg14: memref<!tpu.dma_semaphore, #tpu.memory_space<semaphore_mem>>) attributes {dimension_semantics = [#tpu.dimension_semantics<core_parallel>, #tpu.dimension_semantics<subcore_parallel>], iteration_bounds = array<i64: 2, 16>, scalar_prefetch = 0 : i64, scratch_operands = 10 : i64, tpu.core_type = #tpu.core_type<sc_vector_subcore>, window_params = [{transform_indices = #map}, {transform_indices = #map1}, {transform_indices = #map}]} {
    %mul3A = arith.constant 16 : i32
    %mul3A_0 = arith.muli %arg0, %mul3A : i32
    %add3A = arith.addi %mul3A_0, %arg1 : i32
    %dma_start3A = arith.constant 0 : i32
    %dma_start3A_1 = arith.constant 0 : i32
    %dma_start3A_2 = tpu.memref_slice %arg3[%dma_start3A, %add3A, %dma_start3A_1] : memref<2x32x10000xi32, #tpu.memory_space<hbm>> -> memref<1x1x10000xi32, #tpu.memory_space<hbm>>
    %dma_start3A_3 = tpu.memref_squeeze %dma_start3A_2 : memref<1x1x10000xi32, #tpu.memory_space<hbm>> -> memref<10000xi32, #tpu.memory_space<hbm>>
    %dma_start3A_4 = arith.constant 0 : i32
    %dma_start3A_5 = tpu.memref_slice %arg3[%dma_start3A, %add3A, %dma_start3A_4] : memref<2x32x10000xi32, #tpu.memory_space<hbm>> -> memref<1x1x10000xi32, #tpu.memory_space<hbm>>
    %dma_start3A_6 = tpu.memref_squeeze %dma_start3A_5 : memref<1x1x10000xi32, #tpu.memory_space<hbm>> -> memref<10000xi32, #tpu.memory_space<hbm>>
    tpu.enqueue_dma source(%dma_start3A_6 : memref<10000xi32, #tpu.memory_space<hbm>>) target(%arg5 : memref<10000xi32, #tpu.memory_space<vmem>>) target_semaphore(%arg12 : memref<!tpu.dma_semaphore, #tpu.memory_space<semaphore_mem>>)
    %dma_start3A_7 = arith.constant 1 : i32
    %dma_start3A_8 = arith.constant 0 : i32
    %dma_start3A_9 = tpu.memref_slice %arg3[%dma_start3A_7, %add3A, %dma_start3A_8] : memref<2x32x10000xi32, #tpu.memory_space<hbm>> -> memref<1x1x10000xi32, #tpu.memory_space<hbm>>
    %dma_start3A_10 = tpu.memref_squeeze %dma_start3A_9 : memref<1x1x10000xi32, #tpu.memory_space<hbm>> -> memref<10000xi32, #tpu.memory_space<hbm>>
    %dma_start3A_11 = arith.constant 0 : i32
    %dma_start3A_12 = tpu.memref_slice %arg3[%dma_start3A_7, %add3A, %dma_start3A_11] : memref<2x32x10000xi32, #tpu.memory_space<hbm>> -> memref<1x1x10000xi32, #tpu.memory_space<hbm>>
    %dma_start3A_13 = tpu.memref_squeeze %dma_start3A_12 : memref<1x1x10000xi32, #tpu.memory_space<hbm>> -> memref<10000xi32, #tpu.memory_space<hbm>>
    tpu.enqueue_dma source(%dma_start3A_13 : memref<10000xi32, #tpu.memory_space<hbm>>) target(%arg6 : memref<10000xi32, #tpu.memory_space<vmem>>) target_semaphore(%arg13 : memref<!tpu.dma_semaphore, #tpu.memory_space<semaphore_mem>>)
    tpu.enqueue_dma source(%arg2 : memref<10000xf32, #tpu.memory_space<hbm>>) target(%arg7 : memref<10000xf32, #tpu.memory_space<vmem>>) target_semaphore(%arg14 : memref<!tpu.dma_semaphore, #tpu.memory_space<semaphore_mem>>)
    %scan3A = arith.constant 0 : i32
    %scan3A_14 = arith.constant 0 : i32
    %scan3A_15 = arith.constant 625 : i32
    %scan3A_16 = arith.addi %scan3A_14, %scan3A_15 : i32
    %scan3A_17 = arith.constant 1 : i32
    scf.for %scan3A_44 = %scan3A_14 to %scan3A_16 step %scan3A_17  : i32 {
      %broadcast_in_dim3A = arith.constant 0.000000e+00 : f32
      %broadcast_in_dim3A_45 = vector.broadcast %broadcast_in_dim3A : f32 to vector<16xf32>
      %mul3A_46 = arith.constant 16 : i32
      %mul3A_47 = arith.muli %scan3A_44, %mul3A_46 : i32
      %swap3A = arith.index_cast %mul3A_47 : i32 to index
      %swap3A_48 = tpu.vector_load %arg8[%swap3A] {strides = array<i32>} : memref<10000xf32, #tpu.memory_space<vmem>>, vector<16xf32>,
      tpu.vector_store %arg8[%swap3A], %broadcast_in_dim3A_45 {strides = array<i32>} : memref<10000xf32, #tpu.memory_space<vmem>>, vector<16xf32>,
    }
    %scan3A_18 = arith.constant 625 : i32
    %dma_wait3A = arith.constant 0 : i32
    %dma_wait3A_19 = arith.constant 0 : i32
    %dma_wait3A_20 = tpu.memref_slice %arg3[%dma_wait3A, %add3A, %dma_wait3A_19] : memref<2x32x10000xi32, #tpu.memory_space<hbm>> -> memref<1x1x10000xi32, #tpu.memory_space<hbm>>
    %dma_wait3A_21 = tpu.memref_squeeze %dma_wait3A_20 : memref<1x1x10000xi32, #tpu.memory_space<hbm>> -> memref<10000xi32, #tpu.memory_space<hbm>>
    %dma_wait3A_22 = arith.constant 0 : i32
    %dma_wait3A_23 = tpu.memref_slice %arg3[%dma_wait3A, %add3A, %dma_wait3A_22] : memref<2x32x10000xi32, #tpu.memory_space<hbm>> -> memref<1x1x10000xi32, #tpu.memory_space<hbm>>
    %dma_wait3A_24 = tpu.memref_squeeze %dma_wait3A_23 : memref<1x1x10000xi32, #tpu.memory_space<hbm>> -> memref<10000xi32, #tpu.memory_space<hbm>>
    tpu.wait_dma2 semaphore(%arg12 : memref<!tpu.dma_semaphore, #tpu.memory_space<semaphore_mem>>) src(%dma_wait3A_24 : memref<10000xi32, #tpu.memory_space<hbm>>) dst(%arg5 : memref<10000xi32, #tpu.memory_space<vmem>>)
    %dma_wait3A_25 = arith.constant 1 : i32
    %dma_wait3A_26 = arith.constant 0 : i32
    %dma_wait3A_27 = tpu.memref_slice %arg3[%dma_wait3A_25, %add3A, %dma_wait3A_26] : memref<2x32x10000xi32, #tpu.memory_space<hbm>> -> memref<1x1x10000xi32, #tpu.memory_space<hbm>>
    %dma_wait3A_28 = tpu.memref_squeeze %dma_wait3A_27 : memref<1x1x10000xi32, #tpu.memory_space<hbm>> -> memref<10000xi32, #tpu.memory_space<hbm>>
    %dma_wait3A_29 = arith.constant 0 : i32
    %dma_wait3A_30 = tpu.memref_slice %arg3[%dma_wait3A_25, %add3A, %dma_wait3A_29] : memref<2x32x10000xi32, #tpu.memory_space<hbm>> -> memref<1x1x10000xi32, #tpu.memory_space<hbm>>
    %dma_wait3A_31 = tpu.memref_squeeze %dma_wait3A_30 : memref<1x1x10000xi32, #tpu.memory_space<hbm>> -> memref<10000xi32, #tpu.memory_space<hbm>>
    tpu.wait_dma2 semaphore(%arg13 : memref<!tpu.dma_semaphore, #tpu.memory_space<semaphore_mem>>) src(%dma_wait3A_31 : memref<10000xi32, #tpu.memory_space<hbm>>) dst(%arg6 : memref<10000xi32, #tpu.memory_space<vmem>>)
    tpu.wait_dma2 semaphore(%arg14 : memref<!tpu.dma_semaphore, #tpu.memory_space<semaphore_mem>>) src(%arg2 : memref<10000xf32, #tpu.memory_space<hbm>>) dst(%arg7 : memref<10000xf32, #tpu.memory_space<vmem>>)
    %scan3A_32 = arith.constant 0 : i32
    %scan3A_33 = arith.constant 0 : i32
    %scan3A_34 = arith.constant 125 : i32
    %scan3A_35 = arith.addi %scan3A_33, %scan3A_34 : i32
    %scan3A_36 = arith.constant 1 : i32
    scf.for %scan3A_44 = %scan3A_33 to %scan3A_35 step %scan3A_36  : i32 {
      %mul3A_45 = arith.constant 5 : i32
      %mul3A_46 = arith.muli %scan3A_44, %mul3A_45 : i32
      %add3A_47 = arith.constant 0 : i32
      %add3A_48 = arith.addi %mul3A_46, %add3A_47 : i32
      %mul3A_49 = arith.constant 16 : i32
      %mul3A_50 = arith.muli %add3A_48, %mul3A_49 : i32
      %get3A = arith.index_cast %mul3A_50 : i32 to index
      %get3A_51 = tpu.vector_load %arg5[%get3A] {strides = array<i32>} : memref<10000xi32, #tpu.memory_space<vmem>>, vector<16xi32>,
      %get3A_52 = arith.index_cast %mul3A_50 : i32 to index
      %get3A_53 = tpu.vector_load %arg6[%get3A_52] {strides = array<i32>} : memref<10000xi32, #tpu.memory_space<vmem>>, vector<16xi32>,
      %gather3A = tpu.vector_load_idx %arg7[%get3A_51] : memref<10000xf32, #tpu.memory_space<vmem>>[vector<16xi32>], vector<16xf32>,
      tpu.vector_store_idx %arg8[%get3A_53], %gather3A {add = true} : memref<10000xf32, #tpu.memory_space<vmem>>[vector<16xi32>], vector<16xf32>,
      %mul3A_54 = arith.constant 5 : i32
      %mul3A_55 = arith.muli %scan3A_44, %mul3A_54 : i32
      %add3A_56 = arith.constant 1 : i32
      %add3A_57 = arith.addi %mul3A_55, %add3A_56 : i32
      %mul3A_58 = arith.constant 16 : i32
      %mul3A_59 = arith.muli %add3A_57, %mul3A_58 : i32
      %get3A_60 = arith.index_cast %mul3A_59 : i32 to index
      %get3A_61 = tpu.vector_load %arg5[%get3A_60] {strides = array<i32>} : memref<10000xi32, #tpu.memory_space<vmem>>, vector<16xi32>,
      %get3A_62 = arith.index_cast %mul3A_59 : i32 to index
      %get3A_63 = tpu.vector_load %arg6[%get3A_62] {strides = array<i32>} : memref<10000xi32, #tpu.memory_space<vmem>>, vector<16xi32>,
      %gather3A_64 = tpu.vector_load_idx %arg7[%get3A_61] : memref<10000xf32, #tpu.memory_space<vmem>>[vector<16xi32>], vector<16xf32>,
      tpu.vector_store_idx %arg8[%get3A_63], %gather3A_64 {add = true} : memref<10000xf32, #tpu.memory_space<vmem>>[vector<16xi32>], vector<16xf32>,
      %mul3A_65 = arith.constant 5 : i32
      %mul3A_66 = arith.muli %scan3A_44, %mul3A_65 : i32
      %add3A_67 = arith.constant 2 : i32
      %add3A_68 = arith.addi %mul3A_66, %add3A_67 : i32
      %mul3A_69 = arith.constant 16 : i32
      %mul3A_70 = arith.muli %add3A_68, %mul3A_69 : i32
      %get3A_71 = arith.index_cast %mul3A_70 : i32 to index
      %get3A_72 = tpu.vector_load %arg5[%get3A_71] {strides = array<i32>} : memref<10000xi32, #tpu.memory_space<vmem>>, vector<16xi32>,
      %get3A_73 = arith.index_cast %mul3A_70 : i32 to index
      %get3A_74 = tpu.vector_load %arg6[%get3A_73] {strides = array<i32>} : memref<10000xi32, #tpu.memory_space<vmem>>, vector<16xi32>,
      %gather3A_75 = tpu.vector_load_idx %arg7[%get3A_72] : memref<10000xf32, #tpu.memory_space<vmem>>[vector<16xi32>], vector<16xf32>,
      tpu.vector_store_idx %arg8[%get3A_74], %gather3A_75 {add = true} : memref<10000xf32, #tpu.memory_space<vmem>>[vector<16xi32>], vector<16xf32>,
      %mul3A_76 = arith.constant 5 : i32
      %mul3A_77 = arith.muli %scan3A_44, %mul3A_76 : i32
      %add3A_78 = arith.constant 3 : i32
      %add3A_79 = arith.addi %mul3A_77, %add3A_78 : i32
      %mul3A_80 = arith.constant 16 : i32
      %mul3A_81 = arith.muli %add3A_79, %mul3A_80 : i32
      %get3A_82 = arith.index_cast %mul3A_81 : i32 to index
      %get3A_83 = tpu.vector_load %arg5[%get3A_82] {strides = array<i32>} : memref<10000xi32, #tpu.memory_space<vmem>>, vector<16xi32>,
      %get3A_84 = arith.index_cast %mul3A_81 : i32 to index
      %get3A_85 = tpu.vector_load %arg6[%get3A_84] {strides = array<i32>} : memref<10000xi32, #tpu.memory_space<vmem>>, vector<16xi32>,
      %gather3A_86 = tpu.vector_load_idx %arg7[%get3A_83] : memref<10000xf32, #tpu.memory_space<vmem>>[vector<16xi32>], vector<16xf32>,
      tpu.vector_store_idx %arg8[%get3A_85], %gather3A_86 {add = true} : memref<10000xf32, #tpu.memory_space<vmem>>[vector<16xi32>], vector<16xf32>,
      %mul3A_87 = arith.constant 5 : i32
      %mul3A_88 = arith.muli %scan3A_44, %mul3A_87 : i32
      %add3A_89 = arith.constant 4 : i32
      %add3A_90 = arith.addi %mul3A_88, %add3A_89 : i32
      %mul3A_91 = arith.constant 16 : i32
      %mul3A_92 = arith.muli %add3A_90, %mul3A_91 : i32
      %get3A_93 = arith.index_cast %mul3A_92 : i32 to index
      %get3A_94 = tpu.vector_load %arg5[%get3A_93] {strides = array<i32>} : memref<10000xi32, #tpu.memory_space<vmem>>, vector<16xi32>,
      %get3A_95 = arith.index_cast %mul3A_92 : i32 to index
      %get3A_96 = tpu.vector_load %arg6[%get3A_95] {strides = array<i32>} : memref<10000xi32, #tpu.memory_space<vmem>>, vector<16xi32>,
      %gather3A_97 = tpu.vector_load_idx %arg7[%get3A_94] : memref<10000xf32, #tpu.memory_space<vmem>>[vector<16xi32>], vector<16xf32>,
      tpu.vector_store_idx %arg8[%get3A_96], %gather3A_97 {add = true} : memref<10000xf32, #tpu.memory_space<vmem>>[vector<16xi32>], vector<16xf32>,
    }
    %scan3A_37 = arith.constant 125 : i32
    "tpu.region"() ({
      %run_scoped3A = tpu.sem_alloc : memref<!tpu.dma_semaphore, #tpu.memory_space<semaphore_mem>>
      %dma_start3A_44 = arith.constant 0 : i32
      %dma_start3A_45 = tpu.memref_slice %arg11[%arg1, %dma_start3A_44] : memref<16x10000xf32, #tpu.memory_space<vmem_shared>> -> memref<1x10000xf32, #tpu.memory_space<vmem_shared>>
      %dma_start3A_46 = tpu.memref_squeeze %dma_start3A_45 : memref<1x10000xf32, #tpu.memory_space<vmem_shared>> -> memref<10000xf32, #tpu.memory_space<vmem_shared>>
      %dma_start3A_47 = arith.constant 0 : i32
      %dma_start3A_48 = tpu.memref_slice %arg11[%arg1, %dma_start3A_47] : memref<16x10000xf32, #tpu.memory_space<vmem_shared>> -> memref<1x10000xf32, #tpu.memory_space<vmem_shared>>
      %dma_start3A_49 = tpu.memref_squeeze %dma_start3A_48 : memref<1x10000xf32, #tpu.memory_space<vmem_shared>> -> memref<10000xf32, #tpu.memory_space<vmem_shared>>
      tpu.enqueue_dma source(%arg8 : memref<10000xf32, #tpu.memory_space<vmem>>) target(%dma_start3A_49 : memref<10000xf32, #tpu.memory_space<vmem_shared>>) target_semaphore(%run_scoped3A : memref<!tpu.dma_semaphore, #tpu.memory_space<semaphore_mem>>)
      %dma_wait3A_50 = arith.constant 0 : i32
      %dma_wait3A_51 = tpu.memref_slice %arg11[%arg1, %dma_wait3A_50] : memref<16x10000xf32, #tpu.memory_space<vmem_shared>> -> memref<1x10000xf32, #tpu.memory_space<vmem_shared>>
      %dma_wait3A_52 = tpu.memref_squeeze %dma_wait3A_51 : memref<1x10000xf32, #tpu.memory_space<vmem_shared>> -> memref<10000xf32, #tpu.memory_space<vmem_shared>>
      %dma_wait3A_53 = arith.constant 0 : i32
      %dma_wait3A_54 = tpu.memref_slice %arg11[%arg1, %dma_wait3A_53] : memref<16x10000xf32, #tpu.memory_space<vmem_shared>> -> memref<1x10000xf32, #tpu.memory_space<vmem_shared>>
      %dma_wait3A_55 = tpu.memref_squeeze %dma_wait3A_54 : memref<1x10000xf32, #tpu.memory_space<vmem_shared>> -> memref<10000xf32, #tpu.memory_space<vmem_shared>>
      tpu.wait_dma2 semaphore(%run_scoped3A : memref<!tpu.dma_semaphore, #tpu.memory_space<semaphore_mem>>) src(%arg8 : memref<10000xf32, #tpu.memory_space<vmem>>) dst(%dma_wait3A_55 : memref<10000xf32, #tpu.memory_space<vmem_shared>>)
      tpu.yield
    }) : () -> ()
    %barrier3A = arith.constant 0 : index
    tpu.barrier barrier_id(%barrier3A)
    %lt3A = arith.constant 15 : i32
    %lt3A_38 = arith.cmpi slt, %arg1, %lt3A : i32
    %convert_element_type3A = arith.extui %lt3A_38 : i1 to i32
    %cond3A = arith.constant 0 : i32
    %cond3A_39 = arith.cmpi ne, %convert_element_type3A, %cond3A : i32
    scf.if %cond3A_39 {
      %mul3A_44 = arith.constant 640 : i32
      %mul3A_45 = arith.muli %arg1, %mul3A_44 : i32
      "tpu.region"() ({
        %run_scoped3A = tpu.sem_alloc : memref<!tpu.dma_semaphore, #tpu.memory_space<semaphore_mem>>
        %dma_start3A_55 = arith.constant 0 : i32
        %dma_start3A_56 = arith.constant 0 : i32
        %dma_start3A_57 = tpu.memref_slice %arg9[%dma_start3A_55, %dma_start3A_56] : memref<16x640xf32, #tpu.memory_space<vmem>> -> memref<16x640xf32, #tpu.memory_space<vmem>>
        %dma_start3A_58 = arith.constant 0 : i32
        %dma_start3A_59 = tpu.memref_slice %arg11[%dma_start3A_58, %mul3A_45] : memref<16x10000xf32, #tpu.memory_space<vmem_shared>> -> memref<16x640xf32, #tpu.memory_space<vmem_shared>>
        %dma_start3A_60 = arith.constant 0 : i32
        %dma_start3A_61 = arith.constant 0 : i32
        %dma_start3A_62 = tpu.memref_slice %arg9[%dma_start3A_60, %dma_start3A_61] : memref<16x640xf32, #tpu.memory_space<vmem>> -> memref<16x640xf32, #tpu.memory_space<vmem>>
        %dma_start3A_63 = arith.constant 0 : i32
        %dma_start3A_64 = tpu.memref_slice %arg11[%dma_start3A_63, %mul3A_45] : memref<16x10000xf32, #tpu.memory_space<vmem_shared>> -> memref<16x640xf32, #tpu.memory_space<vmem_shared>>
        tpu.enqueue_dma source(%dma_start3A_64 : memref<16x640xf32, #tpu.memory_space<vmem_shared>>) target(%dma_start3A_62 : memref<16x640xf32, #tpu.memory_space<vmem>>) target_semaphore(%run_scoped3A : memref<!tpu.dma_semaphore, #tpu.memory_space<semaphore_mem>>)
        %dma_wait3A_65 = arith.constant 0 : i32
        %dma_wait3A_66 = arith.constant 0 : i32
        %dma_wait3A_67 = tpu.memref_slice %arg9[%dma_wait3A_65, %dma_wait3A_66] : memref<16x640xf32, #tpu.memory_space<vmem>> -> memref<16x640xf32, #tpu.memory_space<vmem>>
        %dma_wait3A_68 = arith.constant 0 : i32
        %dma_wait3A_69 = tpu.memref_slice %arg11[%dma_wait3A_68, %mul3A_45] : memref<16x10000xf32, #tpu.memory_space<vmem_shared>> -> memref<16x640xf32, #tpu.memory_space<vmem_shared>>
        %dma_wait3A_70 = arith.constant 0 : i32
        %dma_wait3A_71 = arith.constant 0 : i32
        %dma_wait3A_72 = tpu.memref_slice %arg9[%dma_wait3A_70, %dma_wait3A_71] : memref<16x640xf32, #tpu.memory_space<vmem>> -> memref<16x640xf32, #tpu.memory_space<vmem>>
        %dma_wait3A_73 = arith.constant 0 : i32
        %dma_wait3A_74 = tpu.memref_slice %arg11[%dma_wait3A_73, %mul3A_45] : memref<16x10000xf32, #tpu.memory_space<vmem_shared>> -> memref<16x640xf32, #tpu.memory_space<vmem_shared>>
        tpu.wait_dma2 semaphore(%run_scoped3A : memref<!tpu.dma_semaphore, #tpu.memory_space<semaphore_mem>>) src(%dma_wait3A_74 : memref<16x640xf32, #tpu.memory_space<vmem_shared>>) dst(%dma_wait3A_72 : memref<16x640xf32, #tpu.memory_space<vmem>>)
        tpu.yield
      }) : () -> ()
      %scan3A_46 = arith.constant 0 : i32
      %scan3A_47 = arith.constant 0 : i32
      %scan3A_48 = arith.constant 40 : i32
      %scan3A_49 = arith.addi %scan3A_47, %scan3A_48 : i32
      %scan3A_50 = arith.constant 1 : i32
      scf.for %scan3A_55 = %scan3A_47 to %scan3A_49 step %scan3A_50  : i32 {
        %mul3A_56 = arith.constant 16 : i32
        %mul3A_57 = arith.muli %scan3A_55, %mul3A_56 : i32
        %get3A = arith.constant 0 : i32
        %get3A_58 = arith.index_cast %get3A : i32 to index
        %get3A_59 = arith.index_cast %mul3A_57 : i32 to index
        %get3A_60 = tpu.vector_load %arg9[%get3A_58, %get3A_59] {strides = array<i32>} : memref<16x640xf32, #tpu.memory_space<vmem>>, vector<16xf32>,
        %mul3A_61 = arith.constant 16 : i32
        %mul3A_62 = arith.muli %scan3A_55, %mul3A_61 : i32
        %get3A_63 = arith.constant 1 : i32
        %get3A_64 = arith.index_cast %get3A_63 : i32 to index
        %get3A_65 = arith.index_cast %mul3A_62 : i32 to index
        %get3A_66 = tpu.vector_load %arg9[%get3A_64, %get3A_65] {strides = array<i32>} : memref<16x640xf32, #tpu.memory_space<vmem>>, vector<16xf32>,
        %add3A_67 = arith.addf %get3A_60, %get3A_66 : vector<16xf32>
        %mul3A_68 = arith.constant 16 : i32
        %mul3A_69 = arith.muli %scan3A_55, %mul3A_68 : i32
        %get3A_70 = arith.constant 2 : i32
        %get3A_71 = arith.index_cast %get3A_70 : i32 to index
        %get3A_72 = arith.index_cast %mul3A_69 : i32 to index
        %get3A_73 = tpu.vector_load %arg9[%get3A_71, %get3A_72] {strides = array<i32>} : memref<16x640xf32, #tpu.memory_space<vmem>>, vector<16xf32>,
        %add3A_74 = arith.addf %add3A_67, %get3A_73 : vector<16xf32>
        %mul3A_75 = arith.constant 16 : i32
        %mul3A_76 = arith.muli %scan3A_55, %mul3A_75 : i32
        %get3A_77 = arith.constant 3 : i32
        %get3A_78 = arith.index_cast %get3A_77 : i32 to index
        %get3A_79 = arith.index_cast %mul3A_76 : i32 to index
        %get3A_80 = tpu.vector_load %arg9[%get3A_78, %get3A_79] {strides = array<i32>} : memref<16x640xf32, #tpu.memory_space<vmem>>, vector<16xf32>,
        %add3A_81 = arith.addf %add3A_74, %get3A_80 : vector<16xf32>
        %mul3A_82 = arith.constant 16 : i32
        %mul3A_83 = arith.muli %scan3A_55, %mul3A_82 : i32
        %get3A_84 = arith.constant 4 : i32
        %get3A_85 = arith.index_cast %get3A_84 : i32 to index
        %get3A_86 = arith.index_cast %mul3A_83 : i32 to index
        %get3A_87 = tpu.vector_load %arg9[%get3A_85, %get3A_86] {strides = array<i32>} : memref<16x640xf32, #tpu.memory_space<vmem>>, vector<16xf32>,
        %add3A_88 = arith.addf %add3A_81, %get3A_87 : vector<16xf32>
        %mul3A_89 = arith.constant 16 : i32
        %mul3A_90 = arith.muli %scan3A_55, %mul3A_89 : i32
        %get3A_91 = arith.constant 5 : i32
        %get3A_92 = arith.index_cast %get3A_91 : i32 to index
        %get3A_93 = arith.index_cast %mul3A_90 : i32 to index
        %get3A_94 = tpu.vector_load %arg9[%get3A_92, %get3A_93] {strides = array<i32>} : memref<16x640xf32, #tpu.memory_space<vmem>>, vector<16xf32>,
        %add3A_95 = arith.addf %add3A_88, %get3A_94 : vector<16xf32>
        %mul3A_96 = arith.constant 16 : i32
        %mul3A_97 = arith.muli %scan3A_55, %mul3A_96 : i32
        %get3A_98 = arith.constant 6 : i32
        %get3A_99 = arith.index_cast %get3A_98 : i32 to index
        %get3A_100 = arith.index_cast %mul3A_97 : i32 to index
        %get3A_101 = tpu.vector_load %arg9[%get3A_99, %get3A_100] {strides = array<i32>} : memref<16x640xf32, #tpu.memory_space<vmem>>, vector<16xf32>,
        %add3A_102 = arith.addf %add3A_95, %get3A_101 : vector<16xf32>
        %mul3A_103 = arith.constant 16 : i32
        %mul3A_104 = arith.muli %scan3A_55, %mul3A_103 : i32
        %get3A_105 = arith.constant 7 : i32
        %get3A_106 = arith.index_cast %get3A_105 : i32 to index
        %get3A_107 = arith.index_cast %mul3A_104 : i32 to index
        %get3A_108 = tpu.vector_load %arg9[%get3A_106, %get3A_107] {strides = array<i32>} : memref<16x640xf32, #tpu.memory_space<vmem>>, vector<16xf32>,
        %add3A_109 = arith.addf %add3A_102, %get3A_108 : vector<16xf32>
        %mul3A_110 = arith.constant 16 : i32
        %mul3A_111 = arith.muli %scan3A_55, %mul3A_110 : i32
        %get3A_112 = arith.constant 8 : i32
        %get3A_113 = arith.index_cast %get3A_112 : i32 to index
        %get3A_114 = arith.index_cast %mul3A_111 : i32 to index
        %get3A_115 = tpu.vector_load %arg9[%get3A_113, %get3A_114] {strides = array<i32>} : memref<16x640xf32, #tpu.memory_space<vmem>>, vector<16xf32>,
        %add3A_116 = arith.addf %add3A_109, %get3A_115 : vector<16xf32>
        %mul3A_117 = arith.constant 16 : i32
        %mul3A_118 = arith.muli %scan3A_55, %mul3A_117 : i32
        %get3A_119 = arith.constant 9 : i32
        %get3A_120 = arith.index_cast %get3A_119 : i32 to index
        %get3A_121 = arith.index_cast %mul3A_118 : i32 to index
        %get3A_122 = tpu.vector_load %arg9[%get3A_120, %get3A_121] {strides = array<i32>} : memref<16x640xf32, #tpu.memory_space<vmem>>, vector<16xf32>,
        %add3A_123 = arith.addf %add3A_116, %get3A_122 : vector<16xf32>
        %mul3A_124 = arith.constant 16 : i32
        %mul3A_125 = arith.muli %scan3A_55, %mul3A_124 : i32
        %get3A_126 = arith.constant 10 : i32
        %get3A_127 = arith.index_cast %get3A_126 : i32 to index
        %get3A_128 = arith.index_cast %mul3A_125 : i32 to index
        %get3A_129 = tpu.vector_load %arg9[%get3A_127, %get3A_128] {strides = array<i32>} : memref<16x640xf32, #tpu.memory_space<vmem>>, vector<16xf32>,
        %add3A_130 = arith.addf %add3A_123, %get3A_129 : vector<16xf32>
        %mul3A_131 = arith.constant 16 : i32
        %mul3A_132 = arith.muli %scan3A_55, %mul3A_131 : i32
        %get3A_133 = arith.constant 11 : i32
        %get3A_134 = arith.index_cast %get3A_133 : i32 to index
        %get3A_135 = arith.index_cast %mul3A_132 : i32 to index
        %get3A_136 = tpu.vector_load %arg9[%get3A_134, %get3A_135] {strides = array<i32>} : memref<16x640xf32, #tpu.memory_space<vmem>>, vector<16xf32>,
        %add3A_137 = arith.addf %add3A_130, %get3A_136 : vector<16xf32>
        %mul3A_138 = arith.constant 16 : i32
        %mul3A_139 = arith.muli %scan3A_55, %mul3A_138 : i32
        %get3A_140 = arith.constant 12 : i32
        %get3A_141 = arith.index_cast %get3A_140 : i32 to index
        %get3A_142 = arith.index_cast %mul3A_139 : i32 to index
        %get3A_143 = tpu.vector_load %arg9[%get3A_141, %get3A_142] {strides = array<i32>} : memref<16x640xf32, #tpu.memory_space<vmem>>, vector<16xf32>,
        %add3A_144 = arith.addf %add3A_137, %get3A_143 : vector<16xf32>
        %mul3A_145 = arith.constant 16 : i32
        %mul3A_146 = arith.muli %scan3A_55, %mul3A_145 : i32
        %get3A_147 = arith.constant 13 : i32
        %get3A_148 = arith.index_cast %get3A_147 : i32 to index
        %get3A_149 = arith.index_cast %mul3A_146 : i32 to index
        %get3A_150 = tpu.vector_load %arg9[%get3A_148, %get3A_149] {strides = array<i32>} : memref<16x640xf32, #tpu.memory_space<vmem>>, vector<16xf32>,
        %add3A_151 = arith.addf %add3A_144, %get3A_150 : vector<16xf32>
        %mul3A_152 = arith.constant 16 : i32
        %mul3A_153 = arith.muli %scan3A_55, %mul3A_152 : i32
        %get3A_154 = arith.constant 14 : i32
        %get3A_155 = arith.index_cast %get3A_154 : i32 to index
        %get3A_156 = arith.index_cast %mul3A_153 : i32 to index
        %get3A_157 = tpu.vector_load %arg9[%get3A_155, %get3A_156] {strides = array<i32>} : memref<16x640xf32, #tpu.memory_space<vmem>>, vector<16xf32>,
        %add3A_158 = arith.addf %add3A_151, %get3A_157 : vector<16xf32>
        %mul3A_159 = arith.constant 16 : i32
        %mul3A_160 = arith.muli %scan3A_55, %mul3A_159 : i32
        %get3A_161 = arith.constant 15 : i32
        %get3A_162 = arith.index_cast %get3A_161 : i32 to index
        %get3A_163 = arith.index_cast %mul3A_160 : i32 to index
        %get3A_164 = tpu.vector_load %arg9[%get3A_162, %get3A_163] {strides = array<i32>} : memref<16x640xf32, #tpu.memory_space<vmem>>, vector<16xf32>,
        %add3A_165 = arith.addf %add3A_158, %get3A_164 : vector<16xf32>
        %mul3A_166 = arith.constant 16 : i32
        %mul3A_167 = arith.muli %scan3A_55, %mul3A_166 : i32
        %swap3A = arith.index_cast %mul3A_167 : i32 to index
        %swap3A_168 = tpu.vector_load %arg10[%swap3A] {strides = array<i32>} : memref<640xf32, #tpu.memory_space<vmem>>, vector<16xf32>,
        tpu.vector_store %arg10[%swap3A], %add3A_165 {strides = array<i32>} : memref<640xf32, #tpu.memory_space<vmem>>, vector<16xf32>,
      }
      %scan3A_51 = arith.constant 40 : i32
      %mul3A_52 = arith.constant 10000 : i32
      %mul3A_53 = arith.muli %arg0, %mul3A_52 : i32
      %add3A_54 = arith.addi %mul3A_53, %mul3A_45 : i32
      "tpu.region"() ({
        %run_scoped3A = tpu.sem_alloc : memref<!tpu.dma_semaphore, #tpu.memory_space<semaphore_mem>>
        %dma_start3A_55 = arith.constant 0 : i32
        %dma_start3A_56 = tpu.memref_slice %arg10[%dma_start3A_55] : memref<640xf32, #tpu.memory_space<vmem>> -> memref<640xf32, #tpu.memory_space<vmem>>
        %dma_start3A_57 = tpu.memref_slice %arg4[%add3A_54] : memref<20000xf32, #tpu.memory_space<hbm>> -> memref<640xf32, #tpu.memory_space<hbm>>
        %dma_start3A_58 = tpu.memref_slice %arg4[%add3A_54] : memref<20000xf32, #tpu.memory_space<hbm>> -> memref<640xf32, #tpu.memory_space<hbm>>
        %dma_start3A_59 = arith.constant 0 : i32
        %dma_start3A_60 = tpu.memref_slice %arg10[%dma_start3A_59] : memref<640xf32, #tpu.memory_space<vmem>> -> memref<640xf32, #tpu.memory_space<vmem>>
        tpu.enqueue_dma source(%dma_start3A_60 : memref<640xf32, #tpu.memory_space<vmem>>) target(%dma_start3A_58 : memref<640xf32, #tpu.memory_space<hbm>>) target_semaphore(%run_scoped3A : memref<!tpu.dma_semaphore, #tpu.memory_space<semaphore_mem>>)
        %dma_wait3A_61 = arith.constant 0 : i32
        %dma_wait3A_62 = tpu.memref_slice %arg10[%dma_wait3A_61] : memref<640xf32, #tpu.memory_space<vmem>> -> memref<640xf32, #tpu.memory_space<vmem>>
        %dma_wait3A_63 = tpu.memref_slice %arg4[%add3A_54] : memref<20000xf32, #tpu.memory_space<hbm>> -> memref<640xf32, #tpu.memory_space<hbm>>
        %dma_wait3A_64 = tpu.memref_slice %arg4[%add3A_54] : memref<20000xf32, #tpu.memory_space<hbm>> -> memref<640xf32, #tpu.memory_space<hbm>>
        %dma_wait3A_65 = arith.constant 0 : i32
        %dma_wait3A_66 = tpu.memref_slice %arg10[%dma_wait3A_65] : memref<640xf32, #tpu.memory_space<vmem>> -> memref<640xf32, #tpu.memory_space<vmem>>
        tpu.wait_dma2 semaphore(%run_scoped3A : memref<!tpu.dma_semaphore, #tpu.memory_space<semaphore_mem>>) src(%dma_wait3A_66 : memref<640xf32, #tpu.memory_space<vmem>>) dst(%dma_wait3A_64 : memref<640xf32, #tpu.memory_space<hbm>>)
        tpu.yield
      }) : () -> ()
    } else {
    }
    %eq3A = arith.constant 15 : i32
    %eq3A_40 = arith.cmpi eq, %arg1, %eq3A : i32
    %convert_element_type3A_41 = arith.extui %eq3A_40 : i1 to i32
    %cond3A_42 = arith.constant 0 : i32
    %cond3A_43 = arith.cmpi ne, %convert_element_type3A_41, %cond3A_42 : i32
    scf.if %cond3A_43 {
      "tpu.region"() ({
        %run_scoped3A = tpu.sem_alloc : memref<!tpu.dma_semaphore, #tpu.memory_space<semaphore_mem>>
        %dma_start3A_54 = arith.constant 0 : i32
        %dma_start3A_55 = arith.constant 0 : i32
        %dma_start3A_56 = tpu.memref_slice %arg9[%dma_start3A_54, %dma_start3A_55] : memref<16x640xf32, #tpu.memory_space<vmem>> -> memref<16x400xf32, #tpu.memory_space<vmem>>
        %dma_start3A_57 = arith.constant 0 : i32
        %dma_start3A_58 = arith.constant 9600 : i32
        %dma_start3A_59 = tpu.memref_slice %arg11[%dma_start3A_57, %dma_start3A_58] : memref<16x10000xf32, #tpu.memory_space<vmem_shared>> -> memref<16x400xf32, #tpu.memory_space<vmem_shared>>
        %dma_start3A_60 = arith.constant 0 : i32
        %dma_start3A_61 = arith.constant 0 : i32
        %dma_start3A_62 = tpu.memref_slice %arg9[%dma_start3A_60, %dma_start3A_61] : memref<16x640xf32, #tpu.memory_space<vmem>> -> memref<16x400xf32, #tpu.memory_space<vmem>>
        %dma_start3A_63 = arith.constant 0 : i32
        %dma_start3A_64 = arith.constant 9600 : i32
        %dma_start3A_65 = tpu.memref_slice %arg11[%dma_start3A_63, %dma_start3A_64] : memref<16x10000xf32, #tpu.memory_space<vmem_shared>> -> memref<16x400xf32, #tpu.memory_space<vmem_shared>>
        tpu.enqueue_dma source(%dma_start3A_65 : memref<16x400xf32, #tpu.memory_space<vmem_shared>>) target(%dma_start3A_62 : memref<16x400xf32, #tpu.memory_space<vmem>>) target_semaphore(%run_scoped3A : memref<!tpu.dma_semaphore, #tpu.memory_space<semaphore_mem>>)
        %dma_wait3A_66 = arith.constant 0 : i32
        %dma_wait3A_67 = arith.constant 0 : i32
        %dma_wait3A_68 = tpu.memref_slice %arg9[%dma_wait3A_66, %dma_wait3A_67] : memref<16x640xf32, #tpu.memory_space<vmem>> -> memref<16x400xf32, #tpu.memory_space<vmem>>
        %dma_wait3A_69 = arith.constant 0 : i32
        %dma_wait3A_70 = arith.constant 9600 : i32
        %dma_wait3A_71 = tpu.memref_slice %arg11[%dma_wait3A_69, %dma_wait3A_70] : memref<16x10000xf32, #tpu.memory_space<vmem_shared>> -> memref<16x400xf32, #tpu.memory_space<vmem_shared>>
        %dma_wait3A_72 = arith.constant 0 : i32
        %dma_wait3A_73 = arith.constant 0 : i32
        %dma_wait3A_74 = tpu.memref_slice %arg9[%dma_wait3A_72, %dma_wait3A_73] : memref<16x640xf32, #tpu.memory_space<vmem>> -> memref<16x400xf32, #tpu.memory_space<vmem>>
        %dma_wait3A_75 = arith.constant 0 : i32
        %dma_wait3A_76 = arith.constant 9600 : i32
        %dma_wait3A_77 = tpu.memref_slice %arg11[%dma_wait3A_75, %dma_wait3A_76] : memref<16x10000xf32, #tpu.memory_space<vmem_shared>> -> memref<16x400xf32, #tpu.memory_space<vmem_shared>>
        tpu.wait_dma2 semaphore(%run_scoped3A : memref<!tpu.dma_semaphore, #tpu.memory_space<semaphore_mem>>) src(%dma_wait3A_77 : memref<16x400xf32, #tpu.memory_space<vmem_shared>>) dst(%dma_wait3A_74 : memref<16x400xf32, #tpu.memory_space<vmem>>)
        tpu.yield
      }) : () -> ()
      %scan3A_44 = arith.constant 0 : i32
      %scan3A_45 = arith.constant 0 : i32
      %scan3A_46 = arith.constant 25 : i32
      %scan3A_47 = arith.addi %scan3A_45, %scan3A_46 : i32
      %scan3A_48 = arith.constant 1 : i32
      scf.for %scan3A_54 = %scan3A_45 to %scan3A_47 step %scan3A_48  : i32 {
        %mul3A_55 = arith.constant 16 : i32
        %mul3A_56 = arith.muli %scan3A_54, %mul3A_55 : i32
        %get3A = arith.constant 0 : i32
        %get3A_57 = arith.index_cast %get3A : i32 to index
        %get3A_58 = arith.index_cast %mul3A_56 : i32 to index
        %get3A_59 = tpu.vector_load %arg9[%get3A_57, %get3A_58] {strides = array<i32>} : memref<16x640xf32, #tpu.memory_space<vmem>>, vector<16xf32>,
        %mul3A_60 = arith.constant 16 : i32
        %mul3A_61 = arith.muli %scan3A_54, %mul3A_60 : i32
        %get3A_62 = arith.constant 1 : i32
        %get3A_63 = arith.index_cast %get3A_62 : i32 to index
        %get3A_64 = arith.index_cast %mul3A_61 : i32 to index
        %get3A_65 = tpu.vector_load %arg9[%get3A_63, %get3A_64] {strides = array<i32>} : memref<16x640xf32, #tpu.memory_space<vmem>>, vector<16xf32>,
        %add3A_66 = arith.addf %get3A_59, %get3A_65 : vector<16xf32>
        %mul3A_67 = arith.constant 16 : i32
        %mul3A_68 = arith.muli %scan3A_54, %mul3A_67 : i32
        %get3A_69 = arith.constant 2 : i32
        %get3A_70 = arith.index_cast %get3A_69 : i32 to index
        %get3A_71 = arith.index_cast %mul3A_68 : i32 to index
        %get3A_72 = tpu.vector_load %arg9[%get3A_70, %get3A_71] {strides = array<i32>} : memref<16x640xf32, #tpu.memory_space<vmem>>, vector<16xf32>,
        %add3A_73 = arith.addf %add3A_66, %get3A_72 : vector<16xf32>
        %mul3A_74 = arith.constant 16 : i32
        %mul3A_75 = arith.muli %scan3A_54, %mul3A_74 : i32
        %get3A_76 = arith.constant 3 : i32
        %get3A_77 = arith.index_cast %get3A_76 : i32 to index
        %get3A_78 = arith.index_cast %mul3A_75 : i32 to index
        %get3A_79 = tpu.vector_load %arg9[%get3A_77, %get3A_78] {strides = array<i32>} : memref<16x640xf32, #tpu.memory_space<vmem>>, vector<16xf32>,
        %add3A_80 = arith.addf %add3A_73, %get3A_79 : vector<16xf32>
        %mul3A_81 = arith.constant 16 : i32
        %mul3A_82 = arith.muli %scan3A_54, %mul3A_81 : i32
        %get3A_83 = arith.constant 4 : i32
        %get3A_84 = arith.index_cast %get3A_83 : i32 to index
        %get3A_85 = arith.index_cast %mul3A_82 : i32 to index
        %get3A_86 = tpu.vector_load %arg9[%get3A_84, %get3A_85] {strides = array<i32>} : memref<16x640xf32, #tpu.memory_space<vmem>>, vector<16xf32>,
        %add3A_87 = arith.addf %add3A_80, %get3A_86 : vector<16xf32>
        %mul3A_88 = arith.constant 16 : i32
        %mul3A_89 = arith.muli %scan3A_54, %mul3A_88 : i32
        %get3A_90 = arith.constant 5 : i32
        %get3A_91 = arith.index_cast %get3A_90 : i32 to index
        %get3A_92 = arith.index_cast %mul3A_89 : i32 to index
        %get3A_93 = tpu.vector_load %arg9[%get3A_91, %get3A_92] {strides = array<i32>} : memref<16x640xf32, #tpu.memory_space<vmem>>, vector<16xf32>,
        %add3A_94 = arith.addf %add3A_87, %get3A_93 : vector<16xf32>
        %mul3A_95 = arith.constant 16 : i32
        %mul3A_96 = arith.muli %scan3A_54, %mul3A_95 : i32
        %get3A_97 = arith.constant 6 : i32
        %get3A_98 = arith.index_cast %get3A_97 : i32 to index
        %get3A_99 = arith.index_cast %mul3A_96 : i32 to index
        %get3A_100 = tpu.vector_load %arg9[%get3A_98, %get3A_99] {strides = array<i32>} : memref<16x640xf32, #tpu.memory_space<vmem>>, vector<16xf32>,
        %add3A_101 = arith.addf %add3A_94, %get3A_100 : vector<16xf32>
        %mul3A_102 = arith.constant 16 : i32
        %mul3A_103 = arith.muli %scan3A_54, %mul3A_102 : i32
        %get3A_104 = arith.constant 7 : i32
        %get3A_105 = arith.index_cast %get3A_104 : i32 to index
        %get3A_106 = arith.index_cast %mul3A_103 : i32 to index
        %get3A_107 = tpu.vector_load %arg9[%get3A_105, %get3A_106] {strides = array<i32>} : memref<16x640xf32, #tpu.memory_space<vmem>>, vector<16xf32>,
        %add3A_108 = arith.addf %add3A_101, %get3A_107 : vector<16xf32>
        %mul3A_109 = arith.constant 16 : i32
        %mul3A_110 = arith.muli %scan3A_54, %mul3A_109 : i32
        %get3A_111 = arith.constant 8 : i32
        %get3A_112 = arith.index_cast %get3A_111 : i32 to index
        %get3A_113 = arith.index_cast %mul3A_110 : i32 to index
        %get3A_114 = tpu.vector_load %arg9[%get3A_112, %get3A_113] {strides = array<i32>} : memref<16x640xf32, #tpu.memory_space<vmem>>, vector<16xf32>,
        %add3A_115 = arith.addf %add3A_108, %get3A_114 : vector<16xf32>
        %mul3A_116 = arith.constant 16 : i32
        %mul3A_117 = arith.muli %scan3A_54, %mul3A_116 : i32
        %get3A_118 = arith.constant 9 : i32
        %get3A_119 = arith.index_cast %get3A_118 : i32 to index
        %get3A_120 = arith.index_cast %mul3A_117 : i32 to index
        %get3A_121 = tpu.vector_load %arg9[%get3A_119, %get3A_120] {strides = array<i32>} : memref<16x640xf32, #tpu.memory_space<vmem>>, vector<16xf32>,
        %add3A_122 = arith.addf %add3A_115, %get3A_121 : vector<16xf32>
        %mul3A_123 = arith.constant 16 : i32
        %mul3A_124 = arith.muli %scan3A_54, %mul3A_123 : i32
        %get3A_125 = arith.constant 10 : i32
        %get3A_126 = arith.index_cast %get3A_125 : i32 to index
        %get3A_127 = arith.index_cast %mul3A_124 : i32 to index
        %get3A_128 = tpu.vector_load %arg9[%get3A_126, %get3A_127] {strides = array<i32>} : memref<16x640xf32, #tpu.memory_space<vmem>>, vector<16xf32>,
        %add3A_129 = arith.addf %add3A_122, %get3A_128 : vector<16xf32>
        %mul3A_130 = arith.constant 16 : i32
        %mul3A_131 = arith.muli %scan3A_54, %mul3A_130 : i32
        %get3A_132 = arith.constant 11 : i32
        %get3A_133 = arith.index_cast %get3A_132 : i32 to index
        %get3A_134 = arith.index_cast %mul3A_131 : i32 to index
        %get3A_135 = tpu.vector_load %arg9[%get3A_133, %get3A_134] {strides = array<i32>} : memref<16x640xf32, #tpu.memory_space<vmem>>, vector<16xf32>,
        %add3A_136 = arith.addf %add3A_129, %get3A_135 : vector<16xf32>
        %mul3A_137 = arith.constant 16 : i32
        %mul3A_138 = arith.muli %scan3A_54, %mul3A_137 : i32
        %get3A_139 = arith.constant 12 : i32
        %get3A_140 = arith.index_cast %get3A_139 : i32 to index
        %get3A_141 = arith.index_cast %mul3A_138 : i32 to index
        %get3A_142 = tpu.vector_load %arg9[%get3A_140, %get3A_141] {strides = array<i32>} : memref<16x640xf32, #tpu.memory_space<vmem>>, vector<16xf32>,
        %add3A_143 = arith.addf %add3A_136, %get3A_142 : vector<16xf32>
        %mul3A_144 = arith.constant 16 : i32
        %mul3A_145 = arith.muli %scan3A_54, %mul3A_144 : i32
        %get3A_146 = arith.constant 13 : i32
        %get3A_147 = arith.index_cast %get3A_146 : i32 to index
        %get3A_148 = arith.index_cast %mul3A_145 : i32 to index
        %get3A_149 = tpu.vector_load %arg9[%get3A_147, %get3A_148] {strides = array<i32>} : memref<16x640xf32, #tpu.memory_space<vmem>>, vector<16xf32>,
        %add3A_150 = arith.addf %add3A_143, %get3A_149 : vector<16xf32>
        %mul3A_151 = arith.constant 16 : i32
        %mul3A_152 = arith.muli %scan3A_54, %mul3A_151 : i32
        %get3A_153 = arith.constant 14 : i32
        %get3A_154 = arith.index_cast %get3A_153 : i32 to index
        %get3A_155 = arith.index_cast %mul3A_152 : i32 to index
        %get3A_156 = tpu.vector_load %arg9[%get3A_154, %get3A_155] {strides = array<i32>} : memref<16x640xf32, #tpu.memory_space<vmem>>, vector<16xf32>,
        %add3A_157 = arith.addf %add3A_150, %get3A_156 : vector<16xf32>
        %mul3A_158 = arith.constant 16 : i32
        %mul3A_159 = arith.muli %scan3A_54, %mul3A_158 : i32
        %get3A_160 = arith.constant 15 : i32
        %get3A_161 = arith.index_cast %get3A_160 : i32 to index
        %get3A_162 = arith.index_cast %mul3A_159 : i32 to index
        %get3A_163 = tpu.vector_load %arg9[%get3A_161, %get3A_162] {strides = array<i32>} : memref<16x640xf32, #tpu.memory_space<vmem>>, vector<16xf32>,
        %add3A_164 = arith.addf %add3A_157, %get3A_163 : vector<16xf32>
        %mul3A_165 = arith.constant 16 : i32
        %mul3A_166 = arith.muli %scan3A_54, %mul3A_165 : i32
        %swap3A = arith.index_cast %mul3A_166 : i32 to index
        %swap3A_167 = tpu.vector_load %arg10[%swap3A] {strides = array<i32>} : memref<640xf32, #tpu.memory_space<vmem>>, vector<16xf32>,
        tpu.vector_store %arg10[%swap3A], %add3A_164 {strides = array<i32>} : memref<640xf32, #tpu.memory_space<vmem>>, vector<16xf32>,
      }
      %scan3A_49 = arith.constant 25 : i32
      %mul3A_50 = arith.constant 10000 : i32
      %mul3A_51 = arith.muli %arg0, %mul3A_50 : i32
      %add3A_52 = arith.constant 9600 : i32
      %add3A_53 = arith.addi %mul3A_51, %add3A_52 : i32
      "tpu.region"() ({
        %run_scoped3A = tpu.sem_alloc : memref<!tpu.dma_semaphore, #tpu.memory_space<semaphore_mem>>
        %dma_start3A_54 = arith.constant 0 : i32
        %dma_start3A_55 = tpu.memref_slice %arg10[%dma_start3A_54] : memref<640xf32, #tpu.memory_space<vmem>> -> memref<400xf32, #tpu.memory_space<vmem>>
        %dma_start3A_56 = tpu.memref_slice %arg4[%add3A_53] : memref<20000xf32, #tpu.memory_space<hbm>> -> memref<400xf32, #tpu.memory_space<hbm>>
        %dma_start3A_57 = tpu.memref_slice %arg4[%add3A_53] : memref<20000xf32, #tpu.memory_space<hbm>> -> memref<400xf32, #tpu.memory_space<hbm>>
        %dma_start3A_58 = arith.constant 0 : i32
        %dma_start3A_59 = tpu.memref_slice %arg10[%dma_start3A_58] : memref<640xf32, #tpu.memory_space<vmem>> -> memref<400xf32, #tpu.memory_space<vmem>>
        tpu.enqueue_dma source(%dma_start3A_59 : memref<400xf32, #tpu.memory_space<vmem>>) target(%dma_start3A_57 : memref<400xf32, #tpu.memory_space<hbm>>) target_semaphore(%run_scoped3A : memref<!tpu.dma_semaphore, #tpu.memory_space<semaphore_mem>>)
        %dma_wait3A_60 = arith.constant 0 : i32
        %dma_wait3A_61 = tpu.memref_slice %arg10[%dma_wait3A_60] : memref<640xf32, #tpu.memory_space<vmem>> -> memref<400xf32, #tpu.memory_space<vmem>>
        %dma_wait3A_62 = tpu.memref_slice %arg4[%add3A_53] : memref<20000xf32, #tpu.memory_space<hbm>> -> memref<400xf32, #tpu.memory_space<hbm>>
        %dma_wait3A_63 = tpu.memref_slice %arg4[%add3A_53] : memref<20000xf32, #tpu.memory_space<hbm>> -> memref<400xf32, #tpu.memory_space<hbm>>
        %dma_wait3A_64 = arith.constant 0 : i32
        %dma_wait3A_65 = tpu.memref_slice %arg10[%dma_wait3A_64] : memref<640xf32, #tpu.memory_space<vmem>> -> memref<400xf32, #tpu.memory_space<vmem>>
        tpu.wait_dma2 semaphore(%run_scoped3A : memref<!tpu.dma_semaphore, #tpu.memory_space<semaphore_mem>>) src(%dma_wait3A_65 : memref<400xf32, #tpu.memory_space<vmem>>) dst(%dma_wait3A_63 : memref<400xf32, #tpu.memory_space<hbm>>)
        tpu.yield
      }) : () -> ()
    } else {
    }
    return
  }
}

#map = affine_map<(d0, d1) -> (0, 0, 0)>
#map1 = affine_map<(d0, d1) -> (0)>
module attributes {stable_mosaic.version = 14 : i64} {
  func.func @_deg_sc(%arg0: i32, %arg1: i32, %arg2: memref<2x32x10000xi32, #tpu.memory_space<hbm>>, %arg3: memref<20000xf32, #tpu.memory_space<hbm>>, %arg4: memref<10000xi32, #tpu.memory_space<vmem>>, %arg5: memref<10000xf32, #tpu.memory_space<vmem>>, %arg6: memref<16x640xf32, #tpu.memory_space<vmem>>, %arg7: memref<640xf32, #tpu.memory_space<vmem>>, %arg8: memref<16x10000xf32, #tpu.memory_space<vmem_shared>>, %arg9: memref<!tpu.dma_semaphore, #tpu.memory_space<semaphore_mem>>) attributes {dimension_semantics = [#tpu.dimension_semantics<core_parallel>, #tpu.dimension_semantics<subcore_parallel>], iteration_bounds = array<i64: 2, 16>, scalar_prefetch = 0 : i64, scratch_operands = 6 : i64, tpu.core_type = #tpu.core_type<sc_vector_subcore>, window_params = [{transform_indices = #map}, {transform_indices = #map1}]} {
    %mul3A = arith.constant 16 : i32
    %mul3A_0 = arith.muli %arg0, %mul3A : i32
    %add3A = arith.addi %mul3A_0, %arg1 : i32
    %dma_start3A = arith.constant 1 : i32
    %dma_start3A_1 = arith.constant 0 : i32
    %dma_start3A_2 = tpu.memref_slice %arg2[%dma_start3A, %add3A, %dma_start3A_1] : memref<2x32x10000xi32, #tpu.memory_space<hbm>> -> memref<1x1x10000xi32, #tpu.memory_space<hbm>>
    %dma_start3A_3 = tpu.memref_squeeze %dma_start3A_2 : memref<1x1x10000xi32, #tpu.memory_space<hbm>> -> memref<10000xi32, #tpu.memory_space<hbm>>
    %dma_start3A_4 = arith.constant 0 : i32
    %dma_start3A_5 = tpu.memref_slice %arg2[%dma_start3A, %add3A, %dma_start3A_4] : memref<2x32x10000xi32, #tpu.memory_space<hbm>> -> memref<1x1x10000xi32, #tpu.memory_space<hbm>>
    %dma_start3A_6 = tpu.memref_squeeze %dma_start3A_5 : memref<1x1x10000xi32, #tpu.memory_space<hbm>> -> memref<10000xi32, #tpu.memory_space<hbm>>
    tpu.enqueue_dma source(%dma_start3A_6 : memref<10000xi32, #tpu.memory_space<hbm>>) target(%arg4 : memref<10000xi32, #tpu.memory_space<vmem>>) target_semaphore(%arg9 : memref<!tpu.dma_semaphore, #tpu.memory_space<semaphore_mem>>)
    %scan3A = arith.constant 0 : i32
    %scan3A_7 = arith.constant 0 : i32
    %scan3A_8 = arith.constant 625 : i32
    %scan3A_9 = arith.addi %scan3A_7, %scan3A_8 : i32
    %scan3A_10 = arith.constant 1 : i32
    scf.for %scan3A_31 = %scan3A_7 to %scan3A_9 step %scan3A_10  : i32 {
      %broadcast_in_dim3A_32 = arith.constant 0.000000e+00 : f32
      %broadcast_in_dim3A_33 = vector.broadcast %broadcast_in_dim3A_32 : f32 to vector<16xf32>
      %mul3A_34 = arith.constant 16 : i32
      %mul3A_35 = arith.muli %scan3A_31, %mul3A_34 : i32
      %swap3A = arith.index_cast %mul3A_35 : i32 to index
      %swap3A_36 = tpu.vector_load %arg5[%swap3A] {strides = array<i32>} : memref<10000xf32, #tpu.memory_space<vmem>>, vector<16xf32>,
      tpu.vector_store %arg5[%swap3A], %broadcast_in_dim3A_33 {strides = array<i32>} : memref<10000xf32, #tpu.memory_space<vmem>>, vector<16xf32>,
    }
    %scan3A_11 = arith.constant 625 : i32
    %dma_wait3A = arith.constant 1 : i32
    %dma_wait3A_12 = arith.constant 0 : i32
    %dma_wait3A_13 = tpu.memref_slice %arg2[%dma_wait3A, %add3A, %dma_wait3A_12] : memref<2x32x10000xi32, #tpu.memory_space<hbm>> -> memref<1x1x10000xi32, #tpu.memory_space<hbm>>
    %dma_wait3A_14 = tpu.memref_squeeze %dma_wait3A_13 : memref<1x1x10000xi32, #tpu.memory_space<hbm>> -> memref<10000xi32, #tpu.memory_space<hbm>>
    %dma_wait3A_15 = arith.constant 0 : i32
    %dma_wait3A_16 = tpu.memref_slice %arg2[%dma_wait3A, %add3A, %dma_wait3A_15] : memref<2x32x10000xi32, #tpu.memory_space<hbm>> -> memref<1x1x10000xi32, #tpu.memory_space<hbm>>
    %dma_wait3A_17 = tpu.memref_squeeze %dma_wait3A_16 : memref<1x1x10000xi32, #tpu.memory_space<hbm>> -> memref<10000xi32, #tpu.memory_space<hbm>>
    tpu.wait_dma2 semaphore(%arg9 : memref<!tpu.dma_semaphore, #tpu.memory_space<semaphore_mem>>) src(%dma_wait3A_17 : memref<10000xi32, #tpu.memory_space<hbm>>) dst(%arg4 : memref<10000xi32, #tpu.memory_space<vmem>>)
    %broadcast_in_dim3A = arith.constant 1.000000e+00 : f32
    %broadcast_in_dim3A_18 = vector.broadcast %broadcast_in_dim3A : f32 to vector<16xf32>
    %scan3A_19 = arith.constant 0 : i32
    %scan3A_20 = arith.constant 0 : i32
    %scan3A_21 = arith.constant 125 : i32
    %scan3A_22 = arith.addi %scan3A_20, %scan3A_21 : i32
    %scan3A_23 = arith.constant 1 : i32
    scf.for %scan3A_31 = %scan3A_20 to %scan3A_22 step %scan3A_23  : i32 {
      %mul3A_32 = arith.constant 5 : i32
      %mul3A_33 = arith.muli %scan3A_31, %mul3A_32 : i32
      %add3A_34 = arith.constant 0 : i32
      %add3A_35 = arith.addi %mul3A_33, %add3A_34 : i32
      %mul3A_36 = arith.constant 16 : i32
      %mul3A_37 = arith.muli %add3A_35, %mul3A_36 : i32
      %get3A = arith.index_cast %mul3A_37 : i32 to index
      %get3A_38 = tpu.vector_load %arg4[%get3A] {strides = array<i32>} : memref<10000xi32, #tpu.memory_space<vmem>>, vector<16xi32>,
      tpu.vector_store_idx %arg5[%get3A_38], %broadcast_in_dim3A_18 {add = true} : memref<10000xf32, #tpu.memory_space<vmem>>[vector<16xi32>], vector<16xf32>,
      %mul3A_39 = arith.constant 5 : i32
      %mul3A_40 = arith.muli %scan3A_31, %mul3A_39 : i32
      %add3A_41 = arith.constant 1 : i32
      %add3A_42 = arith.addi %mul3A_40, %add3A_41 : i32
      %mul3A_43 = arith.constant 16 : i32
      %mul3A_44 = arith.muli %add3A_42, %mul3A_43 : i32
      %get3A_45 = arith.index_cast %mul3A_44 : i32 to index
      %get3A_46 = tpu.vector_load %arg4[%get3A_45] {strides = array<i32>} : memref<10000xi32, #tpu.memory_space<vmem>>, vector<16xi32>,
      tpu.vector_store_idx %arg5[%get3A_46], %broadcast_in_dim3A_18 {add = true} : memref<10000xf32, #tpu.memory_space<vmem>>[vector<16xi32>], vector<16xf32>,
      %mul3A_47 = arith.constant 5 : i32
      %mul3A_48 = arith.muli %scan3A_31, %mul3A_47 : i32
      %add3A_49 = arith.constant 2 : i32
      %add3A_50 = arith.addi %mul3A_48, %add3A_49 : i32
      %mul3A_51 = arith.constant 16 : i32
      %mul3A_52 = arith.muli %add3A_50, %mul3A_51 : i32
      %get3A_53 = arith.index_cast %mul3A_52 : i32 to index
      %get3A_54 = tpu.vector_load %arg4[%get3A_53] {strides = array<i32>} : memref<10000xi32, #tpu.memory_space<vmem>>, vector<16xi32>,
      tpu.vector_store_idx %arg5[%get3A_54], %broadcast_in_dim3A_18 {add = true} : memref<10000xf32, #tpu.memory_space<vmem>>[vector<16xi32>], vector<16xf32>,
      %mul3A_55 = arith.constant 5 : i32
      %mul3A_56 = arith.muli %scan3A_31, %mul3A_55 : i32
      %add3A_57 = arith.constant 3 : i32
      %add3A_58 = arith.addi %mul3A_56, %add3A_57 : i32
      %mul3A_59 = arith.constant 16 : i32
      %mul3A_60 = arith.muli %add3A_58, %mul3A_59 : i32
      %get3A_61 = arith.index_cast %mul3A_60 : i32 to index
      %get3A_62 = tpu.vector_load %arg4[%get3A_61] {strides = array<i32>} : memref<10000xi32, #tpu.memory_space<vmem>>, vector<16xi32>,
      tpu.vector_store_idx %arg5[%get3A_62], %broadcast_in_dim3A_18 {add = true} : memref<10000xf32, #tpu.memory_space<vmem>>[vector<16xi32>], vector<16xf32>,
      %mul3A_63 = arith.constant 5 : i32
      %mul3A_64 = arith.muli %scan3A_31, %mul3A_63 : i32
      %add3A_65 = arith.constant 4 : i32
      %add3A_66 = arith.addi %mul3A_64, %add3A_65 : i32
      %mul3A_67 = arith.constant 16 : i32
      %mul3A_68 = arith.muli %add3A_66, %mul3A_67 : i32
      %get3A_69 = arith.index_cast %mul3A_68 : i32 to index
      %get3A_70 = tpu.vector_load %arg4[%get3A_69] {strides = array<i32>} : memref<10000xi32, #tpu.memory_space<vmem>>, vector<16xi32>,
      tpu.vector_store_idx %arg5[%get3A_70], %broadcast_in_dim3A_18 {add = true} : memref<10000xf32, #tpu.memory_space<vmem>>[vector<16xi32>], vector<16xf32>,
    }
    %scan3A_24 = arith.constant 125 : i32
    "tpu.region"() ({
      %run_scoped3A = tpu.sem_alloc : memref<!tpu.dma_semaphore, #tpu.memory_space<semaphore_mem>>
      %dma_start3A_31 = arith.constant 0 : i32
      %dma_start3A_32 = tpu.memref_slice %arg8[%arg1, %dma_start3A_31] : memref<16x10000xf32, #tpu.memory_space<vmem_shared>> -> memref<1x10000xf32, #tpu.memory_space<vmem_shared>>
      %dma_start3A_33 = tpu.memref_squeeze %dma_start3A_32 : memref<1x10000xf32, #tpu.memory_space<vmem_shared>> -> memref<10000xf32, #tpu.memory_space<vmem_shared>>
      %dma_start3A_34 = arith.constant 0 : i32
      %dma_start3A_35 = tpu.memref_slice %arg8[%arg1, %dma_start3A_34] : memref<16x10000xf32, #tpu.memory_space<vmem_shared>> -> memref<1x10000xf32, #tpu.memory_space<vmem_shared>>
      %dma_start3A_36 = tpu.memref_squeeze %dma_start3A_35 : memref<1x10000xf32, #tpu.memory_space<vmem_shared>> -> memref<10000xf32, #tpu.memory_space<vmem_shared>>
      tpu.enqueue_dma source(%arg5 : memref<10000xf32, #tpu.memory_space<vmem>>) target(%dma_start3A_36 : memref<10000xf32, #tpu.memory_space<vmem_shared>>) target_semaphore(%run_scoped3A : memref<!tpu.dma_semaphore, #tpu.memory_space<semaphore_mem>>)
      %dma_wait3A_37 = arith.constant 0 : i32
      %dma_wait3A_38 = tpu.memref_slice %arg8[%arg1, %dma_wait3A_37] : memref<16x10000xf32, #tpu.memory_space<vmem_shared>> -> memref<1x10000xf32, #tpu.memory_space<vmem_shared>>
      %dma_wait3A_39 = tpu.memref_squeeze %dma_wait3A_38 : memref<1x10000xf32, #tpu.memory_space<vmem_shared>> -> memref<10000xf32, #tpu.memory_space<vmem_shared>>
      %dma_wait3A_40 = arith.constant 0 : i32
      %dma_wait3A_41 = tpu.memref_slice %arg8[%arg1, %dma_wait3A_40] : memref<16x10000xf32, #tpu.memory_space<vmem_shared>> -> memref<1x10000xf32, #tpu.memory_space<vmem_shared>>
      %dma_wait3A_42 = tpu.memref_squeeze %dma_wait3A_41 : memref<1x10000xf32, #tpu.memory_space<vmem_shared>> -> memref<10000xf32, #tpu.memory_space<vmem_shared>>
      tpu.wait_dma2 semaphore(%run_scoped3A : memref<!tpu.dma_semaphore, #tpu.memory_space<semaphore_mem>>) src(%arg5 : memref<10000xf32, #tpu.memory_space<vmem>>) dst(%dma_wait3A_42 : memref<10000xf32, #tpu.memory_space<vmem_shared>>)
      tpu.yield
    }) : () -> ()
    %barrier3A = arith.constant 0 : index
    tpu.barrier barrier_id(%barrier3A)
    %lt3A = arith.constant 15 : i32
    %lt3A_25 = arith.cmpi slt, %arg1, %lt3A : i32
    %convert_element_type3A = arith.extui %lt3A_25 : i1 to i32
    %cond3A = arith.constant 0 : i32
    %cond3A_26 = arith.cmpi ne, %convert_element_type3A, %cond3A : i32
    scf.if %cond3A_26 {
      %mul3A_31 = arith.constant 640 : i32
      %mul3A_32 = arith.muli %arg1, %mul3A_31 : i32
      "tpu.region"() ({
        %run_scoped3A = tpu.sem_alloc : memref<!tpu.dma_semaphore, #tpu.memory_space<semaphore_mem>>
        %dma_start3A_42 = arith.constant 0 : i32
        %dma_start3A_43 = arith.constant 0 : i32
        %dma_start3A_44 = tpu.memref_slice %arg6[%dma_start3A_42, %dma_start3A_43] : memref<16x640xf32, #tpu.memory_space<vmem>> -> memref<16x640xf32, #tpu.memory_space<vmem>>
        %dma_start3A_45 = arith.constant 0 : i32
        %dma_start3A_46 = tpu.memref_slice %arg8[%dma_start3A_45, %mul3A_32] : memref<16x10000xf32, #tpu.memory_space<vmem_shared>> -> memref<16x640xf32, #tpu.memory_space<vmem_shared>>
        %dma_start3A_47 = arith.constant 0 : i32
        %dma_start3A_48 = arith.constant 0 : i32
        %dma_start3A_49 = tpu.memref_slice %arg6[%dma_start3A_47, %dma_start3A_48] : memref<16x640xf32, #tpu.memory_space<vmem>> -> memref<16x640xf32, #tpu.memory_space<vmem>>
        %dma_start3A_50 = arith.constant 0 : i32
        %dma_start3A_51 = tpu.memref_slice %arg8[%dma_start3A_50, %mul3A_32] : memref<16x10000xf32, #tpu.memory_space<vmem_shared>> -> memref<16x640xf32, #tpu.memory_space<vmem_shared>>
        tpu.enqueue_dma source(%dma_start3A_51 : memref<16x640xf32, #tpu.memory_space<vmem_shared>>) target(%dma_start3A_49 : memref<16x640xf32, #tpu.memory_space<vmem>>) target_semaphore(%run_scoped3A : memref<!tpu.dma_semaphore, #tpu.memory_space<semaphore_mem>>)
        %dma_wait3A_52 = arith.constant 0 : i32
        %dma_wait3A_53 = arith.constant 0 : i32
        %dma_wait3A_54 = tpu.memref_slice %arg6[%dma_wait3A_52, %dma_wait3A_53] : memref<16x640xf32, #tpu.memory_space<vmem>> -> memref<16x640xf32, #tpu.memory_space<vmem>>
        %dma_wait3A_55 = arith.constant 0 : i32
        %dma_wait3A_56 = tpu.memref_slice %arg8[%dma_wait3A_55, %mul3A_32] : memref<16x10000xf32, #tpu.memory_space<vmem_shared>> -> memref<16x640xf32, #tpu.memory_space<vmem_shared>>
        %dma_wait3A_57 = arith.constant 0 : i32
        %dma_wait3A_58 = arith.constant 0 : i32
        %dma_wait3A_59 = tpu.memref_slice %arg6[%dma_wait3A_57, %dma_wait3A_58] : memref<16x640xf32, #tpu.memory_space<vmem>> -> memref<16x640xf32, #tpu.memory_space<vmem>>
        %dma_wait3A_60 = arith.constant 0 : i32
        %dma_wait3A_61 = tpu.memref_slice %arg8[%dma_wait3A_60, %mul3A_32] : memref<16x10000xf32, #tpu.memory_space<vmem_shared>> -> memref<16x640xf32, #tpu.memory_space<vmem_shared>>
        tpu.wait_dma2 semaphore(%run_scoped3A : memref<!tpu.dma_semaphore, #tpu.memory_space<semaphore_mem>>) src(%dma_wait3A_61 : memref<16x640xf32, #tpu.memory_space<vmem_shared>>) dst(%dma_wait3A_59 : memref<16x640xf32, #tpu.memory_space<vmem>>)
        tpu.yield
      }) : () -> ()
      %scan3A_33 = arith.constant 0 : i32
      %scan3A_34 = arith.constant 0 : i32
      %scan3A_35 = arith.constant 40 : i32
      %scan3A_36 = arith.addi %scan3A_34, %scan3A_35 : i32
      %scan3A_37 = arith.constant 1 : i32
      scf.for %scan3A_42 = %scan3A_34 to %scan3A_36 step %scan3A_37  : i32 {
        %mul3A_43 = arith.constant 16 : i32
        %mul3A_44 = arith.muli %scan3A_42, %mul3A_43 : i32
        %get3A = arith.constant 0 : i32
        %get3A_45 = arith.index_cast %get3A : i32 to index
        %get3A_46 = arith.index_cast %mul3A_44 : i32 to index
        %get3A_47 = tpu.vector_load %arg6[%get3A_45, %get3A_46] {strides = array<i32>} : memref<16x640xf32, #tpu.memory_space<vmem>>, vector<16xf32>,
        %mul3A_48 = arith.constant 16 : i32
        %mul3A_49 = arith.muli %scan3A_42, %mul3A_48 : i32
        %get3A_50 = arith.constant 1 : i32
        %get3A_51 = arith.index_cast %get3A_50 : i32 to index
        %get3A_52 = arith.index_cast %mul3A_49 : i32 to index
        %get3A_53 = tpu.vector_load %arg6[%get3A_51, %get3A_52] {strides = array<i32>} : memref<16x640xf32, #tpu.memory_space<vmem>>, vector<16xf32>,
        %add3A_54 = arith.addf %get3A_47, %get3A_53 : vector<16xf32>
        %mul3A_55 = arith.constant 16 : i32
        %mul3A_56 = arith.muli %scan3A_42, %mul3A_55 : i32
        %get3A_57 = arith.constant 2 : i32
        %get3A_58 = arith.index_cast %get3A_57 : i32 to index
        %get3A_59 = arith.index_cast %mul3A_56 : i32 to index
        %get3A_60 = tpu.vector_load %arg6[%get3A_58, %get3A_59] {strides = array<i32>} : memref<16x640xf32, #tpu.memory_space<vmem>>, vector<16xf32>,
        %add3A_61 = arith.addf %add3A_54, %get3A_60 : vector<16xf32>
        %mul3A_62 = arith.constant 16 : i32
        %mul3A_63 = arith.muli %scan3A_42, %mul3A_62 : i32
        %get3A_64 = arith.constant 3 : i32
        %get3A_65 = arith.index_cast %get3A_64 : i32 to index
        %get3A_66 = arith.index_cast %mul3A_63 : i32 to index
        %get3A_67 = tpu.vector_load %arg6[%get3A_65, %get3A_66] {strides = array<i32>} : memref<16x640xf32, #tpu.memory_space<vmem>>, vector<16xf32>,
        %add3A_68 = arith.addf %add3A_61, %get3A_67 : vector<16xf32>
        %mul3A_69 = arith.constant 16 : i32
        %mul3A_70 = arith.muli %scan3A_42, %mul3A_69 : i32
        %get3A_71 = arith.constant 4 : i32
        %get3A_72 = arith.index_cast %get3A_71 : i32 to index
        %get3A_73 = arith.index_cast %mul3A_70 : i32 to index
        %get3A_74 = tpu.vector_load %arg6[%get3A_72, %get3A_73] {strides = array<i32>} : memref<16x640xf32, #tpu.memory_space<vmem>>, vector<16xf32>,
        %add3A_75 = arith.addf %add3A_68, %get3A_74 : vector<16xf32>
        %mul3A_76 = arith.constant 16 : i32
        %mul3A_77 = arith.muli %scan3A_42, %mul3A_76 : i32
        %get3A_78 = arith.constant 5 : i32
        %get3A_79 = arith.index_cast %get3A_78 : i32 to index
        %get3A_80 = arith.index_cast %mul3A_77 : i32 to index
        %get3A_81 = tpu.vector_load %arg6[%get3A_79, %get3A_80] {strides = array<i32>} : memref<16x640xf32, #tpu.memory_space<vmem>>, vector<16xf32>,
        %add3A_82 = arith.addf %add3A_75, %get3A_81 : vector<16xf32>
        %mul3A_83 = arith.constant 16 : i32
        %mul3A_84 = arith.muli %scan3A_42, %mul3A_83 : i32
        %get3A_85 = arith.constant 6 : i32
        %get3A_86 = arith.index_cast %get3A_85 : i32 to index
        %get3A_87 = arith.index_cast %mul3A_84 : i32 to index
        %get3A_88 = tpu.vector_load %arg6[%get3A_86, %get3A_87] {strides = array<i32>} : memref<16x640xf32, #tpu.memory_space<vmem>>, vector<16xf32>,
        %add3A_89 = arith.addf %add3A_82, %get3A_88 : vector<16xf32>
        %mul3A_90 = arith.constant 16 : i32
        %mul3A_91 = arith.muli %scan3A_42, %mul3A_90 : i32
        %get3A_92 = arith.constant 7 : i32
        %get3A_93 = arith.index_cast %get3A_92 : i32 to index
        %get3A_94 = arith.index_cast %mul3A_91 : i32 to index
        %get3A_95 = tpu.vector_load %arg6[%get3A_93, %get3A_94] {strides = array<i32>} : memref<16x640xf32, #tpu.memory_space<vmem>>, vector<16xf32>,
        %add3A_96 = arith.addf %add3A_89, %get3A_95 : vector<16xf32>
        %mul3A_97 = arith.constant 16 : i32
        %mul3A_98 = arith.muli %scan3A_42, %mul3A_97 : i32
        %get3A_99 = arith.constant 8 : i32
        %get3A_100 = arith.index_cast %get3A_99 : i32 to index
        %get3A_101 = arith.index_cast %mul3A_98 : i32 to index
        %get3A_102 = tpu.vector_load %arg6[%get3A_100, %get3A_101] {strides = array<i32>} : memref<16x640xf32, #tpu.memory_space<vmem>>, vector<16xf32>,
        %add3A_103 = arith.addf %add3A_96, %get3A_102 : vector<16xf32>
        %mul3A_104 = arith.constant 16 : i32
        %mul3A_105 = arith.muli %scan3A_42, %mul3A_104 : i32
        %get3A_106 = arith.constant 9 : i32
        %get3A_107 = arith.index_cast %get3A_106 : i32 to index
        %get3A_108 = arith.index_cast %mul3A_105 : i32 to index
        %get3A_109 = tpu.vector_load %arg6[%get3A_107, %get3A_108] {strides = array<i32>} : memref<16x640xf32, #tpu.memory_space<vmem>>, vector<16xf32>,
        %add3A_110 = arith.addf %add3A_103, %get3A_109 : vector<16xf32>
        %mul3A_111 = arith.constant 16 : i32
        %mul3A_112 = arith.muli %scan3A_42, %mul3A_111 : i32
        %get3A_113 = arith.constant 10 : i32
        %get3A_114 = arith.index_cast %get3A_113 : i32 to index
        %get3A_115 = arith.index_cast %mul3A_112 : i32 to index
        %get3A_116 = tpu.vector_load %arg6[%get3A_114, %get3A_115] {strides = array<i32>} : memref<16x640xf32, #tpu.memory_space<vmem>>, vector<16xf32>,
        %add3A_117 = arith.addf %add3A_110, %get3A_116 : vector<16xf32>
        %mul3A_118 = arith.constant 16 : i32
        %mul3A_119 = arith.muli %scan3A_42, %mul3A_118 : i32
        %get3A_120 = arith.constant 11 : i32
        %get3A_121 = arith.index_cast %get3A_120 : i32 to index
        %get3A_122 = arith.index_cast %mul3A_119 : i32 to index
        %get3A_123 = tpu.vector_load %arg6[%get3A_121, %get3A_122] {strides = array<i32>} : memref<16x640xf32, #tpu.memory_space<vmem>>, vector<16xf32>,
        %add3A_124 = arith.addf %add3A_117, %get3A_123 : vector<16xf32>
        %mul3A_125 = arith.constant 16 : i32
        %mul3A_126 = arith.muli %scan3A_42, %mul3A_125 : i32
        %get3A_127 = arith.constant 12 : i32
        %get3A_128 = arith.index_cast %get3A_127 : i32 to index
        %get3A_129 = arith.index_cast %mul3A_126 : i32 to index
        %get3A_130 = tpu.vector_load %arg6[%get3A_128, %get3A_129] {strides = array<i32>} : memref<16x640xf32, #tpu.memory_space<vmem>>, vector<16xf32>,
        %add3A_131 = arith.addf %add3A_124, %get3A_130 : vector<16xf32>
        %mul3A_132 = arith.constant 16 : i32
        %mul3A_133 = arith.muli %scan3A_42, %mul3A_132 : i32
        %get3A_134 = arith.constant 13 : i32
        %get3A_135 = arith.index_cast %get3A_134 : i32 to index
        %get3A_136 = arith.index_cast %mul3A_133 : i32 to index
        %get3A_137 = tpu.vector_load %arg6[%get3A_135, %get3A_136] {strides = array<i32>} : memref<16x640xf32, #tpu.memory_space<vmem>>, vector<16xf32>,
        %add3A_138 = arith.addf %add3A_131, %get3A_137 : vector<16xf32>
        %mul3A_139 = arith.constant 16 : i32
        %mul3A_140 = arith.muli %scan3A_42, %mul3A_139 : i32
        %get3A_141 = arith.constant 14 : i32
        %get3A_142 = arith.index_cast %get3A_141 : i32 to index
        %get3A_143 = arith.index_cast %mul3A_140 : i32 to index
        %get3A_144 = tpu.vector_load %arg6[%get3A_142, %get3A_143] {strides = array<i32>} : memref<16x640xf32, #tpu.memory_space<vmem>>, vector<16xf32>,
        %add3A_145 = arith.addf %add3A_138, %get3A_144 : vector<16xf32>
        %mul3A_146 = arith.constant 16 : i32
        %mul3A_147 = arith.muli %scan3A_42, %mul3A_146 : i32
        %get3A_148 = arith.constant 15 : i32
        %get3A_149 = arith.index_cast %get3A_148 : i32 to index
        %get3A_150 = arith.index_cast %mul3A_147 : i32 to index
        %get3A_151 = tpu.vector_load %arg6[%get3A_149, %get3A_150] {strides = array<i32>} : memref<16x640xf32, #tpu.memory_space<vmem>>, vector<16xf32>,
        %add3A_152 = arith.addf %add3A_145, %get3A_151 : vector<16xf32>
        %mul3A_153 = arith.constant 16 : i32
        %mul3A_154 = arith.muli %scan3A_42, %mul3A_153 : i32
        %swap3A = arith.index_cast %mul3A_154 : i32 to index
        %swap3A_155 = tpu.vector_load %arg7[%swap3A] {strides = array<i32>} : memref<640xf32, #tpu.memory_space<vmem>>, vector<16xf32>,
        tpu.vector_store %arg7[%swap3A], %add3A_152 {strides = array<i32>} : memref<640xf32, #tpu.memory_space<vmem>>, vector<16xf32>,
      }
      %scan3A_38 = arith.constant 40 : i32
      %mul3A_39 = arith.constant 10000 : i32
      %mul3A_40 = arith.muli %arg0, %mul3A_39 : i32
      %add3A_41 = arith.addi %mul3A_40, %mul3A_32 : i32
      "tpu.region"() ({
        %run_scoped3A = tpu.sem_alloc : memref<!tpu.dma_semaphore, #tpu.memory_space<semaphore_mem>>
        %dma_start3A_42 = arith.constant 0 : i32
        %dma_start3A_43 = tpu.memref_slice %arg7[%dma_start3A_42] : memref<640xf32, #tpu.memory_space<vmem>> -> memref<640xf32, #tpu.memory_space<vmem>>
        %dma_start3A_44 = tpu.memref_slice %arg3[%add3A_41] : memref<20000xf32, #tpu.memory_space<hbm>> -> memref<640xf32, #tpu.memory_space<hbm>>
        %dma_start3A_45 = tpu.memref_slice %arg3[%add3A_41] : memref<20000xf32, #tpu.memory_space<hbm>> -> memref<640xf32, #tpu.memory_space<hbm>>
        %dma_start3A_46 = arith.constant 0 : i32
        %dma_start3A_47 = tpu.memref_slice %arg7[%dma_start3A_46] : memref<640xf32, #tpu.memory_space<vmem>> -> memref<640xf32, #tpu.memory_space<vmem>>
        tpu.enqueue_dma source(%dma_start3A_47 : memref<640xf32, #tpu.memory_space<vmem>>) target(%dma_start3A_45 : memref<640xf32, #tpu.memory_space<hbm>>) target_semaphore(%run_scoped3A : memref<!tpu.dma_semaphore, #tpu.memory_space<semaphore_mem>>)
        %dma_wait3A_48 = arith.constant 0 : i32
        %dma_wait3A_49 = tpu.memref_slice %arg7[%dma_wait3A_48] : memref<640xf32, #tpu.memory_space<vmem>> -> memref<640xf32, #tpu.memory_space<vmem>>
        %dma_wait3A_50 = tpu.memref_slice %arg3[%add3A_41] : memref<20000xf32, #tpu.memory_space<hbm>> -> memref<640xf32, #tpu.memory_space<hbm>>
        %dma_wait3A_51 = tpu.memref_slice %arg3[%add3A_41] : memref<20000xf32, #tpu.memory_space<hbm>> -> memref<640xf32, #tpu.memory_space<hbm>>
        %dma_wait3A_52 = arith.constant 0 : i32
        %dma_wait3A_53 = tpu.memref_slice %arg7[%dma_wait3A_52] : memref<640xf32, #tpu.memory_space<vmem>> -> memref<640xf32, #tpu.memory_space<vmem>>
        tpu.wait_dma2 semaphore(%run_scoped3A : memref<!tpu.dma_semaphore, #tpu.memory_space<semaphore_mem>>) src(%dma_wait3A_53 : memref<640xf32, #tpu.memory_space<vmem>>) dst(%dma_wait3A_51 : memref<640xf32, #tpu.memory_space<hbm>>)
        tpu.yield
      }) : () -> ()
    } else {
    }
    %eq3A = arith.constant 15 : i32
    %eq3A_27 = arith.cmpi eq, %arg1, %eq3A : i32
    %convert_element_type3A_28 = arith.extui %eq3A_27 : i1 to i32
    %cond3A_29 = arith.constant 0 : i32
    %cond3A_30 = arith.cmpi ne, %convert_element_type3A_28, %cond3A_29 : i32
    scf.if %cond3A_30 {
      "tpu.region"() ({
        %run_scoped3A = tpu.sem_alloc : memref<!tpu.dma_semaphore, #tpu.memory_space<semaphore_mem>>
        %dma_start3A_41 = arith.constant 0 : i32
        %dma_start3A_42 = arith.constant 0 : i32
        %dma_start3A_43 = tpu.memref_slice %arg6[%dma_start3A_41, %dma_start3A_42] : memref<16x640xf32, #tpu.memory_space<vmem>> -> memref<16x400xf32, #tpu.memory_space<vmem>>
        %dma_start3A_44 = arith.constant 0 : i32
        %dma_start3A_45 = arith.constant 9600 : i32
        %dma_start3A_46 = tpu.memref_slice %arg8[%dma_start3A_44, %dma_start3A_45] : memref<16x10000xf32, #tpu.memory_space<vmem_shared>> -> memref<16x400xf32, #tpu.memory_space<vmem_shared>>
        %dma_start3A_47 = arith.constant 0 : i32
        %dma_start3A_48 = arith.constant 0 : i32
        %dma_start3A_49 = tpu.memref_slice %arg6[%dma_start3A_47, %dma_start3A_48] : memref<16x640xf32, #tpu.memory_space<vmem>> -> memref<16x400xf32, #tpu.memory_space<vmem>>
        %dma_start3A_50 = arith.constant 0 : i32
        %dma_start3A_51 = arith.constant 9600 : i32
        %dma_start3A_52 = tpu.memref_slice %arg8[%dma_start3A_50, %dma_start3A_51] : memref<16x10000xf32, #tpu.memory_space<vmem_shared>> -> memref<16x400xf32, #tpu.memory_space<vmem_shared>>
        tpu.enqueue_dma source(%dma_start3A_52 : memref<16x400xf32, #tpu.memory_space<vmem_shared>>) target(%dma_start3A_49 : memref<16x400xf32, #tpu.memory_space<vmem>>) target_semaphore(%run_scoped3A : memref<!tpu.dma_semaphore, #tpu.memory_space<semaphore_mem>>)
        %dma_wait3A_53 = arith.constant 0 : i32
        %dma_wait3A_54 = arith.constant 0 : i32
        %dma_wait3A_55 = tpu.memref_slice %arg6[%dma_wait3A_53, %dma_wait3A_54] : memref<16x640xf32, #tpu.memory_space<vmem>> -> memref<16x400xf32, #tpu.memory_space<vmem>>
        %dma_wait3A_56 = arith.constant 0 : i32
        %dma_wait3A_57 = arith.constant 9600 : i32
        %dma_wait3A_58 = tpu.memref_slice %arg8[%dma_wait3A_56, %dma_wait3A_57] : memref<16x10000xf32, #tpu.memory_space<vmem_shared>> -> memref<16x400xf32, #tpu.memory_space<vmem_shared>>
        %dma_wait3A_59 = arith.constant 0 : i32
        %dma_wait3A_60 = arith.constant 0 : i32
        %dma_wait3A_61 = tpu.memref_slice %arg6[%dma_wait3A_59, %dma_wait3A_60] : memref<16x640xf32, #tpu.memory_space<vmem>> -> memref<16x400xf32, #tpu.memory_space<vmem>>
        %dma_wait3A_62 = arith.constant 0 : i32
        %dma_wait3A_63 = arith.constant 9600 : i32
        %dma_wait3A_64 = tpu.memref_slice %arg8[%dma_wait3A_62, %dma_wait3A_63] : memref<16x10000xf32, #tpu.memory_space<vmem_shared>> -> memref<16x400xf32, #tpu.memory_space<vmem_shared>>
        tpu.wait_dma2 semaphore(%run_scoped3A : memref<!tpu.dma_semaphore, #tpu.memory_space<semaphore_mem>>) src(%dma_wait3A_64 : memref<16x400xf32, #tpu.memory_space<vmem_shared>>) dst(%dma_wait3A_61 : memref<16x400xf32, #tpu.memory_space<vmem>>)
        tpu.yield
      }) : () -> ()
      %scan3A_31 = arith.constant 0 : i32
      %scan3A_32 = arith.constant 0 : i32
      %scan3A_33 = arith.constant 25 : i32
      %scan3A_34 = arith.addi %scan3A_32, %scan3A_33 : i32
      %scan3A_35 = arith.constant 1 : i32
      scf.for %scan3A_41 = %scan3A_32 to %scan3A_34 step %scan3A_35  : i32 {
        %mul3A_42 = arith.constant 16 : i32
        %mul3A_43 = arith.muli %scan3A_41, %mul3A_42 : i32
        %get3A = arith.constant 0 : i32
        %get3A_44 = arith.index_cast %get3A : i32 to index
        %get3A_45 = arith.index_cast %mul3A_43 : i32 to index
        %get3A_46 = tpu.vector_load %arg6[%get3A_44, %get3A_45] {strides = array<i32>} : memref<16x640xf32, #tpu.memory_space<vmem>>, vector<16xf32>,
        %mul3A_47 = arith.constant 16 : i32
        %mul3A_48 = arith.muli %scan3A_41, %mul3A_47 : i32
        %get3A_49 = arith.constant 1 : i32
        %get3A_50 = arith.index_cast %get3A_49 : i32 to index
        %get3A_51 = arith.index_cast %mul3A_48 : i32 to index
        %get3A_52 = tpu.vector_load %arg6[%get3A_50, %get3A_51] {strides = array<i32>} : memref<16x640xf32, #tpu.memory_space<vmem>>, vector<16xf32>,
        %add3A_53 = arith.addf %get3A_46, %get3A_52 : vector<16xf32>
        %mul3A_54 = arith.constant 16 : i32
        %mul3A_55 = arith.muli %scan3A_41, %mul3A_54 : i32
        %get3A_56 = arith.constant 2 : i32
        %get3A_57 = arith.index_cast %get3A_56 : i32 to index
        %get3A_58 = arith.index_cast %mul3A_55 : i32 to index
        %get3A_59 = tpu.vector_load %arg6[%get3A_57, %get3A_58] {strides = array<i32>} : memref<16x640xf32, #tpu.memory_space<vmem>>, vector<16xf32>,
        %add3A_60 = arith.addf %add3A_53, %get3A_59 : vector<16xf32>
        %mul3A_61 = arith.constant 16 : i32
        %mul3A_62 = arith.muli %scan3A_41, %mul3A_61 : i32
        %get3A_63 = arith.constant 3 : i32
        %get3A_64 = arith.index_cast %get3A_63 : i32 to index
        %get3A_65 = arith.index_cast %mul3A_62 : i32 to index
        %get3A_66 = tpu.vector_load %arg6[%get3A_64, %get3A_65] {strides = array<i32>} : memref<16x640xf32, #tpu.memory_space<vmem>>, vector<16xf32>,
        %add3A_67 = arith.addf %add3A_60, %get3A_66 : vector<16xf32>
        %mul3A_68 = arith.constant 16 : i32
        %mul3A_69 = arith.muli %scan3A_41, %mul3A_68 : i32
        %get3A_70 = arith.constant 4 : i32
        %get3A_71 = arith.index_cast %get3A_70 : i32 to index
        %get3A_72 = arith.index_cast %mul3A_69 : i32 to index
        %get3A_73 = tpu.vector_load %arg6[%get3A_71, %get3A_72] {strides = array<i32>} : memref<16x640xf32, #tpu.memory_space<vmem>>, vector<16xf32>,
        %add3A_74 = arith.addf %add3A_67, %get3A_73 : vector<16xf32>
        %mul3A_75 = arith.constant 16 : i32
        %mul3A_76 = arith.muli %scan3A_41, %mul3A_75 : i32
        %get3A_77 = arith.constant 5 : i32
        %get3A_78 = arith.index_cast %get3A_77 : i32 to index
        %get3A_79 = arith.index_cast %mul3A_76 : i32 to index
        %get3A_80 = tpu.vector_load %arg6[%get3A_78, %get3A_79] {strides = array<i32>} : memref<16x640xf32, #tpu.memory_space<vmem>>, vector<16xf32>,
        %add3A_81 = arith.addf %add3A_74, %get3A_80 : vector<16xf32>
        %mul3A_82 = arith.constant 16 : i32
        %mul3A_83 = arith.muli %scan3A_41, %mul3A_82 : i32
        %get3A_84 = arith.constant 6 : i32
        %get3A_85 = arith.index_cast %get3A_84 : i32 to index
        %get3A_86 = arith.index_cast %mul3A_83 : i32 to index
        %get3A_87 = tpu.vector_load %arg6[%get3A_85, %get3A_86] {strides = array<i32>} : memref<16x640xf32, #tpu.memory_space<vmem>>, vector<16xf32>,
        %add3A_88 = arith.addf %add3A_81, %get3A_87 : vector<16xf32>
        %mul3A_89 = arith.constant 16 : i32
        %mul3A_90 = arith.muli %scan3A_41, %mul3A_89 : i32
        %get3A_91 = arith.constant 7 : i32
        %get3A_92 = arith.index_cast %get3A_91 : i32 to index
        %get3A_93 = arith.index_cast %mul3A_90 : i32 to index
        %get3A_94 = tpu.vector_load %arg6[%get3A_92, %get3A_93] {strides = array<i32>} : memref<16x640xf32, #tpu.memory_space<vmem>>, vector<16xf32>,
        %add3A_95 = arith.addf %add3A_88, %get3A_94 : vector<16xf32>
        %mul3A_96 = arith.constant 16 : i32
        %mul3A_97 = arith.muli %scan3A_41, %mul3A_96 : i32
        %get3A_98 = arith.constant 8 : i32
        %get3A_99 = arith.index_cast %get3A_98 : i32 to index
        %get3A_100 = arith.index_cast %mul3A_97 : i32 to index
        %get3A_101 = tpu.vector_load %arg6[%get3A_99, %get3A_100] {strides = array<i32>} : memref<16x640xf32, #tpu.memory_space<vmem>>, vector<16xf32>,
        %add3A_102 = arith.addf %add3A_95, %get3A_101 : vector<16xf32>
        %mul3A_103 = arith.constant 16 : i32
        %mul3A_104 = arith.muli %scan3A_41, %mul3A_103 : i32
        %get3A_105 = arith.constant 9 : i32
        %get3A_106 = arith.index_cast %get3A_105 : i32 to index
        %get3A_107 = arith.index_cast %mul3A_104 : i32 to index
        %get3A_108 = tpu.vector_load %arg6[%get3A_106, %get3A_107] {strides = array<i32>} : memref<16x640xf32, #tpu.memory_space<vmem>>, vector<16xf32>,
        %add3A_109 = arith.addf %add3A_102, %get3A_108 : vector<16xf32>
        %mul3A_110 = arith.constant 16 : i32
        %mul3A_111 = arith.muli %scan3A_41, %mul3A_110 : i32
        %get3A_112 = arith.constant 10 : i32
        %get3A_113 = arith.index_cast %get3A_112 : i32 to index
        %get3A_114 = arith.index_cast %mul3A_111 : i32 to index
        %get3A_115 = tpu.vector_load %arg6[%get3A_113, %get3A_114] {strides = array<i32>} : memref<16x640xf32, #tpu.memory_space<vmem>>, vector<16xf32>,
        %add3A_116 = arith.addf %add3A_109, %get3A_115 : vector<16xf32>
        %mul3A_117 = arith.constant 16 : i32
        %mul3A_118 = arith.muli %scan3A_41, %mul3A_117 : i32
        %get3A_119 = arith.constant 11 : i32
        %get3A_120 = arith.index_cast %get3A_119 : i32 to index
        %get3A_121 = arith.index_cast %mul3A_118 : i32 to index
        %get3A_122 = tpu.vector_load %arg6[%get3A_120, %get3A_121] {strides = array<i32>} : memref<16x640xf32, #tpu.memory_space<vmem>>, vector<16xf32>,
        %add3A_123 = arith.addf %add3A_116, %get3A_122 : vector<16xf32>
        %mul3A_124 = arith.constant 16 : i32
        %mul3A_125 = arith.muli %scan3A_41, %mul3A_124 : i32
        %get3A_126 = arith.constant 12 : i32
        %get3A_127 = arith.index_cast %get3A_126 : i32 to index
        %get3A_128 = arith.index_cast %mul3A_125 : i32 to index
        %get3A_129 = tpu.vector_load %arg6[%get3A_127, %get3A_128] {strides = array<i32>} : memref<16x640xf32, #tpu.memory_space<vmem>>, vector<16xf32>,
        %add3A_130 = arith.addf %add3A_123, %get3A_129 : vector<16xf32>
        %mul3A_131 = arith.constant 16 : i32
        %mul3A_132 = arith.muli %scan3A_41, %mul3A_131 : i32
        %get3A_133 = arith.constant 13 : i32
        %get3A_134 = arith.index_cast %get3A_133 : i32 to index
        %get3A_135 = arith.index_cast %mul3A_132 : i32 to index
        %get3A_136 = tpu.vector_load %arg6[%get3A_134, %get3A_135] {strides = array<i32>} : memref<16x640xf32, #tpu.memory_space<vmem>>, vector<16xf32>,
        %add3A_137 = arith.addf %add3A_130, %get3A_136 : vector<16xf32>
        %mul3A_138 = arith.constant 16 : i32
        %mul3A_139 = arith.muli %scan3A_41, %mul3A_138 : i32
        %get3A_140 = arith.constant 14 : i32
        %get3A_141 = arith.index_cast %get3A_140 : i32 to index
        %get3A_142 = arith.index_cast %mul3A_139 : i32 to index
        %get3A_143 = tpu.vector_load %arg6[%get3A_141, %get3A_142] {strides = array<i32>} : memref<16x640xf32, #tpu.memory_space<vmem>>, vector<16xf32>,
        %add3A_144 = arith.addf %add3A_137, %get3A_143 : vector<16xf32>
        %mul3A_145 = arith.constant 16 : i32
        %mul3A_146 = arith.muli %scan3A_41, %mul3A_145 : i32
        %get3A_147 = arith.constant 15 : i32
        %get3A_148 = arith.index_cast %get3A_147 : i32 to index
        %get3A_149 = arith.index_cast %mul3A_146 : i32 to index
        %get3A_150 = tpu.vector_load %arg6[%get3A_148, %get3A_149] {strides = array<i32>} : memref<16x640xf32, #tpu.memory_space<vmem>>, vector<16xf32>,
        %add3A_151 = arith.addf %add3A_144, %get3A_150 : vector<16xf32>
        %mul3A_152 = arith.constant 16 : i32
        %mul3A_153 = arith.muli %scan3A_41, %mul3A_152 : i32
        %swap3A = arith.index_cast %mul3A_153 : i32 to index
        %swap3A_154 = tpu.vector_load %arg7[%swap3A] {strides = array<i32>} : memref<640xf32, #tpu.memory_space<vmem>>, vector<16xf32>,
        tpu.vector_store %arg7[%swap3A], %add3A_151 {strides = array<i32>} : memref<640xf32, #tpu.memory_space<vmem>>, vector<16xf32>,
      }
      %scan3A_36 = arith.constant 25 : i32
      %mul3A_37 = arith.constant 10000 : i32
      %mul3A_38 = arith.muli %arg0, %mul3A_37 : i32
      %add3A_39 = arith.constant 9600 : i32
      %add3A_40 = arith.addi %mul3A_38, %add3A_39 : i32
      "tpu.region"() ({
        %run_scoped3A = tpu.sem_alloc : memref<!tpu.dma_semaphore, #tpu.memory_space<semaphore_mem>>
        %dma_start3A_41 = arith.constant 0 : i32
        %dma_start3A_42 = tpu.memref_slice %arg7[%dma_start3A_41] : memref<640xf32, #tpu.memory_space<vmem>> -> memref<400xf32, #tpu.memory_space<vmem>>
        %dma_start3A_43 = tpu.memref_slice %arg3[%add3A_40] : memref<20000xf32, #tpu.memory_space<hbm>> -> memref<400xf32, #tpu.memory_space<hbm>>
        %dma_start3A_44 = tpu.memref_slice %arg3[%add3A_40] : memref<20000xf32, #tpu.memory_space<hbm>> -> memref<400xf32, #tpu.memory_space<hbm>>
        %dma_start3A_45 = arith.constant 0 : i32
        %dma_start3A_46 = tpu.memref_slice %arg7[%dma_start3A_45] : memref<640xf32, #tpu.memory_space<vmem>> -> memref<400xf32, #tpu.memory_space<vmem>>
        tpu.enqueue_dma source(%dma_start3A_46 : memref<400xf32, #tpu.memory_space<vmem>>) target(%dma_start3A_44 : memref<400xf32, #tpu.memory_space<hbm>>) target_semaphore(%run_scoped3A : memref<!tpu.dma_semaphore, #tpu.memory_space<semaphore_mem>>)
        %dma_wait3A_47 = arith.constant 0 : i32
        %dma_wait3A_48 = tpu.memref_slice %arg7[%dma_wait3A_47] : memref<640xf32, #tpu.memory_space<vmem>> -> memref<400xf32, #tpu.memory_space<vmem>>
        %dma_wait3A_49 = tpu.memref_slice %arg3[%add3A_40] : memref<20000xf32, #tpu.memory_space<hbm>> -> memref<400xf32, #tpu.memory_space<hbm>>
        %dma_wait3A_50 = tpu.memref_slice %arg3[%add3A_40] : memref<20000xf32, #tpu.memory_space<hbm>> -> memref<400xf32, #tpu.memory_space<hbm>>
        %dma_wait3A_51 = arith.constant 0 : i32
        %dma_wait3A_52 = tpu.memref_slice %arg7[%dma_wait3A_51] : memref<640xf32, #tpu.memory_space<vmem>> -> memref<400xf32, #tpu.memory_space<vmem>>
        tpu.wait_dma2 semaphore(%run_scoped3A : memref<!tpu.dma_semaphore, #tpu.memory_space<semaphore_mem>>) src(%dma_wait3A_52 : memref<400xf32, #tpu.memory_space<vmem>>) dst(%dma_wait3A_50 : memref<400xf32, #tpu.memory_space<hbm>>)
        tpu.yield
      }) : () -> ()
    } else {
    }
    return
  }
}

#map = affine_map<(d0, d1) -> (0, 0)>
#map1 = affine_map<(d0, d1) -> (0, 0, 0)>
module attributes {stable_mosaic.version = 14 : i64} {
  func.func @_prop64_sc(%arg0: i32, %arg1: i32, %arg2: memref<10000x64xf32, #tpu.memory_space<hbm>>, %arg3: memref<2x32x10000xi32, #tpu.memory_space<hbm>>, %arg4: memref<2x10000x64xf32, #tpu.memory_space<hbm>>, %arg5: memref<10000xi32, #tpu.memory_space<vmem>>, %arg6: memref<10000xi32, #tpu.memory_space<vmem>>, %arg7: memref<125x64xf32, #tpu.memory_space<vmem>>, %arg8: memref<125x64xf32, #tpu.memory_space<vmem>>, %arg9: memref<125x64xf32, #tpu.memory_space<vmem>>, %arg10: memref<125x64xf32, #tpu.memory_space<vmem>>, %arg11: memref<125x64xf32, #tpu.memory_space<vmem>>, %arg12: memref<10000x64xf32, #tpu.memory_space<vmem_shared>>, %arg13: memref<!tpu.dma_semaphore, #tpu.memory_space<semaphore_mem>>, %arg14: memref<!tpu.dma_semaphore, #tpu.memory_space<semaphore_mem>>, %arg15: memref<!tpu.dma_semaphore, #tpu.memory_space<semaphore_mem>>, %arg16: memref<!tpu.dma_semaphore, #tpu.memory_space<semaphore_mem>>, %arg17: memref<!tpu.dma_semaphore, #tpu.memory_space<semaphore_mem>>, %arg18: memref<!tpu.dma_semaphore, #tpu.memory_space<semaphore_mem>>, %arg19: memref<!tpu.dma_semaphore, #tpu.memory_space<semaphore_mem>>, %arg20: memref<!tpu.dma_semaphore, #tpu.memory_space<semaphore_mem>>, %arg21: memref<!tpu.dma_semaphore, #tpu.memory_space<semaphore_mem>>, %arg22: memref<!tpu.dma_semaphore, #tpu.memory_space<semaphore_mem>>) attributes {dimension_semantics = [#tpu.dimension_semantics<core_parallel>, #tpu.dimension_semantics<subcore_parallel>], iteration_bounds = array<i64: 2, 16>, scalar_prefetch = 0 : i64, scratch_operands = 18 : i64, tpu.core_type = #tpu.core_type<sc_vector_subcore>, window_params = [{transform_indices = #map}, {transform_indices = #map1}, {transform_indices = #map1}]} {
    %mul3A = arith.constant 16 : i32
    %mul3A_0 = arith.muli %arg0, %mul3A : i32
    %add3A = arith.addi %mul3A_0, %arg1 : i32
    %dma_start3A = arith.constant 0 : i32
    %dma_start3A_1 = arith.constant 0 : i32
    %dma_start3A_2 = tpu.memref_slice %arg3[%dma_start3A, %add3A, %dma_start3A_1] : memref<2x32x10000xi32, #tpu.memory_space<hbm>> -> memref<1x1x10000xi32, #tpu.memory_space<hbm>>
    %dma_start3A_3 = tpu.memref_squeeze %dma_start3A_2 : memref<1x1x10000xi32, #tpu.memory_space<hbm>> -> memref<10000xi32, #tpu.memory_space<hbm>>
    %dma_start3A_4 = arith.constant 0 : i32
    %dma_start3A_5 = tpu.memref_slice %arg3[%dma_start3A, %add3A, %dma_start3A_4] : memref<2x32x10000xi32, #tpu.memory_space<hbm>> -> memref<1x1x10000xi32, #tpu.memory_space<hbm>>
    %dma_start3A_6 = tpu.memref_squeeze %dma_start3A_5 : memref<1x1x10000xi32, #tpu.memory_space<hbm>> -> memref<10000xi32, #tpu.memory_space<hbm>>
    tpu.enqueue_dma source(%dma_start3A_6 : memref<10000xi32, #tpu.memory_space<hbm>>) target(%arg5 : memref<10000xi32, #tpu.memory_space<vmem>>) target_semaphore(%arg13 : memref<!tpu.dma_semaphore, #tpu.memory_space<semaphore_mem>>)
    %dma_start3A_7 = arith.constant 1 : i32
    %dma_start3A_8 = arith.constant 0 : i32
    %dma_start3A_9 = tpu.memref_slice %arg3[%dma_start3A_7, %add3A, %dma_start3A_8] : memref<2x32x10000xi32, #tpu.memory_space<hbm>> -> memref<1x1x10000xi32, #tpu.memory_space<hbm>>
    %dma_start3A_10 = tpu.memref_squeeze %dma_start3A_9 : memref<1x1x10000xi32, #tpu.memory_space<hbm>> -> memref<10000xi32, #tpu.memory_space<hbm>>
    %dma_start3A_11 = arith.constant 0 : i32
    %dma_start3A_12 = tpu.memref_slice %arg3[%dma_start3A_7, %add3A, %dma_start3A_11] : memref<2x32x10000xi32, #tpu.memory_space<hbm>> -> memref<1x1x10000xi32, #tpu.memory_space<hbm>>
    %dma_start3A_13 = tpu.memref_squeeze %dma_start3A_12 : memref<1x1x10000xi32, #tpu.memory_space<hbm>> -> memref<10000xi32, #tpu.memory_space<hbm>>
    tpu.enqueue_dma source(%dma_start3A_13 : memref<10000xi32, #tpu.memory_space<hbm>>) target(%arg6 : memref<10000xi32, #tpu.memory_space<vmem>>) target_semaphore(%arg14 : memref<!tpu.dma_semaphore, #tpu.memory_space<semaphore_mem>>)
    %scan3A = arith.constant 0 : i32
    %scan3A_14 = arith.constant 0 : i32
    %scan3A_15 = arith.constant 125 : i32
    %scan3A_16 = arith.addi %scan3A_14, %scan3A_15 : i32
    %scan3A_17 = arith.constant 1 : i32
    scf.for %scan3A_239 = %scan3A_14 to %scan3A_16 step %scan3A_17  : i32 {
      %broadcast_in_dim3A = arith.constant 0.000000e+00 : f32
      %broadcast_in_dim3A_240 = vector.broadcast %broadcast_in_dim3A : f32 to vector<16xf32>
      %swap3A = arith.index_cast %scan3A_239 : i32 to index
      %swap3A_241 = arith.constant 0 : index
      %swap3A_242 = tpu.vector_load %arg7[%swap3A, %swap3A_241] {strides = array<i32>} : memref<125x64xf32, #tpu.memory_space<vmem>>, vector<16xf32>,
      tpu.vector_store %arg7[%swap3A, %swap3A_241], %broadcast_in_dim3A_240 {strides = array<i32>} : memref<125x64xf32, #tpu.memory_space<vmem>>, vector<16xf32>,
      %broadcast_in_dim3A_243 = arith.constant 0.000000e+00 : f32
      %broadcast_in_dim3A_244 = vector.broadcast %broadcast_in_dim3A_243 : f32 to vector<16xf32>
      %swap3A_245 = arith.index_cast %scan3A_239 : i32 to index
      %swap3A_246 = arith.constant 16 : index
      %swap3A_247 = tpu.vector_load %arg7[%swap3A_245, %swap3A_246] {strides = array<i32>} : memref<125x64xf32, #tpu.memory_space<vmem>>, vector<16xf32>,
      tpu.vector_store %arg7[%swap3A_245, %swap3A_246], %broadcast_in_dim3A_244 {strides = array<i32>} : memref<125x64xf32, #tpu.memory_space<vmem>>, vector<16xf32>,
      %broadcast_in_dim3A_248 = arith.constant 0.000000e+00 : f32
      %broadcast_in_dim3A_249 = vector.broadcast %broadcast_in_dim3A_248 : f32 to vector<16xf32>
      %swap3A_250 = arith.index_cast %scan3A_239 : i32 to index
      %swap3A_251 = arith.constant 32 : index
      %swap3A_252 = tpu.vector_load %arg7[%swap3A_250, %swap3A_251] {strides = array<i32>} : memref<125x64xf32, #tpu.memory_space<vmem>>, vector<16xf32>,
      tpu.vector_store %arg7[%swap3A_250, %swap3A_251], %broadcast_in_dim3A_249 {strides = array<i32>} : memref<125x64xf32, #tpu.memory_space<vmem>>, vector<16xf32>,
      %broadcast_in_dim3A_253 = arith.constant 0.000000e+00 : f32
      %broadcast_in_dim3A_254 = vector.broadcast %broadcast_in_dim3A_253 : f32 to vector<16xf32>
      %swap3A_255 = arith.index_cast %scan3A_239 : i32 to index
      %swap3A_256 = arith.constant 48 : index
      %swap3A_257 = tpu.vector_load %arg7[%swap3A_255, %swap3A_256] {strides = array<i32>} : memref<125x64xf32, #tpu.memory_space<vmem>>, vector<16xf32>,
      tpu.vector_store %arg7[%swap3A_255, %swap3A_256], %broadcast_in_dim3A_254 {strides = array<i32>} : memref<125x64xf32, #tpu.memory_space<vmem>>, vector<16xf32>,
    }
    %scan3A_18 = arith.constant 125 : i32
    %dma_wait3A = arith.constant 0 : i32
    %dma_wait3A_19 = arith.constant 0 : i32
    %dma_wait3A_20 = tpu.memref_slice %arg3[%dma_wait3A, %add3A, %dma_wait3A_19] : memref<2x32x10000xi32, #tpu.memory_space<hbm>> -> memref<1x1x10000xi32, #tpu.memory_space<hbm>>
    %dma_wait3A_21 = tpu.memref_squeeze %dma_wait3A_20 : memref<1x1x10000xi32, #tpu.memory_space<hbm>> -> memref<10000xi32, #tpu.memory_space<hbm>>
    %dma_wait3A_22 = arith.constant 0 : i32
    %dma_wait3A_23 = tpu.memref_slice %arg3[%dma_wait3A, %add3A, %dma_wait3A_22] : memref<2x32x10000xi32, #tpu.memory_space<hbm>> -> memref<1x1x10000xi32, #tpu.memory_space<hbm>>
    %dma_wait3A_24 = tpu.memref_squeeze %dma_wait3A_23 : memref<1x1x10000xi32, #tpu.memory_space<hbm>> -> memref<10000xi32, #tpu.memory_space<hbm>>
    tpu.wait_dma2 semaphore(%arg13 : memref<!tpu.dma_semaphore, #tpu.memory_space<semaphore_mem>>) src(%dma_wait3A_24 : memref<10000xi32, #tpu.memory_space<hbm>>) dst(%arg5 : memref<10000xi32, #tpu.memory_space<vmem>>)
    %dma_wait3A_25 = arith.constant 1 : i32
    %dma_wait3A_26 = arith.constant 0 : i32
    %dma_wait3A_27 = tpu.memref_slice %arg3[%dma_wait3A_25, %add3A, %dma_wait3A_26] : memref<2x32x10000xi32, #tpu.memory_space<hbm>> -> memref<1x1x10000xi32, #tpu.memory_space<hbm>>
    %dma_wait3A_28 = tpu.memref_squeeze %dma_wait3A_27 : memref<1x1x10000xi32, #tpu.memory_space<hbm>> -> memref<10000xi32, #tpu.memory_space<hbm>>
    %dma_wait3A_29 = arith.constant 0 : i32
    %dma_wait3A_30 = tpu.memref_slice %arg3[%dma_wait3A_25, %add3A, %dma_wait3A_29] : memref<2x32x10000xi32, #tpu.memory_space<hbm>> -> memref<1x1x10000xi32, #tpu.memory_space<hbm>>
    %dma_wait3A_31 = tpu.memref_squeeze %dma_wait3A_30 : memref<1x1x10000xi32, #tpu.memory_space<hbm>> -> memref<10000xi32, #tpu.memory_space<hbm>>
    tpu.wait_dma2 semaphore(%arg14 : memref<!tpu.dma_semaphore, #tpu.memory_space<semaphore_mem>>) src(%dma_wait3A_31 : memref<10000xi32, #tpu.memory_space<hbm>>) dst(%arg6 : memref<10000xi32, #tpu.memory_space<vmem>>)
    %mul3A_32 = arith.constant 625 : i32
    %mul3A_33 = arith.muli %arg1, %mul3A_32 : i32
    %add3A_34 = arith.constant 0 : i32
    %add3A_35 = arith.addi %mul3A_33, %add3A_34 : i32
    "tpu.region"() ({
      %run_scoped3A = tpu.sem_alloc : memref<!tpu.dma_semaphore, #tpu.memory_space<semaphore_mem>>
      %dma_start3A_239 = arith.constant 0 : i32
      %dma_start3A_240 = tpu.memref_slice %arg12[%add3A_35, %dma_start3A_239] : memref<10000x64xf32, #tpu.memory_space<vmem_shared>> -> memref<125x64xf32, #tpu.memory_space<vmem_shared>>
      %dma_start3A_241 = arith.constant 0 : i32
      %dma_start3A_242 = tpu.memref_slice %arg12[%add3A_35, %dma_start3A_241] : memref<10000x64xf32, #tpu.memory_space<vmem_shared>> -> memref<125x64xf32, #tpu.memory_space<vmem_shared>>
      tpu.enqueue_dma source(%arg7 : memref<125x64xf32, #tpu.memory_space<vmem>>) target(%dma_start3A_242 : memref<125x64xf32, #tpu.memory_space<vmem_shared>>) target_semaphore(%run_scoped3A : memref<!tpu.dma_semaphore, #tpu.memory_space<semaphore_mem>>)
      %dma_wait3A_243 = arith.constant 0 : i32
      %dma_wait3A_244 = tpu.memref_slice %arg12[%add3A_35, %dma_wait3A_243] : memref<10000x64xf32, #tpu.memory_space<vmem_shared>> -> memref<125x64xf32, #tpu.memory_space<vmem_shared>>
      %dma_wait3A_245 = arith.constant 0 : i32
      %dma_wait3A_246 = tpu.memref_slice %arg12[%add3A_35, %dma_wait3A_245] : memref<10000x64xf32, #tpu.memory_space<vmem_shared>> -> memref<125x64xf32, #tpu.memory_space<vmem_shared>>
      tpu.wait_dma2 semaphore(%run_scoped3A : memref<!tpu.dma_semaphore, #tpu.memory_space<semaphore_mem>>) src(%arg7 : memref<125x64xf32, #tpu.memory_space<vmem>>) dst(%dma_wait3A_246 : memref<125x64xf32, #tpu.memory_space<vmem_shared>>)
      tpu.yield
    }) : () -> ()
    %mul3A_36 = arith.constant 625 : i32
    %mul3A_37 = arith.muli %arg1, %mul3A_36 : i32
    %add3A_38 = arith.constant 125 : i32
    %add3A_39 = arith.addi %mul3A_37, %add3A_38 : i32
    "tpu.region"() ({
      %run_scoped3A = tpu.sem_alloc : memref<!tpu.dma_semaphore, #tpu.memory_space<semaphore_mem>>
      %dma_start3A_239 = arith.constant 0 : i32
      %dma_start3A_240 = tpu.memref_slice %arg12[%add3A_39, %dma_start3A_239] : memref<10000x64xf32, #tpu.memory_space<vmem_shared>> -> memref<125x64xf32, #tpu.memory_space<vmem_shared>>
      %dma_start3A_241 = arith.constant 0 : i32
      %dma_start3A_242 = tpu.memref_slice %arg12[%add3A_39, %dma_start3A_241] : memref<10000x64xf32, #tpu.memory_space<vmem_shared>> -> memref<125x64xf32, #tpu.memory_space<vmem_shared>>
      tpu.enqueue_dma source(%arg7 : memref<125x64xf32, #tpu.memory_space<vmem>>) target(%dma_start3A_242 : memref<125x64xf32, #tpu.memory_space<vmem_shared>>) target_semaphore(%run_scoped3A : memref<!tpu.dma_semaphore, #tpu.memory_space<semaphore_mem>>)
      %dma_wait3A_243 = arith.constant 0 : i32
      %dma_wait3A_244 = tpu.memref_slice %arg12[%add3A_39, %dma_wait3A_243] : memref<10000x64xf32, #tpu.memory_space<vmem_shared>> -> memref<125x64xf32, #tpu.memory_space<vmem_shared>>
      %dma_wait3A_245 = arith.constant 0 : i32
      %dma_wait3A_246 = tpu.memref_slice %arg12[%add3A_39, %dma_wait3A_245] : memref<10000x64xf32, #tpu.memory_space<vmem_shared>> -> memref<125x64xf32, #tpu.memory_space<vmem_shared>>
      tpu.wait_dma2 semaphore(%run_scoped3A : memref<!tpu.dma_semaphore, #tpu.memory_space<semaphore_mem>>) src(%arg7 : memref<125x64xf32, #tpu.memory_space<vmem>>) dst(%dma_wait3A_246 : memref<125x64xf32, #tpu.memory_space<vmem_shared>>)
      tpu.yield
    }) : () -> ()
    %mul3A_40 = arith.constant 625 : i32
    %mul3A_41 = arith.muli %arg1, %mul3A_40 : i32
    %add3A_42 = arith.constant 250 : i32
    %add3A_43 = arith.addi %mul3A_41, %add3A_42 : i32
    "tpu.region"() ({
      %run_scoped3A = tpu.sem_alloc : memref<!tpu.dma_semaphore, #tpu.memory_space<semaphore_mem>>
      %dma_start3A_239 = arith.constant 0 : i32
      %dma_start3A_240 = tpu.memref_slice %arg12[%add3A_43, %dma_start3A_239] : memref<10000x64xf32, #tpu.memory_space<vmem_shared>> -> memref<125x64xf32, #tpu.memory_space<vmem_shared>>
      %dma_start3A_241 = arith.constant 0 : i32
      %dma_start3A_242 = tpu.memref_slice %arg12[%add3A_43, %dma_start3A_241] : memref<10000x64xf32, #tpu.memory_space<vmem_shared>> -> memref<125x64xf32, #tpu.memory_space<vmem_shared>>
      tpu.enqueue_dma source(%arg7 : memref<125x64xf32, #tpu.memory_space<vmem>>) target(%dma_start3A_242 : memref<125x64xf32, #tpu.memory_space<vmem_shared>>) target_semaphore(%run_scoped3A : memref<!tpu.dma_semaphore, #tpu.memory_space<semaphore_mem>>)
      %dma_wait3A_243 = arith.constant 0 : i32
      %dma_wait3A_244 = tpu.memref_slice %arg12[%add3A_43, %dma_wait3A_243] : memref<10000x64xf32, #tpu.memory_space<vmem_shared>> -> memref<125x64xf32, #tpu.memory_space<vmem_shared>>
      %dma_wait3A_245 = arith.constant 0 : i32
      %dma_wait3A_246 = tpu.memref_slice %arg12[%add3A_43, %dma_wait3A_245] : memref<10000x64xf32, #tpu.memory_space<vmem_shared>> -> memref<125x64xf32, #tpu.memory_space<vmem_shared>>
      tpu.wait_dma2 semaphore(%run_scoped3A : memref<!tpu.dma_semaphore, #tpu.memory_space<semaphore_mem>>) src(%arg7 : memref<125x64xf32, #tpu.memory_space<vmem>>) dst(%dma_wait3A_246 : memref<125x64xf32, #tpu.memory_space<vmem_shared>>)
      tpu.yield
    }) : () -> ()
    %mul3A_44 = arith.constant 625 : i32
    %mul3A_45 = arith.muli %arg1, %mul3A_44 : i32
    %add3A_46 = arith.constant 375 : i32
    %add3A_47 = arith.addi %mul3A_45, %add3A_46 : i32
    "tpu.region"() ({
      %run_scoped3A = tpu.sem_alloc : memref<!tpu.dma_semaphore, #tpu.memory_space<semaphore_mem>>
      %dma_start3A_239 = arith.constant 0 : i32
      %dma_start3A_240 = tpu.memref_slice %arg12[%add3A_47, %dma_start3A_239] : memref<10000x64xf32, #tpu.memory_space<vmem_shared>> -> memref<125x64xf32, #tpu.memory_space<vmem_shared>>
      %dma_start3A_241 = arith.constant 0 : i32
      %dma_start3A_242 = tpu.memref_slice %arg12[%add3A_47, %dma_start3A_241] : memref<10000x64xf32, #tpu.memory_space<vmem_shared>> -> memref<125x64xf32, #tpu.memory_space<vmem_shared>>
      tpu.enqueue_dma source(%arg7 : memref<125x64xf32, #tpu.memory_space<vmem>>) target(%dma_start3A_242 : memref<125x64xf32, #tpu.memory_space<vmem_shared>>) target_semaphore(%run_scoped3A : memref<!tpu.dma_semaphore, #tpu.memory_space<semaphore_mem>>)
      %dma_wait3A_243 = arith.constant 0 : i32
      %dma_wait3A_244 = tpu.memref_slice %arg12[%add3A_47, %dma_wait3A_243] : memref<10000x64xf32, #tpu.memory_space<vmem_shared>> -> memref<125x64xf32, #tpu.memory_space<vmem_shared>>
      %dma_wait3A_245 = arith.constant 0 : i32
      %dma_wait3A_246 = tpu.memref_slice %arg12[%add3A_47, %dma_wait3A_245] : memref<10000x64xf32, #tpu.memory_space<vmem_shared>> -> memref<125x64xf32, #tpu.memory_space<vmem_shared>>
      tpu.wait_dma2 semaphore(%run_scoped3A : memref<!tpu.dma_semaphore, #tpu.memory_space<semaphore_mem>>) src(%arg7 : memref<125x64xf32, #tpu.memory_space<vmem>>) dst(%dma_wait3A_246 : memref<125x64xf32, #tpu.memory_space<vmem_shared>>)
      tpu.yield
    }) : () -> ()
    %mul3A_48 = arith.constant 625 : i32
    %mul3A_49 = arith.muli %arg1, %mul3A_48 : i32
    %add3A_50 = arith.constant 500 : i32
    %add3A_51 = arith.addi %mul3A_49, %add3A_50 : i32
    "tpu.region"() ({
      %run_scoped3A = tpu.sem_alloc : memref<!tpu.dma_semaphore, #tpu.memory_space<semaphore_mem>>
      %dma_start3A_239 = arith.constant 0 : i32
      %dma_start3A_240 = tpu.memref_slice %arg12[%add3A_51, %dma_start3A_239] : memref<10000x64xf32, #tpu.memory_space<vmem_shared>> -> memref<125x64xf32, #tpu.memory_space<vmem_shared>>
      %dma_start3A_241 = arith.constant 0 : i32
      %dma_start3A_242 = tpu.memref_slice %arg12[%add3A_51, %dma_start3A_241] : memref<10000x64xf32, #tpu.memory_space<vmem_shared>> -> memref<125x64xf32, #tpu.memory_space<vmem_shared>>
      tpu.enqueue_dma source(%arg7 : memref<125x64xf32, #tpu.memory_space<vmem>>) target(%dma_start3A_242 : memref<125x64xf32, #tpu.memory_space<vmem_shared>>) target_semaphore(%run_scoped3A : memref<!tpu.dma_semaphore, #tpu.memory_space<semaphore_mem>>)
      %dma_wait3A_243 = arith.constant 0 : i32
      %dma_wait3A_244 = tpu.memref_slice %arg12[%add3A_51, %dma_wait3A_243] : memref<10000x64xf32, #tpu.memory_space<vmem_shared>> -> memref<125x64xf32, #tpu.memory_space<vmem_shared>>
      %dma_wait3A_245 = arith.constant 0 : i32
      %dma_wait3A_246 = tpu.memref_slice %arg12[%add3A_51, %dma_wait3A_245] : memref<10000x64xf32, #tpu.memory_space<vmem_shared>> -> memref<125x64xf32, #tpu.memory_space<vmem_shared>>
      tpu.wait_dma2 semaphore(%run_scoped3A : memref<!tpu.dma_semaphore, #tpu.memory_space<semaphore_mem>>) src(%arg7 : memref<125x64xf32, #tpu.memory_space<vmem>>) dst(%dma_wait3A_246 : memref<125x64xf32, #tpu.memory_space<vmem_shared>>)
      tpu.yield
    }) : () -> ()
    %barrier3A = arith.constant 0 : index
    tpu.barrier barrier_id(%barrier3A)
    %scan3A_52 = arith.constant 0 : i32
    %scan3A_53 = arith.constant 0 : i32
    %scan3A_54 = arith.constant 25 : i32
    %scan3A_55 = arith.addi %scan3A_53, %scan3A_54 : i32
    %scan3A_56 = arith.constant 1 : i32
    scf.for %scan3A_239 = %scan3A_53 to %scan3A_55 step %scan3A_56  : i32 {
      %gt3A = arith.constant 0 : i32
      %gt3A_240 = arith.cmpi sgt, %scan3A_239, %gt3A : i32
      %convert_element_type3A = arith.extui %gt3A_240 : i1 to i32
      %cond3A = arith.constant 0 : i32
      %cond3A_241 = arith.cmpi ne, %convert_element_type3A, %cond3A : i32
      scf.if %cond3A_241 {
        %dma_wait3A_427 = arith.constant 0 : i32
        %dma_wait3A_428 = arith.constant 0 : i32
        %dma_wait3A_429 = tpu.memref_slice %arg7[%dma_wait3A_427, %dma_wait3A_428] : memref<125x64xf32, #tpu.memory_space<vmem>> -> memref<80x64xf32, #tpu.memory_space<vmem>>
        %dma_wait3A_430 = arith.constant 0 : i32
        %dma_wait3A_431 = tpu.memref_slice %arg6[%dma_wait3A_430] : memref<10000xi32, #tpu.memory_space<vmem>> -> memref<80xi32, #tpu.memory_space<vmem>>
        %dma_wait3A_432 = arith.constant 0 : i32
        %dma_wait3A_433 = arith.constant 0 : i32
        %dma_wait3A_434 = tpu.memref_slice %arg12[%dma_wait3A_432, %dma_wait3A_433] : memref<10000x64xf32, #tpu.memory_space<vmem_shared>> -> memref<10000x64xf32, #tpu.memory_space<vmem_shared>>
        tpu.wait_indirect_dma semaphore(%arg18 : memref<!tpu.dma_semaphore, #tpu.memory_space<semaphore_mem>>) src(%dma_wait3A_429 : memref<80x64xf32, #tpu.memory_space<vmem>>) dst(%dma_wait3A_434 : memref<10000x64xf32, #tpu.memory_space<vmem_shared>>)
      } else {
      }
      %mul3A_242 = arith.constant 5 : i32
      %mul3A_243 = arith.muli %scan3A_239, %mul3A_242 : i32
      %add3A_244 = arith.constant 0 : i32
      %add3A_245 = arith.addi %mul3A_243, %add3A_244 : i32
      %mul3A_246 = arith.constant 80 : i32
      %mul3A_247 = arith.muli %add3A_245, %mul3A_246 : i32
      %dma_start3A_248 = arith.constant 0 : i32
      %dma_start3A_249 = arith.constant 0 : i32
      %dma_start3A_250 = tpu.memref_slice %arg7[%dma_start3A_248, %dma_start3A_249] : memref<125x64xf32, #tpu.memory_space<vmem>> -> memref<80x64xf32, #tpu.memory_space<vmem>>
      %dma_start3A_251 = tpu.memref_slice %arg5[%mul3A_247] : memref<10000xi32, #tpu.memory_space<vmem>> -> memref<80xi32, #tpu.memory_space<vmem>>
      %dma_start3A_252 = arith.constant 0 : i32
      %dma_start3A_253 = arith.constant 0 : i32
      %dma_start3A_254 = tpu.memref_slice %arg2[%dma_start3A_252, %dma_start3A_253] : memref<10000x64xf32, #tpu.memory_space<hbm>> -> memref<10000x64xf32, #tpu.memory_space<hbm>>
      tpu.enqueue_indirect_dma source(%dma_start3A_254 : memref<10000x64xf32, #tpu.memory_space<hbm>>) target(%dma_start3A_250 : memref<80x64xf32, #tpu.memory_space<vmem>>) offsets(%dma_start3A_251 : memref<80xi32, #tpu.memory_space<vmem>>) semaphore(%arg13 : memref<!tpu.dma_semaphore, #tpu.memory_space<semaphore_mem>>)
      %gt3A_255 = arith.constant 0 : i32
      %gt3A_256 = arith.cmpi sgt, %scan3A_239, %gt3A_255 : i32
      %convert_element_type3A_257 = arith.extui %gt3A_256 : i1 to i32
      %cond3A_258 = arith.constant 0 : i32
      %cond3A_259 = arith.cmpi ne, %convert_element_type3A_257, %cond3A_258 : i32
      scf.if %cond3A_259 {
        %dma_wait3A_427 = arith.constant 0 : i32
        %dma_wait3A_428 = arith.constant 0 : i32
        %dma_wait3A_429 = tpu.memref_slice %arg8[%dma_wait3A_427, %dma_wait3A_428] : memref<125x64xf32, #tpu.memory_space<vmem>> -> memref<80x64xf32, #tpu.memory_space<vmem>>
        %dma_wait3A_430 = arith.constant 0 : i32
        %dma_wait3A_431 = tpu.memref_slice %arg6[%dma_wait3A_430] : memref<10000xi32, #tpu.memory_space<vmem>> -> memref<80xi32, #tpu.memory_space<vmem>>
        %dma_wait3A_432 = arith.constant 0 : i32
        %dma_wait3A_433 = arith.constant 0 : i32
        %dma_wait3A_434 = tpu.memref_slice %arg12[%dma_wait3A_432, %dma_wait3A_433] : memref<10000x64xf32, #tpu.memory_space<vmem_shared>> -> memref<10000x64xf32, #tpu.memory_space<vmem_shared>>
        tpu.wait_indirect_dma semaphore(%arg19 : memref<!tpu.dma_semaphore, #tpu.memory_space<semaphore_mem>>) src(%dma_wait3A_429 : memref<80x64xf32, #tpu.memory_space<vmem>>) dst(%dma_wait3A_434 : memref<10000x64xf32, #tpu.memory_space<vmem_shared>>)
      } else {
      }
      %mul3A_260 = arith.constant 5 : i32
      %mul3A_261 = arith.muli %scan3A_239, %mul3A_260 : i32
      %add3A_262 = arith.constant 1 : i32
      %add3A_263 = arith.addi %mul3A_261, %add3A_262 : i32
      %mul3A_264 = arith.constant 80 : i32
      %mul3A_265 = arith.muli %add3A_263, %mul3A_264 : i32
      %dma_start3A_266 = arith.constant 0 : i32
      %dma_start3A_267 = arith.constant 0 : i32
      %dma_start3A_268 = tpu.memref_slice %arg8[%dma_start3A_266, %dma_start3A_267] : memref<125x64xf32, #tpu.memory_space<vmem>> -> memref<80x64xf32, #tpu.memory_space<vmem>>
      %dma_start3A_269 = tpu.memref_slice %arg5[%mul3A_265] : memref<10000xi32, #tpu.memory_space<vmem>> -> memref<80xi32, #tpu.memory_space<vmem>>
      %dma_start3A_270 = arith.constant 0 : i32
      %dma_start3A_271 = arith.constant 0 : i32
      %dma_start3A_272 = tpu.memref_slice %arg2[%dma_start3A_270, %dma_start3A_271] : memref<10000x64xf32, #tpu.memory_space<hbm>> -> memref<10000x64xf32, #tpu.memory_space<hbm>>
      tpu.enqueue_indirect_dma source(%dma_start3A_272 : memref<10000x64xf32, #tpu.memory_space<hbm>>) target(%dma_start3A_268 : memref<80x64xf32, #tpu.memory_space<vmem>>) offsets(%dma_start3A_269 : memref<80xi32, #tpu.memory_space<vmem>>) semaphore(%arg14 : memref<!tpu.dma_semaphore, #tpu.memory_space<semaphore_mem>>)
      %gt3A_273 = arith.constant 0 : i32
      %gt3A_274 = arith.cmpi sgt, %scan3A_239, %gt3A_273 : i32
      %convert_element_type3A_275 = arith.extui %gt3A_274 : i1 to i32
      %cond3A_276 = arith.constant 0 : i32
      %cond3A_277 = arith.cmpi ne, %convert_element_type3A_275, %cond3A_276 : i32
      scf.if %cond3A_277 {
        %dma_wait3A_427 = arith.constant 0 : i32
        %dma_wait3A_428 = arith.constant 0 : i32
        %dma_wait3A_429 = tpu.memref_slice %arg9[%dma_wait3A_427, %dma_wait3A_428] : memref<125x64xf32, #tpu.memory_space<vmem>> -> memref<80x64xf32, #tpu.memory_space<vmem>>
        %dma_wait3A_430 = arith.constant 0 : i32
        %dma_wait3A_431 = tpu.memref_slice %arg6[%dma_wait3A_430] : memref<10000xi32, #tpu.memory_space<vmem>> -> memref<80xi32, #tpu.memory_space<vmem>>
        %dma_wait3A_432 = arith.constant 0 : i32
        %dma_wait3A_433 = arith.constant 0 : i32
        %dma_wait3A_434 = tpu.memref_slice %arg12[%dma_wait3A_432, %dma_wait3A_433] : memref<10000x64xf32, #tpu.memory_space<vmem_shared>> -> memref<10000x64xf32, #tpu.memory_space<vmem_shared>>
        tpu.wait_indirect_dma semaphore(%arg20 : memref<!tpu.dma_semaphore, #tpu.memory_space<semaphore_mem>>) src(%dma_wait3A_429 : memref<80x64xf32, #tpu.memory_space<vmem>>) dst(%dma_wait3A_434 : memref<10000x64xf32, #tpu.memory_space<vmem_shared>>)
      } else {
      }
      %mul3A_278 = arith.constant 5 : i32
      %mul3A_279 = arith.muli %scan3A_239, %mul3A_278 : i32
      %add3A_280 = arith.constant 2 : i32
      %add3A_281 = arith.addi %mul3A_279, %add3A_280 : i32
      %mul3A_282 = arith.constant 80 : i32
      %mul3A_283 = arith.muli %add3A_281, %mul3A_282 : i32
      %dma_start3A_284 = arith.constant 0 : i32
      %dma_start3A_285 = arith.constant 0 : i32
      %dma_start3A_286 = tpu.memref_slice %arg9[%dma_start3A_284, %dma_start3A_285] : memref<125x64xf32, #tpu.memory_space<vmem>> -> memref<80x64xf32, #tpu.memory_space<vmem>>
      %dma_start3A_287 = tpu.memref_slice %arg5[%mul3A_283] : memref<10000xi32, #tpu.memory_space<vmem>> -> memref<80xi32, #tpu.memory_space<vmem>>
      %dma_start3A_288 = arith.constant 0 : i32
      %dma_start3A_289 = arith.constant 0 : i32
      %dma_start3A_290 = tpu.memref_slice %arg2[%dma_start3A_288, %dma_start3A_289] : memref<10000x64xf32, #tpu.memory_space<hbm>> -> memref<10000x64xf32, #tpu.memory_space<hbm>>
      tpu.enqueue_indirect_dma source(%dma_start3A_290 : memref<10000x64xf32, #tpu.memory_space<hbm>>) target(%dma_start3A_286 : memref<80x64xf32, #tpu.memory_space<vmem>>) offsets(%dma_start3A_287 : memref<80xi32, #tpu.memory_space<vmem>>) semaphore(%arg15 : memref<!tpu.dma_semaphore, #tpu.memory_space<semaphore_mem>>)
      %gt3A_291 = arith.constant 0 : i32
      %gt3A_292 = arith.cmpi sgt, %scan3A_239, %gt3A_291 : i32
      %convert_element_type3A_293 = arith.extui %gt3A_292 : i1 to i32
      %cond3A_294 = arith.constant 0 : i32
      %cond3A_295 = arith.cmpi ne, %convert_element_type3A_293, %cond3A_294 : i32
      scf.if %cond3A_295 {
        %dma_wait3A_427 = arith.constant 0 : i32
        %dma_wait3A_428 = arith.constant 0 : i32
        %dma_wait3A_429 = tpu.memref_slice %arg10[%dma_wait3A_427, %dma_wait3A_428] : memref<125x64xf32, #tpu.memory_space<vmem>> -> memref<80x64xf32, #tpu.memory_space<vmem>>
        %dma_wait3A_430 = arith.constant 0 : i32
        %dma_wait3A_431 = tpu.memref_slice %arg6[%dma_wait3A_430] : memref<10000xi32, #tpu.memory_space<vmem>> -> memref<80xi32, #tpu.memory_space<vmem>>
        %dma_wait3A_432 = arith.constant 0 : i32
        %dma_wait3A_433 = arith.constant 0 : i32
        %dma_wait3A_434 = tpu.memref_slice %arg12[%dma_wait3A_432, %dma_wait3A_433] : memref<10000x64xf32, #tpu.memory_space<vmem_shared>> -> memref<10000x64xf32, #tpu.memory_space<vmem_shared>>
        tpu.wait_indirect_dma semaphore(%arg21 : memref<!tpu.dma_semaphore, #tpu.memory_space<semaphore_mem>>) src(%dma_wait3A_429 : memref<80x64xf32, #tpu.memory_space<vmem>>) dst(%dma_wait3A_434 : memref<10000x64xf32, #tpu.memory_space<vmem_shared>>)
      } else {
      }
      %mul3A_296 = arith.constant 5 : i32
      %mul3A_297 = arith.muli %scan3A_239, %mul3A_296 : i32
      %add3A_298 = arith.constant 3 : i32
      %add3A_299 = arith.addi %mul3A_297, %add3A_298 : i32
      %mul3A_300 = arith.constant 80 : i32
      %mul3A_301 = arith.muli %add3A_299, %mul3A_300 : i32
      %dma_start3A_302 = arith.constant 0 : i32
      %dma_start3A_303 = arith.constant 0 : i32
      %dma_start3A_304 = tpu.memref_slice %arg10[%dma_start3A_302, %dma_start3A_303] : memref<125x64xf32, #tpu.memory_space<vmem>> -> memref<80x64xf32, #tpu.memory_space<vmem>>
      %dma_start3A_305 = tpu.memref_slice %arg5[%mul3A_301] : memref<10000xi32, #tpu.memory_space<vmem>> -> memref<80xi32, #tpu.memory_space<vmem>>
      %dma_start3A_306 = arith.constant 0 : i32
      %dma_start3A_307 = arith.constant 0 : i32
      %dma_start3A_308 = tpu.memref_slice %arg2[%dma_start3A_306, %dma_start3A_307] : memref<10000x64xf32, #tpu.memory_space<hbm>> -> memref<10000x64xf32, #tpu.memory_space<hbm>>
      tpu.enqueue_indirect_dma source(%dma_start3A_308 : memref<10000x64xf32, #tpu.memory_space<hbm>>) target(%dma_start3A_304 : memref<80x64xf32, #tpu.memory_space<vmem>>) offsets(%dma_start3A_305 : memref<80xi32, #tpu.memory_space<vmem>>) semaphore(%arg16 : memref<!tpu.dma_semaphore, #tpu.memory_space<semaphore_mem>>)
      %gt3A_309 = arith.constant 0 : i32
      %gt3A_310 = arith.cmpi sgt, %scan3A_239, %gt3A_309 : i32
      %convert_element_type3A_311 = arith.extui %gt3A_310 : i1 to i32
      %cond3A_312 = arith.constant 0 : i32
      %cond3A_313 = arith.cmpi ne, %convert_element_type3A_311, %cond3A_312 : i32
      scf.if %cond3A_313 {
        %dma_wait3A_427 = arith.constant 0 : i32
        %dma_wait3A_428 = arith.constant 0 : i32
        %dma_wait3A_429 = tpu.memref_slice %arg11[%dma_wait3A_427, %dma_wait3A_428] : memref<125x64xf32, #tpu.memory_space<vmem>> -> memref<80x64xf32, #tpu.memory_space<vmem>>
        %dma_wait3A_430 = arith.constant 0 : i32
        %dma_wait3A_431 = tpu.memref_slice %arg6[%dma_wait3A_430] : memref<10000xi32, #tpu.memory_space<vmem>> -> memref<80xi32, #tpu.memory_space<vmem>>
        %dma_wait3A_432 = arith.constant 0 : i32
        %dma_wait3A_433 = arith.constant 0 : i32
        %dma_wait3A_434 = tpu.memref_slice %arg12[%dma_wait3A_432, %dma_wait3A_433] : memref<10000x64xf32, #tpu.memory_space<vmem_shared>> -> memref<10000x64xf32, #tpu.memory_space<vmem_shared>>
        tpu.wait_indirect_dma semaphore(%arg22 : memref<!tpu.dma_semaphore, #tpu.memory_space<semaphore_mem>>) src(%dma_wait3A_429 : memref<80x64xf32, #tpu.memory_space<vmem>>) dst(%dma_wait3A_434 : memref<10000x64xf32, #tpu.memory_space<vmem_shared>>)
      } else {
      }
      %mul3A_314 = arith.constant 5 : i32
      %mul3A_315 = arith.muli %scan3A_239, %mul3A_314 : i32
      %add3A_316 = arith.constant 4 : i32
      %add3A_317 = arith.addi %mul3A_315, %add3A_316 : i32
      %mul3A_318 = arith.constant 80 : i32
      %mul3A_319 = arith.muli %add3A_317, %mul3A_318 : i32
      %dma_start3A_320 = arith.constant 0 : i32
      %dma_start3A_321 = arith.constant 0 : i32
      %dma_start3A_322 = tpu.memref_slice %arg11[%dma_start3A_320, %dma_start3A_321] : memref<125x64xf32, #tpu.memory_space<vmem>> -> memref<80x64xf32, #tpu.memory_space<vmem>>
      %dma_start3A_323 = tpu.memref_slice %arg5[%mul3A_319] : memref<10000xi32, #tpu.memory_space<vmem>> -> memref<80xi32, #tpu.memory_space<vmem>>
      %dma_start3A_324 = arith.constant 0 : i32
      %dma_start3A_325 = arith.constant 0 : i32
      %dma_start3A_326 = tpu.memref_slice %arg2[%dma_start3A_324, %dma_start3A_325] : memref<10000x64xf32, #tpu.memory_space<hbm>> -> memref<10000x64xf32, #tpu.memory_space<hbm>>
      tpu.enqueue_indirect_dma source(%dma_start3A_326 : memref<10000x64xf32, #tpu.memory_space<hbm>>) target(%dma_start3A_322 : memref<80x64xf32, #tpu.memory_space<vmem>>) offsets(%dma_start3A_323 : memref<80xi32, #tpu.memory_space<vmem>>) semaphore(%arg17 : memref<!tpu.dma_semaphore, #tpu.memory_space<semaphore_mem>>)
      %dma_wait3A_327 = arith.constant 0 : i32
      %dma_wait3A_328 = arith.constant 0 : i32
      %dma_wait3A_329 = tpu.memref_slice %arg7[%dma_wait3A_327, %dma_wait3A_328] : memref<125x64xf32, #tpu.memory_space<vmem>> -> memref<80x64xf32, #tpu.memory_space<vmem>>
      %dma_wait3A_330 = tpu.memref_slice %arg5[%mul3A_247] : memref<10000xi32, #tpu.memory_space<vmem>> -> memref<80xi32, #tpu.memory_space<vmem>>
      %dma_wait3A_331 = arith.constant 0 : i32
      %dma_wait3A_332 = arith.constant 0 : i32
      %dma_wait3A_333 = tpu.memref_slice %arg2[%dma_wait3A_331, %dma_wait3A_332] : memref<10000x64xf32, #tpu.memory_space<hbm>> -> memref<10000x64xf32, #tpu.memory_space<hbm>>
      tpu.wait_indirect_dma semaphore(%arg13 : memref<!tpu.dma_semaphore, #tpu.memory_space<semaphore_mem>>) src(%dma_wait3A_333 : memref<10000x64xf32, #tpu.memory_space<hbm>>) dst(%dma_wait3A_329 : memref<80x64xf32, #tpu.memory_space<vmem>>)
      %mul3A_334 = arith.constant 5 : i32
      %mul3A_335 = arith.muli %scan3A_239, %mul3A_334 : i32
      %add3A_336 = arith.constant 0 : i32
      %add3A_337 = arith.addi %mul3A_335, %add3A_336 : i32
      %mul3A_338 = arith.constant 80 : i32
      %mul3A_339 = arith.muli %add3A_337, %mul3A_338 : i32
      %dma_start3A_340 = arith.constant 0 : i32
      %dma_start3A_341 = arith.constant 0 : i32
      %dma_start3A_342 = tpu.memref_slice %arg7[%dma_start3A_340, %dma_start3A_341] : memref<125x64xf32, #tpu.memory_space<vmem>> -> memref<80x64xf32, #tpu.memory_space<vmem>>
      %dma_start3A_343 = tpu.memref_slice %arg6[%mul3A_339] : memref<10000xi32, #tpu.memory_space<vmem>> -> memref<80xi32, #tpu.memory_space<vmem>>
      %dma_start3A_344 = arith.constant 0 : i32
      %dma_start3A_345 = arith.constant 0 : i32
      %dma_start3A_346 = tpu.memref_slice %arg12[%dma_start3A_344, %dma_start3A_345] : memref<10000x64xf32, #tpu.memory_space<vmem_shared>> -> memref<10000x64xf32, #tpu.memory_space<vmem_shared>>
      tpu.enqueue_indirect_dma source(%dma_start3A_342 : memref<80x64xf32, #tpu.memory_space<vmem>>) target(%dma_start3A_346 : memref<10000x64xf32, #tpu.memory_space<vmem_shared>>) offsets(%dma_start3A_343 : memref<80xi32, #tpu.memory_space<vmem>>) semaphore(%arg18 : memref<!tpu.dma_semaphore, #tpu.memory_space<semaphore_mem>>) {add = true}
      %dma_wait3A_347 = arith.constant 0 : i32
      %dma_wait3A_348 = arith.constant 0 : i32
      %dma_wait3A_349 = tpu.memref_slice %arg8[%dma_wait3A_347, %dma_wait3A_348] : memref<125x64xf32, #tpu.memory_space<vmem>> -> memref<80x64xf32, #tpu.memory_space<vmem>>
      %dma_wait3A_350 = tpu.memref_slice %arg5[%mul3A_265] : memref<10000xi32, #tpu.memory_space<vmem>> -> memref<80xi32, #tpu.memory_space<vmem>>
      %dma_wait3A_351 = arith.constant 0 : i32
      %dma_wait3A_352 = arith.constant 0 : i32
      %dma_wait3A_353 = tpu.memref_slice %arg2[%dma_wait3A_351, %dma_wait3A_352] : memref<10000x64xf32, #tpu.memory_space<hbm>> -> memref<10000x64xf32, #tpu.memory_space<hbm>>
      tpu.wait_indirect_dma semaphore(%arg14 : memref<!tpu.dma_semaphore, #tpu.memory_space<semaphore_mem>>) src(%dma_wait3A_353 : memref<10000x64xf32, #tpu.memory_space<hbm>>) dst(%dma_wait3A_349 : memref<80x64xf32, #tpu.memory_space<vmem>>)
      %mul3A_354 = arith.constant 5 : i32
      %mul3A_355 = arith.muli %scan3A_239, %mul3A_354 : i32
      %add3A_356 = arith.constant 1 : i32
      %add3A_357 = arith.addi %mul3A_355, %add3A_356 : i32
      %mul3A_358 = arith.constant 80 : i32
      %mul3A_359 = arith.muli %add3A_357, %mul3A_358 : i32
      %dma_start3A_360 = arith.constant 0 : i32
      %dma_start3A_361 = arith.constant 0 : i32
      %dma_start3A_362 = tpu.memref_slice %arg8[%dma_start3A_360, %dma_start3A_361] : memref<125x64xf32, #tpu.memory_space<vmem>> -> memref<80x64xf32, #tpu.memory_space<vmem>>
      %dma_start3A_363 = tpu.memref_slice %arg6[%mul3A_359] : memref<10000xi32, #tpu.memory_space<vmem>> -> memref<80xi32, #tpu.memory_space<vmem>>
      %dma_start3A_364 = arith.constant 0 : i32
      %dma_start3A_365 = arith.constant 0 : i32
      %dma_start3A_366 = tpu.memref_slice %arg12[%dma_start3A_364, %dma_start3A_365] : memref<10000x64xf32, #tpu.memory_space<vmem_shared>> -> memref<10000x64xf32, #tpu.memory_space<vmem_shared>>
      tpu.enqueue_indirect_dma source(%dma_start3A_362 : memref<80x64xf32, #tpu.memory_space<vmem>>) target(%dma_start3A_366 : memref<10000x64xf32, #tpu.memory_space<vmem_shared>>) offsets(%dma_start3A_363 : memref<80xi32, #tpu.memory_space<vmem>>) semaphore(%arg19 : memref<!tpu.dma_semaphore, #tpu.memory_space<semaphore_mem>>) {add = true}
      %dma_wait3A_367 = arith.constant 0 : i32
      %dma_wait3A_368 = arith.constant 0 : i32
      %dma_wait3A_369 = tpu.memref_slice %arg9[%dma_wait3A_367, %dma_wait3A_368] : memref<125x64xf32, #tpu.memory_space<vmem>> -> memref<80x64xf32, #tpu.memory_space<vmem>>
      %dma_wait3A_370 = tpu.memref_slice %arg5[%mul3A_283] : memref<10000xi32, #tpu.memory_space<vmem>> -> memref<80xi32, #tpu.memory_space<vmem>>
      %dma_wait3A_371 = arith.constant 0 : i32
      %dma_wait3A_372 = arith.constant 0 : i32
      %dma_wait3A_373 = tpu.memref_slice %arg2[%dma_wait3A_371, %dma_wait3A_372] : memref<10000x64xf32, #tpu.memory_space<hbm>> -> memref<10000x64xf32, #tpu.memory_space<hbm>>
      tpu.wait_indirect_dma semaphore(%arg15 : memref<!tpu.dma_semaphore, #tpu.memory_space<semaphore_mem>>) src(%dma_wait3A_373 : memref<10000x64xf32, #tpu.memory_space<hbm>>) dst(%dma_wait3A_369 : memref<80x64xf32, #tpu.memory_space<vmem>>)
      %mul3A_374 = arith.constant 5 : i32
      %mul3A_375 = arith.muli %scan3A_239, %mul3A_374 : i32
      %add3A_376 = arith.constant 2 : i32
      %add3A_377 = arith.addi %mul3A_375, %add3A_376 : i32
      %mul3A_378 = arith.constant 80 : i32
      %mul3A_379 = arith.muli %add3A_377, %mul3A_378 : i32
      %dma_start3A_380 = arith.constant 0 : i32
      %dma_start3A_381 = arith.constant 0 : i32
      %dma_start3A_382 = tpu.memref_slice %arg9[%dma_start3A_380, %dma_start3A_381] : memref<125x64xf32, #tpu.memory_space<vmem>> -> memref<80x64xf32, #tpu.memory_space<vmem>>
      %dma_start3A_383 = tpu.memref_slice %arg6[%mul3A_379] : memref<10000xi32, #tpu.memory_space<vmem>> -> memref<80xi32, #tpu.memory_space<vmem>>
      %dma_start3A_384 = arith.constant 0 : i32
      %dma_start3A_385 = arith.constant 0 : i32
      %dma_start3A_386 = tpu.memref_slice %arg12[%dma_start3A_384, %dma_start3A_385] : memref<10000x64xf32, #tpu.memory_space<vmem_shared>> -> memref<10000x64xf32, #tpu.memory_space<vmem_shared>>
      tpu.enqueue_indirect_dma source(%dma_start3A_382 : memref<80x64xf32, #tpu.memory_space<vmem>>) target(%dma_start3A_386 : memref<10000x64xf32, #tpu.memory_space<vmem_shared>>) offsets(%dma_start3A_383 : memref<80xi32, #tpu.memory_space<vmem>>) semaphore(%arg20 : memref<!tpu.dma_semaphore, #tpu.memory_space<semaphore_mem>>) {add = true}
      %dma_wait3A_387 = arith.constant 0 : i32
      %dma_wait3A_388 = arith.constant 0 : i32
      %dma_wait3A_389 = tpu.memref_slice %arg10[%dma_wait3A_387, %dma_wait3A_388] : memref<125x64xf32, #tpu.memory_space<vmem>> -> memref<80x64xf32, #tpu.memory_space<vmem>>
      %dma_wait3A_390 = tpu.memref_slice %arg5[%mul3A_301] : memref<10000xi32, #tpu.memory_space<vmem>> -> memref<80xi32, #tpu.memory_space<vmem>>
      %dma_wait3A_391 = arith.constant 0 : i32
      %dma_wait3A_392 = arith.constant 0 : i32
      %dma_wait3A_393 = tpu.memref_slice %arg2[%dma_wait3A_391, %dma_wait3A_392] : memref<10000x64xf32, #tpu.memory_space<hbm>> -> memref<10000x64xf32, #tpu.memory_space<hbm>>
      tpu.wait_indirect_dma semaphore(%arg16 : memref<!tpu.dma_semaphore, #tpu.memory_space<semaphore_mem>>) src(%dma_wait3A_393 : memref<10000x64xf32, #tpu.memory_space<hbm>>) dst(%dma_wait3A_389 : memref<80x64xf32, #tpu.memory_space<vmem>>)
      %mul3A_394 = arith.constant 5 : i32
      %mul3A_395 = arith.muli %scan3A_239, %mul3A_394 : i32
      %add3A_396 = arith.constant 3 : i32
      %add3A_397 = arith.addi %mul3A_395, %add3A_396 : i32
      %mul3A_398 = arith.constant 80 : i32
      %mul3A_399 = arith.muli %add3A_397, %mul3A_398 : i32
      %dma_start3A_400 = arith.constant 0 : i32
      %dma_start3A_401 = arith.constant 0 : i32
      %dma_start3A_402 = tpu.memref_slice %arg10[%dma_start3A_400, %dma_start3A_401] : memref<125x64xf32, #tpu.memory_space<vmem>> -> memref<80x64xf32, #tpu.memory_space<vmem>>
      %dma_start3A_403 = tpu.memref_slice %arg6[%mul3A_399] : memref<10000xi32, #tpu.memory_space<vmem>> -> memref<80xi32, #tpu.memory_space<vmem>>
      %dma_start3A_404 = arith.constant 0 : i32
      %dma_start3A_405 = arith.constant 0 : i32
      %dma_start3A_406 = tpu.memref_slice %arg12[%dma_start3A_404, %dma_start3A_405] : memref<10000x64xf32, #tpu.memory_space<vmem_shared>> -> memref<10000x64xf32, #tpu.memory_space<vmem_shared>>
      tpu.enqueue_indirect_dma source(%dma_start3A_402 : memref<80x64xf32, #tpu.memory_space<vmem>>) target(%dma_start3A_406 : memref<10000x64xf32, #tpu.memory_space<vmem_shared>>) offsets(%dma_start3A_403 : memref<80xi32, #tpu.memory_space<vmem>>) semaphore(%arg21 : memref<!tpu.dma_semaphore, #tpu.memory_space<semaphore_mem>>) {add = true}
      %dma_wait3A_407 = arith.constant 0 : i32
      %dma_wait3A_408 = arith.constant 0 : i32
      %dma_wait3A_409 = tpu.memref_slice %arg11[%dma_wait3A_407, %dma_wait3A_408] : memref<125x64xf32, #tpu.memory_space<vmem>> -> memref<80x64xf32, #tpu.memory_space<vmem>>
      %dma_wait3A_410 = tpu.memref_slice %arg5[%mul3A_319] : memref<10000xi32, #tpu.memory_space<vmem>> -> memref<80xi32, #tpu.memory_space<vmem>>
      %dma_wait3A_411 = arith.constant 0 : i32
      %dma_wait3A_412 = arith.constant 0 : i32
      %dma_wait3A_413 = tpu.memref_slice %arg2[%dma_wait3A_411, %dma_wait3A_412] : memref<10000x64xf32, #tpu.memory_space<hbm>> -> memref<10000x64xf32, #tpu.memory_space<hbm>>
      tpu.wait_indirect_dma semaphore(%arg17 : memref<!tpu.dma_semaphore, #tpu.memory_space<semaphore_mem>>) src(%dma_wait3A_413 : memref<10000x64xf32, #tpu.memory_space<hbm>>) dst(%dma_wait3A_409 : memref<80x64xf32, #tpu.memory_space<vmem>>)
      %mul3A_414 = arith.constant 5 : i32
      %mul3A_415 = arith.muli %scan3A_239, %mul3A_414 : i32
      %add3A_416 = arith.constant 4 : i32
      %add3A_417 = arith.addi %mul3A_415, %add3A_416 : i32
      %mul3A_418 = arith.constant 80 : i32
      %mul3A_419 = arith.muli %add3A_417, %mul3A_418 : i32
      %dma_start3A_420 = arith.constant 0 : i32
      %dma_start3A_421 = arith.constant 0 : i32
      %dma_start3A_422 = tpu.memref_slice %arg11[%dma_start3A_420, %dma_start3A_421] : memref<125x64xf32, #tpu.memory_space<vmem>> -> memref<80x64xf32, #tpu.memory_space<vmem>>
      %dma_start3A_423 = tpu.memref_slice %arg6[%mul3A_419] : memref<10000xi32, #tpu.memory_space<vmem>> -> memref<80xi32, #tpu.memory_space<vmem>>
      %dma_start3A_424 = arith.constant 0 : i32
      %dma_start3A_425 = arith.constant 0 : i32
      %dma_start3A_426 = tpu.memref_slice %arg12[%dma_start3A_424, %dma_start3A_425] : memref<10000x64xf32, #tpu.memory_space<vmem_shared>> -> memref<10000x64xf32, #tpu.memory_space<vmem_shared>>
      tpu.enqueue_indirect_dma source(%dma_start3A_422 : memref<80x64xf32, #tpu.memory_space<vmem>>) target(%dma_start3A_426 : memref<10000x64xf32, #tpu.memory_space<vmem_shared>>) offsets(%dma_start3A_423 : memref<80xi32, #tpu.memory_space<vmem>>) semaphore(%arg22 : memref<!tpu.dma_semaphore, #tpu.memory_space<semaphore_mem>>) {add = true}
    }
    %scan3A_57 = arith.constant 25 : i32
    %dma_wait3A_58 = arith.constant 0 : i32
    %dma_wait3A_59 = arith.constant 0 : i32
    %dma_wait3A_60 = tpu.memref_slice %arg7[%dma_wait3A_58, %dma_wait3A_59] : memref<125x64xf32, #tpu.memory_space<vmem>> -> memref<80x64xf32, #tpu.memory_space<vmem>>
    %dma_wait3A_61 = arith.constant 0 : i32
    %dma_wait3A_62 = tpu.memref_slice %arg6[%dma_wait3A_61] : memref<10000xi32, #tpu.memory_space<vmem>> -> memref<80xi32, #tpu.memory_space<vmem>>
    %dma_wait3A_63 = arith.constant 0 : i32
    %dma_wait3A_64 = arith.constant 0 : i32
    %dma_wait3A_65 = tpu.memref_slice %arg12[%dma_wait3A_63, %dma_wait3A_64] : memref<10000x64xf32, #tpu.memory_space<vmem_shared>> -> memref<10000x64xf32, #tpu.memory_space<vmem_shared>>
    tpu.wait_indirect_dma semaphore(%arg18 : memref<!tpu.dma_semaphore, #tpu.memory_space<semaphore_mem>>) src(%dma_wait3A_60 : memref<80x64xf32, #tpu.memory_space<vmem>>) dst(%dma_wait3A_65 : memref<10000x64xf32, #tpu.memory_space<vmem_shared>>)
    %dma_wait3A_66 = arith.constant 0 : i32
    %dma_wait3A_67 = arith.constant 0 : i32
    %dma_wait3A_68 = tpu.memref_slice %arg8[%dma_wait3A_66, %dma_wait3A_67] : memref<125x64xf32, #tpu.memory_space<vmem>> -> memref<80x64xf32, #tpu.memory_space<vmem>>
    %dma_wait3A_69 = arith.constant 0 : i32
    %dma_wait3A_70 = tpu.memref_slice %arg6[%dma_wait3A_69] : memref<10000xi32, #tpu.memory_space<vmem>> -> memref<80xi32, #tpu.memory_space<vmem>>
    %dma_wait3A_71 = arith.constant 0 : i32
    %dma_wait3A_72 = arith.constant 0 : i32
    %dma_wait3A_73 = tpu.memref_slice %arg12[%dma_wait3A_71, %dma_wait3A_72] : memref<10000x64xf32, #tpu.memory_space<vmem_shared>> -> memref<10000x64xf32, #tpu.memory_space<vmem_shared>>
    tpu.wait_indirect_dma semaphore(%arg19 : memref<!tpu.dma_semaphore, #tpu.memory_space<semaphore_mem>>) src(%dma_wait3A_68 : memref<80x64xf32, #tpu.memory_space<vmem>>) dst(%dma_wait3A_73 : memref<10000x64xf32, #tpu.memory_space<vmem_shared>>)
    %dma_wait3A_74 = arith.constant 0 : i32
    %dma_wait3A_75 = arith.constant 0 : i32
    %dma_wait3A_76 = tpu.memref_slice %arg9[%dma_wait3A_74, %dma_wait3A_75] : memref<125x64xf32, #tpu.memory_space<vmem>> -> memref<80x64xf32, #tpu.memory_space<vmem>>
    %dma_wait3A_77 = arith.constant 0 : i32
    %dma_wait3A_78 = tpu.memref_slice %arg6[%dma_wait3A_77] : memref<10000xi32, #tpu.memory_space<vmem>> -> memref<80xi32, #tpu.memory_space<vmem>>
    %dma_wait3A_79 = arith.constant 0 : i32
    %dma_wait3A_80 = arith.constant 0 : i32
    %dma_wait3A_81 = tpu.memref_slice %arg12[%dma_wait3A_79, %dma_wait3A_80] : memref<10000x64xf32, #tpu.memory_space<vmem_shared>> -> memref<10000x64xf32, #tpu.memory_space<vmem_shared>>
    tpu.wait_indirect_dma semaphore(%arg20 : memref<!tpu.dma_semaphore, #tpu.memory_space<semaphore_mem>>) src(%dma_wait3A_76 : memref<80x64xf32, #tpu.memory_space<vmem>>) dst(%dma_wait3A_81 : memref<10000x64xf32, #tpu.memory_space<vmem_shared>>)
    %dma_wait3A_82 = arith.constant 0 : i32
    %dma_wait3A_83 = arith.constant 0 : i32
    %dma_wait3A_84 = tpu.memref_slice %arg10[%dma_wait3A_82, %dma_wait3A_83] : memref<125x64xf32, #tpu.memory_space<vmem>> -> memref<80x64xf32, #tpu.memory_space<vmem>>
    %dma_wait3A_85 = arith.constant 0 : i32
    %dma_wait3A_86 = tpu.memref_slice %arg6[%dma_wait3A_85] : memref<10000xi32, #tpu.memory_space<vmem>> -> memref<80xi32, #tpu.memory_space<vmem>>
    %dma_wait3A_87 = arith.constant 0 : i32
    %dma_wait3A_88 = arith.constant 0 : i32
    %dma_wait3A_89 = tpu.memref_slice %arg12[%dma_wait3A_87, %dma_wait3A_88] : memref<10000x64xf32, #tpu.memory_space<vmem_shared>> -> memref<10000x64xf32, #tpu.memory_space<vmem_shared>>
    tpu.wait_indirect_dma semaphore(%arg21 : memref<!tpu.dma_semaphore, #tpu.memory_space<semaphore_mem>>) src(%dma_wait3A_84 : memref<80x64xf32, #tpu.memory_space<vmem>>) dst(%dma_wait3A_89 : memref<10000x64xf32, #tpu.memory_space<vmem_shared>>)
    %dma_wait3A_90 = arith.constant 0 : i32
    %dma_wait3A_91 = arith.constant 0 : i32
    %dma_wait3A_92 = tpu.memref_slice %arg11[%dma_wait3A_90, %dma_wait3A_91] : memref<125x64xf32, #tpu.memory_space<vmem>> -> memref<80x64xf32, #tpu.memory_space<vmem>>
    %dma_wait3A_93 = arith.constant 0 : i32
    %dma_wait3A_94 = tpu.memref_slice %arg6[%dma_wait3A_93] : memref<10000xi32, #tpu.memory_space<vmem>> -> memref<80xi32, #tpu.memory_space<vmem>>
    %dma_wait3A_95 = arith.constant 0 : i32
    %dma_wait3A_96 = arith.constant 0 : i32
    %dma_wait3A_97 = tpu.memref_slice %arg12[%dma_wait3A_95, %dma_wait3A_96] : memref<10000x64xf32, #tpu.memory_space<vmem_shared>> -> memref<10000x64xf32, #tpu.memory_space<vmem_shared>>
    tpu.wait_indirect_dma semaphore(%arg22 : memref<!tpu.dma_semaphore, #tpu.memory_space<semaphore_mem>>) src(%dma_wait3A_92 : memref<80x64xf32, #tpu.memory_space<vmem>>) dst(%dma_wait3A_97 : memref<10000x64xf32, #tpu.memory_space<vmem_shared>>)
    %barrier3A_98 = arith.constant 0 : index
    tpu.barrier barrier_id(%barrier3A_98)
    %mul3A_99 = arith.constant 625 : i32
    %mul3A_100 = arith.muli %arg1, %mul3A_99 : i32
    %add3A_101 = arith.constant 0 : i32
    %add3A_102 = arith.addi %mul3A_100, %add3A_101 : i32
    %dma_start3A_103 = arith.constant 0 : i32
    %dma_start3A_104 = tpu.memref_slice %arg12[%add3A_102, %dma_start3A_103] : memref<10000x64xf32, #tpu.memory_space<vmem_shared>> -> memref<125x64xf32, #tpu.memory_space<vmem_shared>>
    %dma_start3A_105 = arith.constant 0 : i32
    %dma_start3A_106 = tpu.memref_slice %arg12[%add3A_102, %dma_start3A_105] : memref<10000x64xf32, #tpu.memory_space<vmem_shared>> -> memref<125x64xf32, #tpu.memory_space<vmem_shared>>
    tpu.enqueue_dma source(%dma_start3A_106 : memref<125x64xf32, #tpu.memory_space<vmem_shared>>) target(%arg7 : memref<125x64xf32, #tpu.memory_space<vmem>>) target_semaphore(%arg13 : memref<!tpu.dma_semaphore, #tpu.memory_space<semaphore_mem>>)
    %mul3A_107 = arith.constant 625 : i32
    %mul3A_108 = arith.muli %arg1, %mul3A_107 : i32
    %add3A_109 = arith.constant 125 : i32
    %add3A_110 = arith.addi %mul3A_108, %add3A_109 : i32
    %dma_start3A_111 = arith.constant 0 : i32
    %dma_start3A_112 = tpu.memref_slice %arg12[%add3A_110, %dma_start3A_111] : memref<10000x64xf32, #tpu.memory_space<vmem_shared>> -> memref<125x64xf32, #tpu.memory_space<vmem_shared>>
    %dma_start3A_113 = arith.constant 0 : i32
    %dma_start3A_114 = tpu.memref_slice %arg12[%add3A_110, %dma_start3A_113] : memref<10000x64xf32, #tpu.memory_space<vmem_shared>> -> memref<125x64xf32, #tpu.memory_space<vmem_shared>>
    tpu.enqueue_dma source(%dma_start3A_114 : memref<125x64xf32, #tpu.memory_space<vmem_shared>>) target(%arg8 : memref<125x64xf32, #tpu.memory_space<vmem>>) target_semaphore(%arg14 : memref<!tpu.dma_semaphore, #tpu.memory_space<semaphore_mem>>)
    %mul3A_115 = arith.constant 625 : i32
    %mul3A_116 = arith.muli %arg1, %mul3A_115 : i32
    %add3A_117 = arith.constant 250 : i32
    %add3A_118 = arith.addi %mul3A_116, %add3A_117 : i32
    %dma_start3A_119 = arith.constant 0 : i32
    %dma_start3A_120 = tpu.memref_slice %arg12[%add3A_118, %dma_start3A_119] : memref<10000x64xf32, #tpu.memory_space<vmem_shared>> -> memref<125x64xf32, #tpu.memory_space<vmem_shared>>
    %dma_start3A_121 = arith.constant 0 : i32
    %dma_start3A_122 = tpu.memref_slice %arg12[%add3A_118, %dma_start3A_121] : memref<10000x64xf32, #tpu.memory_space<vmem_shared>> -> memref<125x64xf32, #tpu.memory_space<vmem_shared>>
    tpu.enqueue_dma source(%dma_start3A_122 : memref<125x64xf32, #tpu.memory_space<vmem_shared>>) target(%arg9 : memref<125x64xf32, #tpu.memory_space<vmem>>) target_semaphore(%arg15 : memref<!tpu.dma_semaphore, #tpu.memory_space<semaphore_mem>>)
    %mul3A_123 = arith.constant 625 : i32
    %mul3A_124 = arith.muli %arg1, %mul3A_123 : i32
    %add3A_125 = arith.constant 375 : i32
    %add3A_126 = arith.addi %mul3A_124, %add3A_125 : i32
    %dma_start3A_127 = arith.constant 0 : i32
    %dma_start3A_128 = tpu.memref_slice %arg12[%add3A_126, %dma_start3A_127] : memref<10000x64xf32, #tpu.memory_space<vmem_shared>> -> memref<125x64xf32, #tpu.memory_space<vmem_shared>>
    %dma_start3A_129 = arith.constant 0 : i32
    %dma_start3A_130 = tpu.memref_slice %arg12[%add3A_126, %dma_start3A_129] : memref<10000x64xf32, #tpu.memory_space<vmem_shared>> -> memref<125x64xf32, #tpu.memory_space<vmem_shared>>
    tpu.enqueue_dma source(%dma_start3A_130 : memref<125x64xf32, #tpu.memory_space<vmem_shared>>) target(%arg10 : memref<125x64xf32, #tpu.memory_space<vmem>>) target_semaphore(%arg16 : memref<!tpu.dma_semaphore, #tpu.memory_space<semaphore_mem>>)
    %mul3A_131 = arith.constant 625 : i32
    %mul3A_132 = arith.muli %arg1, %mul3A_131 : i32
    %add3A_133 = arith.constant 500 : i32
    %add3A_134 = arith.addi %mul3A_132, %add3A_133 : i32
    %dma_start3A_135 = arith.constant 0 : i32
    %dma_start3A_136 = tpu.memref_slice %arg12[%add3A_134, %dma_start3A_135] : memref<10000x64xf32, #tpu.memory_space<vmem_shared>> -> memref<125x64xf32, #tpu.memory_space<vmem_shared>>
    %dma_start3A_137 = arith.constant 0 : i32
    %dma_start3A_138 = tpu.memref_slice %arg12[%add3A_134, %dma_start3A_137] : memref<10000x64xf32, #tpu.memory_space<vmem_shared>> -> memref<125x64xf32, #tpu.memory_space<vmem_shared>>
    tpu.enqueue_dma source(%dma_start3A_138 : memref<125x64xf32, #tpu.memory_space<vmem_shared>>) target(%arg11 : memref<125x64xf32, #tpu.memory_space<vmem>>) target_semaphore(%arg17 : memref<!tpu.dma_semaphore, #tpu.memory_space<semaphore_mem>>)
    %mul3A_139 = arith.constant 625 : i32
    %mul3A_140 = arith.muli %arg1, %mul3A_139 : i32
    %add3A_141 = arith.constant 0 : i32
    %add3A_142 = arith.addi %mul3A_140, %add3A_141 : i32
    %dma_wait3A_143 = arith.constant 0 : i32
    %dma_wait3A_144 = tpu.memref_slice %arg12[%add3A_102, %dma_wait3A_143] : memref<10000x64xf32, #tpu.memory_space<vmem_shared>> -> memref<125x64xf32, #tpu.memory_space<vmem_shared>>
    %dma_wait3A_145 = arith.constant 0 : i32
    %dma_wait3A_146 = tpu.memref_slice %arg12[%add3A_102, %dma_wait3A_145] : memref<10000x64xf32, #tpu.memory_space<vmem_shared>> -> memref<125x64xf32, #tpu.memory_space<vmem_shared>>
    tpu.wait_dma2 semaphore(%arg13 : memref<!tpu.dma_semaphore, #tpu.memory_space<semaphore_mem>>) src(%dma_wait3A_146 : memref<125x64xf32, #tpu.memory_space<vmem_shared>>) dst(%arg7 : memref<125x64xf32, #tpu.memory_space<vmem>>)
    %dma_start3A_147 = arith.constant 0 : i32
    %dma_start3A_148 = tpu.memref_slice %arg4[%arg0, %add3A_142, %dma_start3A_147] : memref<2x10000x64xf32, #tpu.memory_space<hbm>> -> memref<1x125x64xf32, #tpu.memory_space<hbm>>
    %dma_start3A_149 = tpu.memref_squeeze %dma_start3A_148 : memref<1x125x64xf32, #tpu.memory_space<hbm>> -> memref<125x64xf32, #tpu.memory_space<hbm>>
    %dma_start3A_150 = arith.constant 0 : i32
    %dma_start3A_151 = tpu.memref_slice %arg4[%arg0, %add3A_142, %dma_start3A_150] : memref<2x10000x64xf32, #tpu.memory_space<hbm>> -> memref<1x125x64xf32, #tpu.memory_space<hbm>>
    %dma_start3A_152 = tpu.memref_squeeze %dma_start3A_151 : memref<1x125x64xf32, #tpu.memory_space<hbm>> -> memref<125x64xf32, #tpu.memory_space<hbm>>
    tpu.enqueue_dma source(%arg7 : memref<125x64xf32, #tpu.memory_space<vmem>>) target(%dma_start3A_152 : memref<125x64xf32, #tpu.memory_space<hbm>>) target_semaphore(%arg18 : memref<!tpu.dma_semaphore, #tpu.memory_space<semaphore_mem>>)
    %mul3A_153 = arith.constant 625 : i32
    %mul3A_154 = arith.muli %arg1, %mul3A_153 : i32
    %add3A_155 = arith.constant 125 : i32
    %add3A_156 = arith.addi %mul3A_154, %add3A_155 : i32
    %dma_wait3A_157 = arith.constant 0 : i32
    %dma_wait3A_158 = tpu.memref_slice %arg12[%add3A_110, %dma_wait3A_157] : memref<10000x64xf32, #tpu.memory_space<vmem_shared>> -> memref<125x64xf32, #tpu.memory_space<vmem_shared>>
    %dma_wait3A_159 = arith.constant 0 : i32
    %dma_wait3A_160 = tpu.memref_slice %arg12[%add3A_110, %dma_wait3A_159] : memref<10000x64xf32, #tpu.memory_space<vmem_shared>> -> memref<125x64xf32, #tpu.memory_space<vmem_shared>>
    tpu.wait_dma2 semaphore(%arg14 : memref<!tpu.dma_semaphore, #tpu.memory_space<semaphore_mem>>) src(%dma_wait3A_160 : memref<125x64xf32, #tpu.memory_space<vmem_shared>>) dst(%arg8 : memref<125x64xf32, #tpu.memory_space<vmem>>)
    %dma_start3A_161 = arith.constant 0 : i32
    %dma_start3A_162 = tpu.memref_slice %arg4[%arg0, %add3A_156, %dma_start3A_161] : memref<2x10000x64xf32, #tpu.memory_space<hbm>> -> memref<1x125x64xf32, #tpu.memory_space<hbm>>
    %dma_start3A_163 = tpu.memref_squeeze %dma_start3A_162 : memref<1x125x64xf32, #tpu.memory_space<hbm>> -> memref<125x64xf32, #tpu.memory_space<hbm>>
    %dma_start3A_164 = arith.constant 0 : i32
    %dma_start3A_165 = tpu.memref_slice %arg4[%arg0, %add3A_156, %dma_start3A_164] : memref<2x10000x64xf32, #tpu.memory_space<hbm>> -> memref<1x125x64xf32, #tpu.memory_space<hbm>>
    %dma_start3A_166 = tpu.memref_squeeze %dma_start3A_165 : memref<1x125x64xf32, #tpu.memory_space<hbm>> -> memref<125x64xf32, #tpu.memory_space<hbm>>
    tpu.enqueue_dma source(%arg8 : memref<125x64xf32, #tpu.memory_space<vmem>>) target(%dma_start3A_166 : memref<125x64xf32, #tpu.memory_space<hbm>>) target_semaphore(%arg19 : memref<!tpu.dma_semaphore, #tpu.memory_space<semaphore_mem>>)
    %mul3A_167 = arith.constant 625 : i32
    %mul3A_168 = arith.muli %arg1, %mul3A_167 : i32
    %add3A_169 = arith.constant 250 : i32
    %add3A_170 = arith.addi %mul3A_168, %add3A_169 : i32
    %dma_wait3A_171 = arith.constant 0 : i32
    %dma_wait3A_172 = tpu.memref_slice %arg12[%add3A_118, %dma_wait3A_171] : memref<10000x64xf32, #tpu.memory_space<vmem_shared>> -> memref<125x64xf32, #tpu.memory_space<vmem_shared>>
    %dma_wait3A_173 = arith.constant 0 : i32
    %dma_wait3A_174 = tpu.memref_slice %arg12[%add3A_118, %dma_wait3A_173] : memref<10000x64xf32, #tpu.memory_space<vmem_shared>> -> memref<125x64xf32, #tpu.memory_space<vmem_shared>>
    tpu.wait_dma2 semaphore(%arg15 : memref<!tpu.dma_semaphore, #tpu.memory_space<semaphore_mem>>) src(%dma_wait3A_174 : memref<125x64xf32, #tpu.memory_space<vmem_shared>>) dst(%arg9 : memref<125x64xf32, #tpu.memory_space<vmem>>)
    %dma_start3A_175 = arith.constant 0 : i32
    %dma_start3A_176 = tpu.memref_slice %arg4[%arg0, %add3A_170, %dma_start3A_175] : memref<2x10000x64xf32, #tpu.memory_space<hbm>> -> memref<1x125x64xf32, #tpu.memory_space<hbm>>
    %dma_start3A_177 = tpu.memref_squeeze %dma_start3A_176 : memref<1x125x64xf32, #tpu.memory_space<hbm>> -> memref<125x64xf32, #tpu.memory_space<hbm>>
    %dma_start3A_178 = arith.constant 0 : i32
    %dma_start3A_179 = tpu.memref_slice %arg4[%arg0, %add3A_170, %dma_start3A_178] : memref<2x10000x64xf32, #tpu.memory_space<hbm>> -> memref<1x125x64xf32, #tpu.memory_space<hbm>>
    %dma_start3A_180 = tpu.memref_squeeze %dma_start3A_179 : memref<1x125x64xf32, #tpu.memory_space<hbm>> -> memref<125x64xf32, #tpu.memory_space<hbm>>
    tpu.enqueue_dma source(%arg9 : memref<125x64xf32, #tpu.memory_space<vmem>>) target(%dma_start3A_180 : memref<125x64xf32, #tpu.memory_space<hbm>>) target_semaphore(%arg20 : memref<!tpu.dma_semaphore, #tpu.memory_space<semaphore_mem>>)
    %mul3A_181 = arith.constant 625 : i32
    %mul3A_182 = arith.muli %arg1, %mul3A_181 : i32
    %add3A_183 = arith.constant 375 : i32
    %add3A_184 = arith.addi %mul3A_182, %add3A_183 : i32
    %dma_wait3A_185 = arith.constant 0 : i32
    %dma_wait3A_186 = tpu.memref_slice %arg12[%add3A_126, %dma_wait3A_185] : memref<10000x64xf32, #tpu.memory_space<vmem_shared>> -> memref<125x64xf32, #tpu.memory_space<vmem_shared>>
    %dma_wait3A_187 = arith.constant 0 : i32
    %dma_wait3A_188 = tpu.memref_slice %arg12[%add3A_126, %dma_wait3A_187] : memref<10000x64xf32, #tpu.memory_space<vmem_shared>> -> memref<125x64xf32, #tpu.memory_space<vmem_shared>>
    tpu.wait_dma2 semaphore(%arg16 : memref<!tpu.dma_semaphore, #tpu.memory_space<semaphore_mem>>) src(%dma_wait3A_188 : memref<125x64xf32, #tpu.memory_space<vmem_shared>>) dst(%arg10 : memref<125x64xf32, #tpu.memory_space<vmem>>)
    %dma_start3A_189 = arith.constant 0 : i32
    %dma_start3A_190 = tpu.memref_slice %arg4[%arg0, %add3A_184, %dma_start3A_189] : memref<2x10000x64xf32, #tpu.memory_space<hbm>> -> memref<1x125x64xf32, #tpu.memory_space<hbm>>
    %dma_start3A_191 = tpu.memref_squeeze %dma_start3A_190 : memref<1x125x64xf32, #tpu.memory_space<hbm>> -> memref<125x64xf32, #tpu.memory_space<hbm>>
    %dma_start3A_192 = arith.constant 0 : i32
    %dma_start3A_193 = tpu.memref_slice %arg4[%arg0, %add3A_184, %dma_start3A_192] : memref<2x10000x64xf32, #tpu.memory_space<hbm>> -> memref<1x125x64xf32, #tpu.memory_space<hbm>>
    %dma_start3A_194 = tpu.memref_squeeze %dma_start3A_193 : memref<1x125x64xf32, #tpu.memory_space<hbm>> -> memref<125x64xf32, #tpu.memory_space<hbm>>
    tpu.enqueue_dma source(%arg10 : memref<125x64xf32, #tpu.memory_space<vmem>>) target(%dma_start3A_194 : memref<125x64xf32, #tpu.memory_space<hbm>>) target_semaphore(%arg21 : memref<!tpu.dma_semaphore, #tpu.memory_space<semaphore_mem>>)
    %mul3A_195 = arith.constant 625 : i32
    %mul3A_196 = arith.muli %arg1, %mul3A_195 : i32
    %add3A_197 = arith.constant 500 : i32
    %add3A_198 = arith.addi %mul3A_196, %add3A_197 : i32
    %dma_wait3A_199 = arith.constant 0 : i32
    %dma_wait3A_200 = tpu.memref_slice %arg12[%add3A_134, %dma_wait3A_199] : memref<10000x64xf32, #tpu.memory_space<vmem_shared>> -> memref<125x64xf32, #tpu.memory_space<vmem_shared>>
    %dma_wait3A_201 = arith.constant 0 : i32
    %dma_wait3A_202 = tpu.memref_slice %arg12[%add3A_134, %dma_wait3A_201] : memref<10000x64xf32, #tpu.memory_space<vmem_shared>> -> memref<125x64xf32, #tpu.memory_space<vmem_shared>>
    tpu.wait_dma2 semaphore(%arg17 : memref<!tpu.dma_semaphore, #tpu.memory_space<semaphore_mem>>) src(%dma_wait3A_202 : memref<125x64xf32, #tpu.memory_space<vmem_shared>>) dst(%arg11 : memref<125x64xf32, #tpu.memory_space<vmem>>)
    %dma_start3A_203 = arith.constant 0 : i32
    %dma_start3A_204 = tpu.memref_slice %arg4[%arg0, %add3A_198, %dma_start3A_203] : memref<2x10000x64xf32, #tpu.memory_space<hbm>> -> memref<1x125x64xf32, #tpu.memory_space<hbm>>
    %dma_start3A_205 = tpu.memref_squeeze %dma_start3A_204 : memref<1x125x64xf32, #tpu.memory_space<hbm>> -> memref<125x64xf32, #tpu.memory_space<hbm>>
    %dma_start3A_206 = arith.constant 0 : i32
    %dma_start3A_207 = tpu.memref_slice %arg4[%arg0, %add3A_198, %dma_start3A_206] : memref<2x10000x64xf32, #tpu.memory_space<hbm>> -> memref<1x125x64xf32, #tpu.memory_space<hbm>>
    %dma_start3A_208 = tpu.memref_squeeze %dma_start3A_207 : memref<1x125x64xf32, #tpu.memory_space<hbm>> -> memref<125x64xf32, #tpu.memory_space<hbm>>
    tpu.enqueue_dma source(%arg11 : memref<125x64xf32, #tpu.memory_space<vmem>>) target(%dma_start3A_208 : memref<125x64xf32, #tpu.memory_space<hbm>>) target_semaphore(%arg22 : memref<!tpu.dma_semaphore, #tpu.memory_space<semaphore_mem>>)
    %dma_wait3A_209 = arith.constant 0 : i32
    %dma_wait3A_210 = tpu.memref_slice %arg4[%arg0, %add3A_142, %dma_wait3A_209] : memref<2x10000x64xf32, #tpu.memory_space<hbm>> -> memref<1x125x64xf32, #tpu.memory_space<hbm>>
    %dma_wait3A_211 = tpu.memref_squeeze %dma_wait3A_210 : memref<1x125x64xf32, #tpu.memory_space<hbm>> -> memref<125x64xf32, #tpu.memory_space<hbm>>
    %dma_wait3A_212 = arith.constant 0 : i32
    %dma_wait3A_213 = tpu.memref_slice %arg4[%arg0, %add3A_142, %dma_wait3A_212] : memref<2x10000x64xf32, #tpu.memory_space<hbm>> -> memref<1x125x64xf32, #tpu.memory_space<hbm>>
    %dma_wait3A_214 = tpu.memref_squeeze %dma_wait3A_213 : memref<1x125x64xf32, #tpu.memory_space<hbm>> -> memref<125x64xf32, #tpu.memory_space<hbm>>
    tpu.wait_dma2 semaphore(%arg18 : memref<!tpu.dma_semaphore, #tpu.memory_space<semaphore_mem>>) src(%arg7 : memref<125x64xf32, #tpu.memory_space<vmem>>) dst(%dma_wait3A_214 : memref<125x64xf32, #tpu.memory_space<hbm>>)
    %dma_wait3A_215 = arith.constant 0 : i32
    %dma_wait3A_216 = tpu.memref_slice %arg4[%arg0, %add3A_156, %dma_wait3A_215] : memref<2x10000x64xf32, #tpu.memory_space<hbm>> -> memref<1x125x64xf32, #tpu.memory_space<hbm>>
    %dma_wait3A_217 = tpu.memref_squeeze %dma_wait3A_216 : memref<1x125x64xf32, #tpu.memory_space<hbm>> -> memref<125x64xf32, #tpu.memory_space<hbm>>
    %dma_wait3A_218 = arith.constant 0 : i32
    %dma_wait3A_219 = tpu.memref_slice %arg4[%arg0, %add3A_156, %dma_wait3A_218] : memref<2x10000x64xf32, #tpu.memory_space<hbm>> -> memref<1x125x64xf32, #tpu.memory_space<hbm>>
    %dma_wait3A_220 = tpu.memref_squeeze %dma_wait3A_219 : memref<1x125x64xf32, #tpu.memory_space<hbm>> -> memref<125x64xf32, #tpu.memory_space<hbm>>
    tpu.wait_dma2 semaphore(%arg19 : memref<!tpu.dma_semaphore, #tpu.memory_space<semaphore_mem>>) src(%arg8 : memref<125x64xf32, #tpu.memory_space<vmem>>) dst(%dma_wait3A_220 : memref<125x64xf32, #tpu.memory_space<hbm>>)
    %dma_wait3A_221 = arith.constant 0 : i32
    %dma_wait3A_222 = tpu.memref_slice %arg4[%arg0, %add3A_170, %dma_wait3A_221] : memref<2x10000x64xf32, #tpu.memory_space<hbm>> -> memref<1x125x64xf32, #tpu.memory_space<hbm>>
    %dma_wait3A_223 = tpu.memref_squeeze %dma_wait3A_222 : memref<1x125x64xf32, #tpu.memory_space<hbm>> -> memref<125x64xf32, #tpu.memory_space<hbm>>
    %dma_wait3A_224 = arith.constant 0 : i32
    %dma_wait3A_225 = tpu.memref_slice %arg4[%arg0, %add3A_170, %dma_wait3A_224] : memref<2x10000x64xf32, #tpu.memory_space<hbm>> -> memref<1x125x64xf32, #tpu.memory_space<hbm>>
    %dma_wait3A_226 = tpu.memref_squeeze %dma_wait3A_225 : memref<1x125x64xf32, #tpu.memory_space<hbm>> -> memref<125x64xf32, #tpu.memory_space<hbm>>
    tpu.wait_dma2 semaphore(%arg20 : memref<!tpu.dma_semaphore, #tpu.memory_space<semaphore_mem>>) src(%arg9 : memref<125x64xf32, #tpu.memory_space<vmem>>) dst(%dma_wait3A_226 : memref<125x64xf32, #tpu.memory_space<hbm>>)
    %dma_wait3A_227 = arith.constant 0 : i32
    %dma_wait3A_228 = tpu.memref_slice %arg4[%arg0, %add3A_184, %dma_wait3A_227] : memref<2x10000x64xf32, #tpu.memory_space<hbm>> -> memref<1x125x64xf32, #tpu.memory_space<hbm>>
    %dma_wait3A_229 = tpu.memref_squeeze %dma_wait3A_228 : memref<1x125x64xf32, #tpu.memory_space<hbm>> -> memref<125x64xf32, #tpu.memory_space<hbm>>
    %dma_wait3A_230 = arith.constant 0 : i32
    %dma_wait3A_231 = tpu.memref_slice %arg4[%arg0, %add3A_184, %dma_wait3A_230] : memref<2x10000x64xf32, #tpu.memory_space<hbm>> -> memref<1x125x64xf32, #tpu.memory_space<hbm>>
    %dma_wait3A_232 = tpu.memref_squeeze %dma_wait3A_231 : memref<1x125x64xf32, #tpu.memory_space<hbm>> -> memref<125x64xf32, #tpu.memory_space<hbm>>
    tpu.wait_dma2 semaphore(%arg21 : memref<!tpu.dma_semaphore, #tpu.memory_space<semaphore_mem>>) src(%arg10 : memref<125x64xf32, #tpu.memory_space<vmem>>) dst(%dma_wait3A_232 : memref<125x64xf32, #tpu.memory_space<hbm>>)
    %dma_wait3A_233 = arith.constant 0 : i32
    %dma_wait3A_234 = tpu.memref_slice %arg4[%arg0, %add3A_198, %dma_wait3A_233] : memref<2x10000x64xf32, #tpu.memory_space<hbm>> -> memref<1x125x64xf32, #tpu.memory_space<hbm>>
    %dma_wait3A_235 = tpu.memref_squeeze %dma_wait3A_234 : memref<1x125x64xf32, #tpu.memory_space<hbm>> -> memref<125x64xf32, #tpu.memory_space<hbm>>
    %dma_wait3A_236 = arith.constant 0 : i32
    %dma_wait3A_237 = tpu.memref_slice %arg4[%arg0, %add3A_198, %dma_wait3A_236] : memref<2x10000x64xf32, #tpu.memory_space<hbm>> -> memref<1x125x64xf32, #tpu.memory_space<hbm>>
    %dma_wait3A_238 = tpu.memref_squeeze %dma_wait3A_237 : memref<1x125x64xf32, #tpu.memory_space<hbm>> -> memref<125x64xf32, #tpu.memory_space<hbm>>
    tpu.wait_dma2 semaphore(%arg22 : memref<!tpu.dma_semaphore, #tpu.memory_space<semaphore_mem>>) src(%arg11 : memref<125x64xf32, #tpu.memory_space<vmem>>) dst(%dma_wait3A_238 : memref<125x64xf32, #tpu.memory_space<hbm>>)
    return
  }
}

module attributes {stable_mosaic.version = 14 : i64} {
  func.func @_prep_body(%arg0: memref<10000x128xf32, #tpu.memory_space<vmem>>, %arg1: memref<128x64xf32, #tpu.memory_space<vmem>>, %arg2: memref<20000xf32, #tpu.memory_space<vmem>>, %arg3: memref<10000xf32, #tpu.memory_space<vmem>>, %arg4: memref<10000x64xf32, #tpu.memory_space<vmem>>) attributes {dimension_semantics = [], scalar_prefetch = 0 : i64, scratch_operands = 0 : i64, tpu.core_type = #tpu.core_type<tc>} {
    %get3A = arith.constant 0 : index
    %get3A_0 = vector.load %arg2[%get3A] : memref<20000xf32, #tpu.memory_space<vmem>>, vector<10000xf32>
    %get3A_1 = arith.constant 10000 : index
    %get3A_2 = vector.load %arg2[%get3A_1] : memref<20000xf32, #tpu.memory_space<vmem>>, vector<10000xf32>
    %add3A = arith.addf %get3A_0, %get3A_2 : vector<10000xf32>
    %add3A_3 = arith.constant 1.000000e+00 : f32
    %add3A_4 = vector.broadcast %add3A_3 : f32 to vector<10000xf32>
    %add3A_5 = arith.addf %add3A, %add3A_4 : vector<10000xf32>
    %rsqrt3A = math.rsqrt %add3A_5 : vector<10000xf32>
    %swap3A = arith.constant 0 : index
    %swap3A_6 = vector.load %arg3[%swap3A] : memref<10000xf32, #tpu.memory_space<vmem>>, vector<10000xf32>
    tpu.vector_store %arg3[%swap3A], %rsqrt3A {strides = array<i32>} : memref<10000xf32, #tpu.memory_space<vmem>>, vector<10000xf32>,
    %get3A_7 = arith.constant 0 : index
    %get3A_8 = arith.constant 0 : index
    %get3A_9 = vector.load %arg0[%get3A_7, %get3A_8] : memref<10000x128xf32, #tpu.memory_space<vmem>>, vector<10000x128xf32>
    %get3A_10 = arith.constant 0 : index
    %get3A_11 = arith.constant 0 : index
    %get3A_12 = vector.load %arg1[%get3A_10, %get3A_11] : memref<128x64xf32, #tpu.memory_space<vmem>>, vector<128x64xf32>
    %dot_general3A = arith.constant dense<0.000000e+00> : vector<10000x64xf32>
    %dot_general3A_13 = tpu.matmul %get3A_9, %get3A_12, %dot_general3A {dimension_numbers = #tpu.dot_dimension_numbers<[1], [0], [0], [1], [0, 0, 1, 1], [], []>, transpose_lhs_hint = false} : vector<10000x128xf32>, vector<128x64xf32>, vector<10000x64xf32> -> vector<10000x64xf32>
    %broadcast_in_dim3A = vector.shape_cast %rsqrt3A : vector<10000xf32> to vector<10000x1xf32>
    %mul3A = vector.broadcast %broadcast_in_dim3A : vector<10000x1xf32> to vector<10000x64xf32>
    %mul3A_14 = arith.mulf %dot_general3A_13, %mul3A : vector<10000x64xf32>
    %swap3A_15 = arith.constant 0 : index
    %swap3A_16 = arith.constant 0 : index
    %swap3A_17 = vector.load %arg4[%swap3A_15, %swap3A_16] : memref<10000x64xf32, #tpu.memory_space<vmem>>, vector<10000x64xf32>
    tpu.vector_store %arg4[%swap3A_15, %swap3A_16], %mul3A_14 {strides = array<i32>} : memref<10000x64xf32, #tpu.memory_space<vmem>>, vector<10000x64xf32>,
    return
  }
}

module attributes {stable_mosaic.version = 14 : i64} {
  func.func @_l2_body(%arg0: memref<2x10000x64xf32, #tpu.memory_space<vmem>>, %arg1: memref<10000x64xf32, #tpu.memory_space<vmem>>, %arg2: memref<10000xf32, #tpu.memory_space<vmem>>, %arg3: memref<64x1xf32, #tpu.memory_space<vmem>>, %arg4: memref<1x64xf32, #tpu.memory_space<vmem>>, %arg5: memref<10000xf32, #tpu.memory_space<vmem>>) attributes {dimension_semantics = [], scalar_prefetch = 0 : i64, scratch_operands = 0 : i64, tpu.core_type = #tpu.core_type<tc>} {
    %get3A = arith.constant 0 : index
    %get3A_0 = arith.constant 0 : index
    %get3A_1 = arith.constant 0 : index
    %get3A_2 = vector.load %arg0[%get3A, %get3A_0, %get3A_1] : memref<2x10000x64xf32, #tpu.memory_space<vmem>>, vector<1x10000x64xf32>
    %get3A_3 = vector.shape_cast %get3A_2 : vector<1x10000x64xf32> to vector<10000x64xf32>
    %get3A_4 = arith.constant 1 : index
    %get3A_5 = arith.constant 0 : index
    %get3A_6 = arith.constant 0 : index
    %get3A_7 = vector.load %arg0[%get3A_4, %get3A_5, %get3A_6] : memref<2x10000x64xf32, #tpu.memory_space<vmem>>, vector<1x10000x64xf32>
    %get3A_8 = vector.shape_cast %get3A_7 : vector<1x10000x64xf32> to vector<10000x64xf32>
    %add3A = arith.addf %get3A_3, %get3A_8 : vector<10000x64xf32>
    %get3A_9 = arith.constant 0 : index
    %get3A_10 = arith.constant 0 : index
    %get3A_11 = vector.load %arg1[%get3A_9, %get3A_10] : memref<10000x64xf32, #tpu.memory_space<vmem>>, vector<10000x64xf32>
    %add3A_12 = arith.addf %add3A, %get3A_11 : vector<10000x64xf32>
    %get3A_13 = arith.constant 0 : index
    %get3A_14 = vector.load %arg2[%get3A_13] : memref<10000xf32, #tpu.memory_space<vmem>>, vector<10000xf32>
    %broadcast_in_dim3A = vector.shape_cast %get3A_14 : vector<10000xf32> to vector<10000x1xf32>
    %mul3A = vector.broadcast %broadcast_in_dim3A : vector<10000x1xf32> to vector<10000x64xf32>
    %mul3A_15 = arith.mulf %add3A_12, %mul3A : vector<10000x64xf32>
    %get3A_16 = arith.constant 0 : index
    %get3A_17 = arith.constant 0 : index
    %get3A_18 = vector.load %arg4[%get3A_16, %get3A_17] : memref<1x64xf32, #tpu.memory_space<vmem>>, vector<1x64xf32>
    %add3A_19 = vector.broadcast %get3A_18 : vector<1x64xf32> to vector<10000x64xf32>
    %add3A_20 = arith.addf %mul3A_15, %add3A_19 : vector<10000x64xf32>
    %max3A = arith.constant 0.000000e+00 : f32
    %max3A_21 = vector.broadcast %max3A : f32 to vector<10000x64xf32>
    %max3A_22 = arith.maximumf %add3A_20, %max3A_21 : vector<10000x64xf32>
    %get3A_23 = arith.constant 0 : index
    %get3A_24 = arith.constant 0 : index
    %get3A_25 = vector.load %arg3[%get3A_23, %get3A_24] : memref<64x1xf32, #tpu.memory_space<vmem>>, vector<64x1xf32>
    %dot_general3A = arith.constant dense<0.000000e+00> : vector<10000x1xf32>
    %dot_general3A_26 = tpu.matmul %max3A_22, %get3A_25, %dot_general3A {dimension_numbers = #tpu.dot_dimension_numbers<[1], [0], [0], [1], [0, 0, 1, 1], [], []>, transpose_lhs_hint = false} : vector<10000x64xf32>, vector<64x1xf32>, vector<10000x1xf32> -> vector<10000x1xf32>
    %squeeze3A = vector.shape_cast %dot_general3A_26 : vector<10000x1xf32> to vector<10000xf32>
    %get3A_27 = arith.constant 0 : index
    %get3A_28 = vector.load %arg2[%get3A_27] : memref<10000xf32, #tpu.memory_space<vmem>>, vector<10000xf32>
    %mul3A_29 = arith.mulf %squeeze3A, %get3A_28 : vector<10000xf32>
    %swap3A = arith.constant 0 : index
    %swap3A_30 = vector.load %arg5[%swap3A] : memref<10000xf32, #tpu.memory_space<vmem>>, vector<10000xf32>
    tpu.vector_store %arg5[%swap3A], %mul3A_29 {strides = array<i32>} : memref<10000xf32, #tpu.memory_space<vmem>>, vector<10000xf32>,
    return
  }
}

module attributes {stable_mosaic.version = 14 : i64} {
  func.func @_fin_body(%arg0: memref<20000xf32, #tpu.memory_space<vmem>>, %arg1: memref<10000xf32, #tpu.memory_space<vmem>>, %arg2: memref<10000xf32, #tpu.memory_space<vmem>>, %arg3: memref<1xf32, #tpu.memory_space<vmem>>, %arg4: memref<10000x1xf32, #tpu.memory_space<vmem>>) attributes {dimension_semantics = [], scalar_prefetch = 0 : i64, scratch_operands = 0 : i64, tpu.core_type = #tpu.core_type<tc>} {
    %get3A = arith.constant 0 : index
    %get3A_0 = vector.load %arg0[%get3A] : memref<20000xf32, #tpu.memory_space<vmem>>, vector<10000xf32>
    %get3A_1 = arith.constant 10000 : index
    %get3A_2 = vector.load %arg0[%get3A_1] : memref<20000xf32, #tpu.memory_space<vmem>>, vector<10000xf32>
    %add3A = arith.addf %get3A_0, %get3A_2 : vector<10000xf32>
    %get3A_3 = arith.constant 0 : index
    %get3A_4 = vector.load %arg1[%get3A_3] : memref<10000xf32, #tpu.memory_space<vmem>>, vector<10000xf32>
    %add3A_5 = arith.addf %add3A, %get3A_4 : vector<10000xf32>
    %get3A_6 = arith.constant 0 : index
    %get3A_7 = vector.load %arg2[%get3A_6] : memref<10000xf32, #tpu.memory_space<vmem>>, vector<10000xf32>
    %mul3A = arith.mulf %add3A_5, %get3A_7 : vector<10000xf32>
    %get3A_8 = arith.constant 0 : index
    %get3A_9 = vector.load %arg3[%get3A_8] : memref<1xf32, #tpu.memory_space<vmem>>, vector<1xf32>
    %get3A_10 = vector.extract %get3A_9[0] : f32 from vector<1xf32>
    %add3A_11 = vector.broadcast %get3A_10 : f32 to vector<10000xf32>
    %add3A_12 = arith.addf %mul3A, %add3A_11 : vector<10000xf32>
    %broadcast_in_dim3A = vector.shape_cast %add3A_12 : vector<10000xf32> to vector<10000x1xf32>
    %swap3A = arith.constant 0 : index
    %swap3A_13 = arith.constant 0 : index
    %swap3A_14 = vector.load %arg4[%swap3A, %swap3A_13] : memref<10000x1xf32, #tpu.memory_space<vmem>>, vector<10000x1xf32>
    tpu.vector_store %arg4[%swap3A, %swap3A_13], %broadcast_in_dim3A {strides = array<i32>} : memref<10000x1xf32, #tpu.memory_space<vmem>>, vector<10000x1xf32>,
    return
  }
}

</mosaic_0001>

<sc_bundles>
// kernel: kernel.11.cloned.1.call-start
scs
__scs_entry_jumppad:
0x0: {  	(pc) =	sbr.rel $0x88, $3  }
0x1: {  	(tag) =	ssettag $0x0;
	lr =	simm.s32 $0x1  }
0x2: {  	[smem:$0x3F9B] =	sst lr;
	_ =	strace $0xD0000000  }
0x3: {  	_ = 	snop  }
0x4: {  	_ = 	snop  }
0x5: {  	_ = 	snop  }
0x6: {  	_ = 	snop  }
0x7: {  	_ = 	snop  }
__scs_overlays_trampoline_lowered:
0x8: {  	[smem:$0x3FAA] =	sst s0  }
0x9: {  	[smem:$0x3FAB] =	sst s1  }
0xa: {  	[smem:$0x3FAC] =	sst s2  }
0xb: {  	[smem:$0x3FAD] =	sst s3  }
0xc: {  	[smem:$0x3FAE] =	sst s4  }
0xd: {  	[smem:$0x3FAF] =	sst s5  }
0xe: {  	[smem:$0x3FB0] =	sst s6  }
0xf: {  	[smem:$0x3FB1] =	sst s7  }
0x10: {  	[smem:$0x3FB2] =	sst s8  }
0x11: {  	[smem:$0x3FB3] =	sst s9;
	s0 =	simm.s32 @!p0 $0x0  }
0x12: {  	s1 =	sld [smem:$0x3F99];
	s0 =	simm.s32 @p0 $0x1  }
0x13: {  	[smem:$0x3FB4] =	sst s0;
	s0 =	simm.s32 @!p1 $0x0  }
0x14: {  	s2 =	sld [smem:$0x3F98];
	s0 =	simm.s32 @p1 $0x1  }
0x15: {  	[smem:$0x3FB5] =	sst s0;
	s0 =	simm.s32 @!p2 $0x0  }
0x16: {  	s3 =	sld [smem:$0x3FDB];
	s0 =	simm.s32 @p2 $0x1  }
0x17: {  	s4 =	simm.s32 $0x1BF5;
	[smem:$0x3FB7] =	sst s0  }
0x18: {  	s0 =	sld [smem:$0x3F9A];
	_ =	swait.ge [sflag:s4], $0x0  }
0x19: {  	s7 =	sld [smem:$0x3F9B]  }
0x1a: {  	s8 =	sadd.s32 $0xFFFFE003, lr  }
0x1b: {  	s9 =	sadd.s32 $0xFFFFFEF7, lr;
	s5 =	simm.s32 $0xFFFFFFFF;
	p2 =	slt.u32 s8, $0xFFFFF086  }
0x1c: {  	p1 =	slt.u32 s9, $0xF7A;
	s5 =	simm.s32 @!p2 $0x0  }
0x1d: {  	s5 =	simm.s32 @p1 $0x1;
	p0 =	seq.s32 s7, s2  }
0x1e: {  	s7 =	smul.u32 @!p0 $0xF7A, s2;
	p2 =	seq.s32 @!p0 s5, $0x0  }
0x1f: {  	s9 =	smul.u32 $0xF7A, s1;
	s8 =	simm.s32 @!p0 $0x1BF5;
	p2 =	por !p2, p0  }
0x20: {  	[sflag:s8] =	ssyncset.s32 @!p0 $0xFFFFF086;
	s6 =	sadd.s32 @!p0 s3, s7;
	s7 =	simm.s32 @!p0 $0x108  }
0x21: {  	s3 =	sadd.s32 s3, s9;
	s6 =	sadd.s32 @!p0 $0x88, s6;
	s7 =	simm.s32 @p2 $0x1082  }
0x22: {  	[simem:s7], [sflag:s8] =	dma.local @!p0 [hbm:s6], $0xF7A  }
0x23: {  	s9 =	sor.u32 $0xD0000000, s2;
	s6 =	simm.s32 $0x108;
	_ =	swait.ge @!p0 [sflag:s8], $0x0  }
0x24: {  	s3 =	sadd.s32 $0x88, s3;
	s6 =	simm.s32 @!p1 $0x1082;
	[sflag:s4] =	ssyncset.s32 $0xFFFFF086  }
0x25: {  	[simem:s6], [sflag:s4] =	dma.local [hbm:s3], $0xF7A  }
0x26: {  	[smem:$0x3F9B] =	sst s1;
	(tag) =	ssettag s2;
	_ =	strace s9  }
0x27: {  	s1 =	sld [smem:$0x3FAB]  }
0x28: {  	s2 =	sld [smem:$0x3FAC]  }
0x29: {  	s4 =	sld [smem:$0x3FAE]  }
0x2a: {  	p0 =	seq.s32 s5, $0x0;
	s5 =	sld [smem:$0x3FAF]  }
0x2b: {  	s6 =	sld [smem:$0x3FB0]  }
0x2c: {  	s7 =	sld [smem:$0x3FB1]  }
0x2d: {  	s3 =	simm.s32 $0x108;
	s8 =	sld [smem:$0x3FB2]  }
0x2e: {  	s3 =	simm.s32 @!p0 $0x1082;
	s9 =	sld [smem:$0x3FB3]  }
0x2f: {  	lr =	sadd.s32 s0, s3;
	s0 =	sld [smem:$0x3FAA]  }
0x30: {  	s3 =	sld [smem:$0x3FAD]  }
0x31: {  	[smem:$0x3FB6] =	sst s10  }
0x32: {  	s10 =	sld [smem:$0x3FB4];
	_ =	sdelay $0x3  }
0x33: {  	p0 =	seq.s32 s10, $0x1;
	s10 =	sld [smem:$0x3FB6];
	_ =	sdelay $0x3  }
0x34: {  	[smem:$0x3FB6] =	sst s10  }
0x35: {  	s10 =	sld [smem:$0x3FB5];
	_ =	sdelay $0x3  }
0x36: {  	p1 =	seq.s32 s10, $0x1;
	s10 =	sld [smem:$0x3FB6];
	_ =	sdelay $0x3  }
0x37: {  	[smem:$0x3FB6] =	sst s10  }
0x38: {  	s10 =	sld [smem:$0x3FB7]  }
0x39: {  	_ = 	snop;
	(pc) =	sbr.ind lr, $3  }
0x3a: {  	_ = 	snop  }
0x3b: {  	_ = 	snop  }
0x3c: {  	p2 =	seq.s32 s10, $0x1;
	s10 =	sld [smem:$0x3FB6]  }
0x3d: {  	_ =	shalt  }
0x3e: {  	_ =	shalt  }
0x3f: {  	_ =	shalt  }
0x40: {  	_ =	shalt  }
0x41: {  	_ =	shalt  }
0x42: {  	_ =	shalt  }
0x43: {  	_ =	shalt  }
0x44: {  	_ =	shalt  }
0x45: {  	_ =	shalt  }
0x46: {  	_ =	shalt  }
0x47: {  	_ =	shalt  }
0x48: {  	_ =	shalt  }
0x49: {  	_ =	shalt  }
0x4a: {  	_ =	shalt  }
0x4b: {  	_ =	shalt  }
0x4c: {  	_ =	shalt  }
0x4d: {  	_ =	shalt  }
0x4e: {  	_ =	shalt  }
0x4f: {  	_ =	shalt  }
0x50: {  	_ =	shalt  }
0x51: {  	_ =	shalt  }
0x52: {  	_ =	shalt  }
0x53: {  	_ =	shalt  }
0x54: {  	_ =	shalt  }
0x55: {  	_ =	shalt  }
0x56: {  	_ =	shalt  }
0x57: {  	_ =	shalt  }
0x58: {  	_ =	shalt  }
0x59: {  	_ =	shalt  }
0x5a: {  	_ =	shalt  }
0x5b: {  	_ =	shalt  }
0x5c: {  	_ =	shalt  }
0x5d: {  	_ =	shalt  }
0x5e: {  	_ =	shalt  }
0x5f: {  	_ =	shalt  }
0x60: {  	_ =	shalt  }
0x61: {  	_ =	shalt  }
0x62: {  	_ =	shalt  }
0x63: {  	_ =	shalt  }
0x64: {  	_ =	shalt  }
0x65: {  	_ =	shalt  }
0x66: {  	_ =	shalt  }
0x67: {  	_ =	shalt  }
0x68: {  	_ =	shalt  }
0x69: {  	_ =	shalt  }
0x6a: {  	_ =	shalt  }
0x6b: {  	_ =	shalt  }
0x6c: {  	_ =	shalt  }
0x6d: {  	_ =	shalt  }
0x6e: {  	_ =	shalt  }
0x6f: {  	_ =	shalt  }
0x70: {  	_ =	shalt  }
0x71: {  	_ =	shalt  }
0x72: {  	_ =	shalt  }
0x73: {  	_ =	shalt  }
0x74: {  	_ =	shalt  }
0x75: {  	_ =	shalt  }
0x76: {  	_ =	shalt  }
0x77: {  	_ =	shalt  }
0x78: {  	_ =	shalt  }
0x79: {  	_ =	shalt  }
0x7a: {  	_ =	shalt  }
0x7b: {  	_ =	shalt  }
0x7c: {  	_ =	shalt  }
0x7d: {  	_ =	shalt  }
0x7e: {  	_ =	shalt  }
0x7f: {  	_ =	shalt  }
0x80: {  	_ =	shalt  }
0x81: {  	_ =	shalt  }
0x82: {  	_ =	shalt  }
0x83: {  	_ =	shalt  }
0x84: {  	_ =	shalt  }
0x85: {  	_ =	shalt  }
0x86: {  	_ =	shalt  }
0x87: {  	_ =	shalt  }
.Lfunc_end0:
.L_simem_size_0:
called_computation.1_lowered:
.L_overlay_start_0:
0x88: {  	s2 =	sld [smem:$0x3FD9]  }
0x89: {  	s3 =	sld [smem:$0x3FFE];
	_ =	sdelay $0x1  }
0x8a: {  	s1 =	srdreg.scid  }
0x8b: {  	s0 =	sand.u32 $0x1, s1  }
0x8c: {  	s16 =	sshll.u32 s0, $0xA;
	s2 =	sadd.s32 s3, s2  }
0x8d: {  	s2 =	sadd.s32 s2, s16  }
0x8e: {  	[smem:$0x3FC2] =	sst s2  }
0x8f: {  	_ = 	snop  }
0x90: {  	(tm) =	ssettm $0x1  }
0x91: {  	s17 =	sld [smem:$0x3FFB];
	_ =	sdelay $0x3  }
0x92: {  	_ =	strace s17  }
0x93: {  	s2 =	sld [smem:$0x3FFC];
	_ =	sdelay $0x3  }
0x94: {  	_ =	strace s2  }
0x95: {  	s2 =	sld [smem:$0x3FFD];
	_ =	sdelay $0x3  }
0x96: {  	_ =	strace s2  }
0x97: {  	_ =	strace $0x8FFFFFFF  }
0x98: {  	s18 =	sld [smem:$0x3FDB];
	_ =	sdelay $0x1  }
0x99: {  	s19 =	simm.s32 $_scs_section_size  }
0x9a: {  	s4 =	simm.s32 $_size__tile_overlayer_lowered;
	s5 =	simm.s32 $_tile_overlayer_lowered  }
0x9b: {  	s22 =	simm.s32 $0x1BFF;
	s21 =	sshll.u32 s5, $0x1;
	s2 =	sadd.s32 s19, s18  }
0x9c: {  	s6 =	simm.s32 $0x0;
	s20 =	sshll.u32 s4, $0x1;
	s4 =	sadd.s32 s21, s2  }
0x9d: {  	[timem:s6], [sflag:s22] =	dma.local [hbm:s4], s20  }
0x9e: {  	_ =	swait.ge [sflag:s22], s20  }
0x9f: {  	s3 =	ssub.s32 $0x0, s20;
	[sflag:s22] =	ssyncset.done $0x0  }
0xa0: {  	[sflag:s22] =	ssyncadd.s32 s3;
	_ =	sdelay $0x1  }
0xa1: {  	s23 =	simm.s32 $0x1B8B  }
0xa2: {  	_ =	swait.ge [sflag:s23], $0x1  }
0xa3: {  	[sflag:s23] =	ssyncset.done $0x0  }
0xa4: {  	s25 =	simm.s32 $0x1B8E;
	s24 =	sld [smem:$0x3FFE];
	[sflag:s23] =	ssyncadd.s32 $0xFFFFFFFF  }
0xa5: {  	s26 =	simm.s32 $execute0_lowered;
	[smem:$0x3FD2] =	sst s25  }
0xa6: {  	s4 =	sshll.u32 s26, $0x1;
	_ =	strace $0x80000049;
	[dreg:$0x1] =	wrdreg $0xFFFFFFFF  }
0xa7: {  	s28 =	simm.s32 $_size_execute0_lowered;
	s2 =	sadd.s32 s2, s4;
	[dreg:$0x0] =	wrdreg $0x0  }
0xa8: {  	s4 =	sshll.u32 s28, $0x1;
	[dreg:$0x2] =	wrdreg s2  }
0xa9: {  	[dreg:$0x3] =	wrdreg s4  }
0xaa: {  	[dreg:$0x4] =	wrdreg $0xC0  }
0xab: {  	_ =	task [dreg:s6], $0x5FFFF  }
0xac: {  	[dreg:$0x1] =	wrdreg $0xFFFFFFFF  }
0xad: {  	[dreg:$0x0] =	wrdreg $0x60  }
0xae: {  	[dreg:$0x2] =	wrdreg s24  }
0xaf: {  	[dreg:$0x3] =	wrdreg $0xEA600  }
0xb0: {  	[dreg:$0x4] =	wrdreg $0x9  }
0xb1: {  	_ =	task.clear_ibuf [dreg:s6], $0x5FFFF;
	_ =	strace $0x90000049  }
0xb2: {  	s29 =	simm.s32 $0x9;
	_ =	strace $0x8000004B  }
0xb3: {  	_ =	swait.ge [sflag:s29], $0x1  }
0xb4: {  	[sflag:s29] =	ssyncadd.s32 $0xFFFFFFFF  }
0xb5: {  	_ =	strace $0x9000004B  }
0xb6: {  	_ =	sfence  }
0xb7: {  	s30 =	sld [smem:$0x0];
	_ =	sdelay $0x2  }
0xb8: {  	s31 =	sshll.u32 s1, $0xD;
	s1 =	sshrl.u32 s1, $0x2  }
0xb9: {  	s3 =	sand.u32 $0x4000, s31;
	s1 =	sadd.s32 s1, s30  }
0xba: {  	s0 =	sor.u32 s3, s0;
	s1 =	sshll.u32 s1, $0x11  }
0xbb: {  	s0 =	sor.u32 s1, s0  }
0xbc: {  	s0 =	sadd.s32 $0x8F2B, s0  }
0xbd: {  	[sflag:s0] =	ssyncadd.remote.s32 $0x1  }
0xbe: {  	_ =	sfence.sel $0xFFFF  }
0xbf: {  	[dreg:$0x0] =	wrdreg $0xFFFFFFFF;
	(pc) =	sbr.abs _section_cstart, $3  }
0xc0: {  	[dreg:$0x1] =	wrdreg $0xFFFFFFFF  }
0xc1: {  	_ =	task.clear_ibuf [dreg:s6], $0x2FFFF;
	_ =	strace $0x9FFFFFFF  }
0xc2: {  	(tm) =	ssettm $0x7FFFFFFF  }
0xc3: {  	_ =	shalt  }
tec
execute0_lowered:
.L_overlay_start_1:
0x0: {  	(tag) =	ssettag $0x1  }
0x1: {  	s0 =	srdreg.scid;
	s1 =	rddreg [dreg:$0x0]  }
0x2: {  	s2 =	rddreg [dreg:$0x1];
	s8 =	stileid.u32;
	s3 =	simm.s32 $0x0  }
0x3: {  	s19 =	simm.s32 $0x1;
	s20 =	simm.s32 $0x2;
	s21 =	simm.s32 $0x4E20  }
0x4: {  	s29 =	simm.s32 $0xABE0;
	s31 =	simm.s32 $0xCB20;
	s28 =	simm.s32 $0x4  }
0x5: {  	s30 =	simm.s32 $0x6;
	s0 =	sand.u32 $0x1, s0;
	[smem:$0x7FF] =	sst s3  }
0x6: {  	s11 =	smul.u32 $0x9C40, s8;
	s4 =	sshll.u32 s0, $0x4;
	_ =	strace $0x8000004A  }
0x7: {  	s6 =	ssub.s32 $0x2, s0;
	s0 =	smul.u32 $0x9C400, s0;
	s4 =	sor.u32 s8, s4  }
0x8: {  	s7 =	sshrl.u32 s6, $0x1;
	s23 =	sadd.s32 $0x1F40, s11;
	s12 =	sadd.s32 $0x3E80, s11  }
0x9: {  	s13 =	sadd.s32 $0x5DC0, s11;
	s15 =	sadd.s32 $0x7D00, s11;
	s5 =	smul.u32 $0x2710, s4  }
0xa: {  	s4 =	sadd.s32 $0x15E00, s1;
	s6 =	ssub.s32 s6, s7;
	s7 =	sadd.s32 s11, s2  }
0xb: {  	s8 =	sadd.s32 s23, s2;
	s9 =	sadd.s32 s12, s2;
	s10 =	sadd.s32 s13, s2  }
0xc: {  	s14 =	sadd.s32 s11, s0;
	s11 =	sadd.s32 s15, s2;
	s24 =	sadd.s32 s0, s12  }
0xd: {  	s25 =	sadd.s32 s0, s13;
	s13 =	simm.s32 $0x0;
	s5 =	sshrl.u32 s5, $0x3  }
0xe: {  	s14 =	sshrl.u32 s14, $0x3;
	s12 =	sshrl.u32 s25, $0x3;
	s5 =	sadd.s32 s5, s1  }
0xf: {  	s17 =	smax.u32 s6, $0x1;
	s25 =	simm.s32 $0x7;
	s22 =	sadd.s32 $0x2400, s5  }
0x10: {  	s1 =	sadd.s32 $0x29800, s1;
	s5 =	sadd.s32 $0xC040, s5;
	[dreg:$0x3] =	wrdreg s22  }
0x11: {  	s6 =	simm.s32 $0x9;
	s14 =	sadd.s32 s1, s14;
	[dreg:$0x4] =	wrdreg s5  }
0x12: {  	s26 =	sadd.s32 s1, s12;
	s12 =	simm.s32 $0xA;
	[dreg:$0x5] =	wrdreg s14  }
0x13: {  	s5 =	sadd.s32 s0, s23;
	s0 =	sadd.s32 s0, s15;
	[dreg:$0x8] =	wrdreg s26  }
0x14: {  	s22 =	simm.s32 $0xB;
	s23 =	simm.s32 $0x50;
	s5 =	sshrl.u32 s5, $0x3  }
0x15: {  	s26 =	simm.s32 $0x8CA0;
	s0 =	sshrl.u32 s0, $0x3;
	s5 =	sadd.s32 s1, s5  }
0x16: {  	s16 =	sadd.s32 s1, s0;
	[dreg:$0x6] =	wrdreg s5;
	s5 =	sshrl.u32 s24, $0x3  }
0x17: {  	s0 =	simm.s32 $0x5;
	s24 =	simm.s32 $0x6D60;
	s5 =	sadd.s32 s1, s5  }
0x18: {  	v0 =	vimm.f32 $0.0e+00;
	s1 =	simm.s32 $0x3;
	[dreg:$0x7] =	wrdreg s5;
	s5 =	simm.s32 $0x8  }
.LBB2_1:
0x19: {  	s14 =	rddreg [dreg:$0x3]  }
0x1a: {  	[tilespmem:s3], [sflag:$0x1] =	stream.linear.gather [hbm4b:s14+s3], $0x2710, $0x38;
	[tilespmem:$0x186A0] =	vst v63  }
0x1b: {  	s18 =	rddreg [dreg:$0x4];
	s15 =	simm.s32 $0x2710  }
0x1c: {  	[tilespmem:s15], [sflag:$0x2] =	stream.linear.gather [hbm4b:s18+s3], $0x2710, $0x38;
	[tilespmem:$0x186A0] =	vst v63  }
0x1d: {  	s14 =	simm.s32 $0x0;
	s18 =	simm.s32 $0x100  }
.LBB2_2:
0x1e: {  	p0 =	sne.s32 s18, $0x7C00;
	[tilespmem:s14+$0x4E50] =	vst v0;
	s15 =	smov.u32 s18;
	s18 =	sadd.s32 $0x100, s18  }
.Ltmp0:
0x1f: {  	[tilespmem:s14+$0x4E40] =	vst v0;
	(pc) =	sbr.rel @p0 .LBB2_2-.Ltmp0, $3  }
0x20: {  	[tilespmem:s14+$0x4E20] =	vst v0  }
0x21: {  	[tilespmem:s14+$0x4E30] =	vst v0;
	_ =	sdelay $0x1  }
0x22: {  	s14 =	sshra.s32 s15, $0x2  }
0x23: {  	[tilespmem:s14+$0x4E50] =	vst v0  }
0x24: {  	[tilespmem:s14+$0x4E40] =	vst v0  }
0x25: {  	[tilespmem:s14+$0x4E20] =	vst v0  }
0x26: {  	[tilespmem:s14+$0x4E30] =	vst v0  }
0x27: {  	_ =	swait.ge [sflag:s19], $0x2710  }
0x28: {  	[sflag:s19] =	ssyncset.done $0x0  }
0x29: {  	[sflag:s19] =	ssyncadd.s32 $0xFFFFD8F0  }
0x2a: {  	_ =	swait.ge [sflag:s20], $0x2710  }
0x2b: {  	[sflag:s20] =	ssyncset.done $0x0  }
0x2c: {  	[sflag:s20] =	ssyncadd.s32 $0xFFFFD8F0  }
0x2d: {  	[spmem:s7] =	stream.linear.scatter [tilespmem:s21], [sflag:$0xB], $0x1F40, $0x38;
	[tilespmem:$0x186A0] =	vst v63  }
0x2e: {  	_ =	swait.ge [sflag:s22], $0x1F40  }
0x2f: {  	[sflag:s22] =	ssyncset.done $0x0  }
0x30: {  	[sflag:s22] =	ssyncadd.s32 $0xFFFFE0C0  }
0x31: {  	[spmem:s8] =	stream.linear.scatter [tilespmem:s21], [sflag:$0xB], $0x1F40, $0x38;
	[tilespmem:$0x186A0] =	vst v63  }
0x32: {  	_ =	swait.ge [sflag:s22], $0x1F40  }
0x33: {  	[sflag:s22] =	ssyncset.done $0x0  }
0x34: {  	[sflag:s22] =	ssyncadd.s32 $0xFFFFE0C0  }
0x35: {  	[spmem:s9] =	stream.linear.scatter [tilespmem:s21], [sflag:$0xB], $0x1F40, $0x38;
	[tilespmem:$0x186A0] =	vst v63  }
0x36: {  	_ =	swait.ge [sflag:s22], $0x1F40  }
0x37: {  	[sflag:s22] =	ssyncset.done $0x0  }
0x38: {  	[sflag:s22] =	ssyncadd.s32 $0xFFFFE0C0  }
0x39: {  	[spmem:s10] =	stream.linear.scatter [tilespmem:s21], [sflag:$0xB], $0x1F40, $0x38;
	[tilespmem:$0x186A0] =	vst v63  }
0x3a: {  	_ =	swait.ge [sflag:s22], $0x1F40  }
0x3b: {  	[sflag:s22] =	ssyncset.done $0x0  }
0x3c: {  	[sflag:s22] =	ssyncadd.s32 $0xFFFFE0C0  }
0x3d: {  	[spmem:s11] =	stream.linear.scatter [tilespmem:s21], [sflag:$0xB], $0x1F40, $0x38;
	[tilespmem:$0x186A0] =	vst v63  }
0x3e: {  	_ =	swait.ge [sflag:s22], $0x1F40  }
0x3f: {  	[sflag:s22] =	ssyncset.done $0x0  }
0x40: {  	[sflag:s22] =	ssyncadd.s32 $0xFFFFE0C0  }
0x41: {  	s15 =	simm.s32 $0x0;
	[bflag:$0x0] =	sbarrier.arrive $0xFFFF  }
0x42: {  	[tilespmem:s21], [sflag:$0x1] =	stream.indirect.gather [hbm4b:s4+s23], $0x40, s15, s23, $0xb8;
	[tilespmem:$0x186A0] =	vst v63  }
0x43: {  	_ = 	snop  }
0x44: {  	[tilespmem:s24], [sflag:$0x2] =	stream.indirect.gather [hbm4b:s4+s23], $0x40, s23, s23, $0xb8;
	[tilespmem:$0x186A0] =	vst v63  }
0x45: {  	s18 =	simm.s32 $0xA0  }
0x46: {  	[tilespmem:s26], [sflag:$0x3] =	stream.indirect.gather [hbm4b:s4+s23], $0x40, s18, s23, $0xb8;
	[tilespmem:$0x186A0] =	vst v63  }
0x47: {  	s15 =	simm.s32 $0xF0  }
0x48: {  	[tilespmem:s29], [sflag:$0x4] =	stream.indirect.gather [hbm4b:s4+s23], $0x40, s15, s23, $0xb8;
	[tilespmem:$0x186A0] =	vst v63  }
0x49: {  	s18 =	simm.s32 $0x140  }
0x4a: {  	[tilespmem:s31], [sflag:$0x5] =	stream.indirect.gather [hbm4b:s4+s23], $0x40, s18, s23, $0xb8;
	[tilespmem:$0x186A0] =	vst v63  }
0x4b: {  	_ =	swait.ge [sflag:s19], $0x1400  }
0x4c: {  	[sflag:s19] =	ssyncset.done $0x0  }
0x4d: {  	s15 =	simm.s32 $0x2710;
	[sflag:s19] =	ssyncadd.s32 $0xFFFFEC00  }
0x4e: {  	[spmem:s2] =	stream.indirect.scatter.add.f32 [tilespmem:s21], [sflag:$0x6], $0x40, s15, s23, $0xb8;
	[tilespmem:$0x186A0] =	vst v63  }
0x4f: {  	_ =	swait.ge [sflag:s20], $0x1400  }
0x50: {  	[sflag:s20] =	ssyncset.done $0x0  }
0x51: {  	s18 =	simm.s32 $0x2760;
	[sflag:s20] =	ssyncadd.s32 $0xFFFFEC00  }
0x52: {  	[spmem:s2] =	stream.indirect.scatter.add.f32 [tilespmem:s24], [sflag:$0x7], $0x40, s18, s23, $0xb8;
	[tilespmem:$0x186A0] =	vst v63  }
0x53: {  	_ =	swait.ge [sflag:s1], $0x1400  }
0x54: {  	[sflag:s1] =	ssyncset.done $0x0  }
0x55: {  	s15 =	simm.s32 $0x27B0;
	[sflag:s1] =	ssyncadd.s32 $0xFFFFEC00  }
0x56: {  	[spmem:s2] =	stream.indirect.scatter.add.f32 [tilespmem:s26], [sflag:$0x8], $0x40, s15, s23, $0xb8;
	[tilespmem:$0x186A0] =	vst v63  }
0x57: {  	_ =	swait.ge [sflag:s28], $0x1400  }
0x58: {  	[sflag:s28] =	ssyncset.done $0x0  }
0x59: {  	s18 =	simm.s32 $0x2800;
	[sflag:s28] =	ssyncadd.s32 $0xFFFFEC00  }
0x5a: {  	[spmem:s2] =	stream.indirect.scatter.add.f32 [tilespmem:s29], [sflag:$0x9], $0x40, s18, s23, $0xb8;
	[tilespmem:$0x186A0] =	vst v63  }
0x5b: {  	_ =	swait.ge [sflag:s0], $0x1400  }
0x5c: {  	[sflag:s0] =	ssyncset.done $0x0  }
0x5d: {  	s15 =	simm.s32 $0x2850;
	[sflag:s0] =	ssyncadd.s32 $0xFFFFEC00  }
0x5e: {  	[spmem:s2] =	stream.indirect.scatter.add.f32 [tilespmem:s31], [sflag:$0xA], $0x40, s15, s23, $0xb8;
	[tilespmem:$0x186A0] =	vst v63  }
0x5f: {  	_ =	swait.ge [sflag:s30], $0x1400  }
0x60: {  	[sflag:s30] =	ssyncset.done $0x0  }
0x61: {  	s18 =	simm.s32 $0x190;
	[sflag:s30] =	ssyncadd.s32 $0xFFFFEC00  }
0x62: {  	[tilespmem:s21], [sflag:$0x1] =	stream.indirect.gather [hbm4b:s4+s23], $0x40, s18, s23, $0xb8;
	[tilespmem:$0x186A0] =	vst v63  }
0x63: {  	_ =	swait.ge [sflag:s25], $0x1400  }
0x64: {  	[sflag:s25] =	ssyncset.done $0x0  }
0x65: {  	s15 =	simm.s32 $0x1E0;
	[sflag:s25] =	ssyncadd.s32 $0xFFFFEC00  }
0x66: {  	[tilespmem:s24], [sflag:$0x2] =	stream.indirect.gather [hbm4b:s4+s23], $0x40, s15, s23, $0xb8;
	[tilespmem:$0x186A0] =	vst v63  }
0x67: {  	_ =	swait.ge [sflag:s5], $0x1400  }
0x68: {  	[sflag:s5] =	ssyncset.done $0x0  }
0x69: {  	s18 =	simm.s32 $0x230;
	[sflag:s5] =	ssyncadd.s32 $0xFFFFEC00  }
0x6a: {  	[tilespmem:s26], [sflag:$0x3] =	stream.indirect.gather [hbm4b:s4+s23], $0x40, s18, s23, $0xb8;
	[tilespmem:$0x186A0] =	vst v63  }
0x6b: {  	_ =	swait.ge [sflag:s6], $0x1400  }
0x6c: {  	[sflag:s6] =	ssyncset.done $0x0  }
0x6d: {  	s15 =	simm.s32 $0x280;
	[sflag:s6] =	ssyncadd.s32 $0xFFFFEC00  }
0x6e: {  	[tilespmem:s29], [sflag:$0x4] =	stream.indirect.gather [hbm4b:s4+s23], $0x40, s15, s23, $0xb8;
	[tilespmem:$0x186A0] =	vst v63  }
0x6f: {  	_ =	swait.ge [sflag:s12], $0x1400  }
0x70: {  	[sflag:s12] =	ssyncset.done $0x0  }
0x71: {  	s18 =	simm.s32 $0x2D0;
	[sflag:s12] =	ssyncadd.s32 $0xFFFFEC00  }
0x72: {  	[tilespmem:s31], [sflag:$0x5] =	stream.indirect.gather [hbm4b:s4+s23], $0x40, s18, s23, $0xb8;
	[tilespmem:$0x186A0] =	vst v63  }
0x73: {  	_ =	swait.ge [sflag:s19], $0x1400  }
0x74: {  	[sflag:s19] =	ssyncset.done $0x0  }
0x75: {  	s15 =	simm.s32 $0x28A0;
	[sflag:s19] =	ssyncadd.s32 $0xFFFFEC00  }
0x76: {  	[spmem:s2] =	stream.indirect.scatter.add.f32 [tilespmem:s21], [sflag:$0x6], $0x40, s15, s23, $0xb8;
	[tilespmem:$0x186A0] =	vst v63  }
0x77: {  	_ =	swait.ge [sflag:s20], $0x1400  }
0x78: {  	[sflag:s20] =	ssyncset.done $0x0  }
0x79: {  	s18 =	simm.s32 $0x28F0;
	[sflag:s20] =	ssyncadd.s32 $0xFFFFEC00  }
0x7a: {  	[spmem:s2] =	stream.indirect.scatter.add.f32 [tilespmem:s24], [sflag:$0x7], $0x40, s18, s23, $0xb8;
	[tilespmem:$0x186A0] =	vst v63  }
0x7b: {  	_ =	swait.ge [sflag:s1], $0x1400  }
0x7c: {  	[sflag:s1] =	ssyncset.done $0x0  }
0x7d: {  	s15 =	simm.s32 $0x2940;
	[sflag:s1] =	ssyncadd.s32 $0xFFFFEC00  }
0x7e: {  	[spmem:s2] =	stream.indirect.scatter.add.f32 [tilespmem:s26], [sflag:$0x8], $0x40, s15, s23, $0xb8;
	[tilespmem:$0x186A0] =	vst v63  }
0x7f: {  	_ =	swait.ge [sflag:s28], $0x1400  }
0x80: {  	[sflag:s28] =	ssyncset.done $0x0  }
0x81: {  	s18 =	simm.s32 $0x2990;
	[sflag:s28] =	ssyncadd.s32 $0xFFFFEC00  }
0x82: {  	[spmem:s2] =	stream.indirect.scatter.add.f32 [tilespmem:s29], [sflag:$0x9], $0x40, s18, s23, $0xb8;
	[tilespmem:$0x186A0] =	vst v63  }
0x83: {  	_ =	swait.ge [sflag:s0], $0x1400  }
0x84: {  	[sflag:s0] =	ssyncset.done $0x0  }
0x85: {  	s14 =	simm.s32 $0x29E0;
	s18 =	simm.s32 $0x640;
	[sflag:s0] =	ssyncadd.s32 $0xFFFFEC00  }
.LBB2_4:
0x86: {  	[spmem:s2] =	stream.indirect.scatter.add.f32 [tilespmem:s31], [sflag:$0xA], $0x40, s14, s23, $0xb8;
	[tilespmem:$0x186A0] =	vst v63  }
0x87: {  	s14 =	smov.u32 s18  }
0x88: {  	p0 =	sne.s32 s18, $0x8FC0;
	s18 =	sadd.s32 $0x640, s18;
	_ =	swait.ge [sflag:s30], $0x1400  }
0x89: {  	s14 =	sshra.s32 s14, $0x2;
	[sflag:s30] =	ssyncset.done $0x0  }
0x8a: {  	s15 =	sadd.s32 $0x190, s14;
	[sflag:s30] =	ssyncadd.s32 $0xFFFFEC00  }
0x8b: {  	[tilespmem:s21], [sflag:$0x1] =	stream.indirect.gather [hbm4b:s4+s23], $0x40, s15, s23, $0xb8;
	[tilespmem:$0x186A0] =	vst v63  }
0x8c: {  	_ =	swait.ge [sflag:s25], $0x1400  }
0x8d: {  	[sflag:s25] =	ssyncset.done $0x0  }
0x8e: {  	s15 =	sadd.s32 $0x1E0, s14;
	[sflag:s25] =	ssyncadd.s32 $0xFFFFEC00  }
0x8f: {  	[tilespmem:s24], [sflag:$0x2] =	stream.indirect.gather [hbm4b:s4+s23], $0x40, s15, s23, $0xb8;
	[tilespmem:$0x186A0] =	vst v63  }
0x90: {  	_ =	swait.ge [sflag:s5], $0x1400  }
0x91: {  	[sflag:s5] =	ssyncset.done $0x0  }
0x92: {  	s15 =	sadd.s32 $0x230, s14;
	[sflag:s5] =	ssyncadd.s32 $0xFFFFEC00  }
0x93: {  	[tilespmem:s26], [sflag:$0x3] =	stream.indirect.gather [hbm4b:s4+s23], $0x40, s15, s23, $0xb8;
	[tilespmem:$0x186A0] =	vst v63  }
0x94: {  	_ =	swait.ge [sflag:s6], $0x1400  }
0x95: {  	[sflag:s6] =	ssyncset.done $0x0  }
0x96: {  	s15 =	sadd.s32 $0x280, s14;
	[sflag:s6] =	ssyncadd.s32 $0xFFFFEC00  }
0x97: {  	[tilespmem:s29], [sflag:$0x4] =	stream.indirect.gather [hbm4b:s4+s23], $0x40, s15, s23, $0xb8;
	[tilespmem:$0x186A0] =	vst v63  }
0x98: {  	_ =	swait.ge [sflag:s12], $0x1400  }
0x99: {  	[sflag:s12] =	ssyncset.done $0x0  }
0x9a: {  	s15 =	sadd.s32 $0x2D0, s14;
	[sflag:s12] =	ssyncadd.s32 $0xFFFFEC00  }
0x9b: {  	[tilespmem:s31], [sflag:$0x5] =	stream.indirect.gather [hbm4b:s4+s23], $0x40, s15, s23, $0xb8;
	[tilespmem:$0x186A0] =	vst v63  }
0x9c: {  	_ =	swait.ge [sflag:s19], $0x1400  }
0x9d: {  	[sflag:s19] =	ssyncset.done $0x0  }
0x9e: {  	s15 =	sadd.s32 $0x28A0, s14;
	[sflag:s19] =	ssyncadd.s32 $0xFFFFEC00  }
0x9f: {  	[spmem:s2] =	stream.indirect.scatter.add.f32 [tilespmem:s21], [sflag:$0x6], $0x40, s15, s23, $0xb8;
	[tilespmem:$0x186A0] =	vst v63  }
0xa0: {  	_ =	swait.ge [sflag:s20], $0x1400  }
0xa1: {  	[sflag:s20] =	ssyncset.done $0x0  }
0xa2: {  	s15 =	sadd.s32 $0x28F0, s14;
	[sflag:s20] =	ssyncadd.s32 $0xFFFFEC00  }
0xa3: {  	[spmem:s2] =	stream.indirect.scatter.add.f32 [tilespmem:s24], [sflag:$0x7], $0x40, s15, s23, $0xb8;
	[tilespmem:$0x186A0] =	vst v63  }
0xa4: {  	_ =	swait.ge [sflag:s1], $0x1400  }
0xa5: {  	[sflag:s1] =	ssyncset.done $0x0  }
0xa6: {  	s15 =	sadd.s32 $0x2940, s14;
	[sflag:s1] =	ssyncadd.s32 $0xFFFFEC00  }
0xa7: {  	[spmem:s2] =	stream.indirect.scatter.add.f32 [tilespmem:s26], [sflag:$0x8], $0x40, s15, s23, $0xb8;
	[tilespmem:$0x186A0] =	vst v63  }
0xa8: {  	_ =	swait.ge [sflag:s28], $0x1400  }
0xa9: {  	[sflag:s28] =	ssyncset.done $0x0  }
.Ltmp1:
0xaa: {  	s15 =	sadd.s32 $0x2990, s14;
	[sflag:s28] =	ssyncadd.s32 $0xFFFFEC00;
	(pc) =	sbr.rel @p0 .LBB2_4-.Ltmp1, $4  }
0xab: {  	[spmem:s2] =	stream.indirect.scatter.add.f32 [tilespmem:s29], [sflag:$0x9], $0x40, s15, s23, $0xb8;
	[tilespmem:$0x186A0] =	vst v63  }
0xac: {  	_ =	swait.ge [sflag:s0], $0x1400  }
0xad: {  	[sflag:s0] =	ssyncset.done $0x0  }
0xae: {  	s14 =	sadd.s32 $0x29E0, s14;
	[sflag:s0] =	ssyncadd.s32 $0xFFFFEC00  }
0xaf: {  	[spmem:s2] =	stream.indirect.scatter.add.f32 [tilespmem:s31], [sflag:$0xA], $0x40, s14, s23, $0xb8;
	[tilespmem:$0x186A0] =	vst v63  }
0xb0: {  	_ =	swait.ge [sflag:s30], $0x1400  }
0xb1: {  	[sflag:s30] =	ssyncset.done $0x0  }
0xb2: {  	[sflag:s30] =	ssyncadd.s32 $0xFFFFEC00  }
0xb3: {  	_ =	swait.ge [sflag:s25], $0x1400  }
0xb4: {  	[sflag:s25] =	ssyncset.done $0x0  }
0xb5: {  	[sflag:s25] =	ssyncadd.s32 $0xFFFFEC00  }
0xb6: {  	_ =	swait.ge [sflag:s5], $0x1400  }
0xb7: {  	[sflag:s5] =	ssyncset.done $0x0  }
0xb8: {  	[sflag:s5] =	ssyncadd.s32 $0xFFFFEC00  }
0xb9: {  	_ =	swait.ge [sflag:s6], $0x1400  }
0xba: {  	[sflag:s6] =	ssyncset.done $0x0  }
0xbb: {  	[sflag:s6] =	ssyncadd.s32 $0xFFFFEC00  }
0xbc: {  	_ =	swait.ge [sflag:s12], $0x1400  }
0xbd: {  	[sflag:s12] =	ssyncset.done $0x0  }
0xbe: {  	[sflag:s12] =	ssyncadd.s32 $0xFFFFEC00  }
0xbf: {  	[bflag:$0x0] =	sbarrier.arrive $0xFFFF  }
0xc0: {  	[tilespmem:s21], [sflag:$0x1] =	stream.linear.gather [spmem:s7], $0x1F40, $0x38;
	[tilespmem:$0x186A0] =	vst v63  }
0xc1: {  	_ = 	snop  }
0xc2: {  	[tilespmem:s24], [sflag:$0x2] =	stream.linear.gather [spmem:s8], $0x1F40, $0x38;
	[tilespmem:$0x186A0] =	vst v63  }
0xc3: {  	_ = 	snop  }
0xc4: {  	[tilespmem:s26], [sflag:$0x3] =	stream.linear.gather [spmem:s9], $0x1F40, $0x38;
	[tilespmem:$0x186A0] =	vst v63  }
0xc5: {  	_ = 	snop  }
0xc6: {  	[tilespmem:s29], [sflag:$0x4] =	stream.linear.gather [spmem:s10], $0x1F40, $0x38;
	[tilespmem:$0x186A0] =	vst v63  }
0xc7: {  	_ = 	snop  }
0xc8: {  	[tilespmem:s31], [sflag:$0x5] =	stream.linear.gather [spmem:s11], $0x1F40, $0x38;
	[tilespmem:$0x186A0] =	vst v63  }
0xc9: {  	_ =	swait.ge [sflag:s19], $0x1F40  }
0xca: {  	[sflag:s19] =	ssyncset.done $0x0  }
0xcb: {  	s15 =	rddreg [dreg:$0x5];
	[sflag:s19] =	ssyncadd.s32 $0xFFFFE0C0  }
0xcc: {  	[hbm4b:s15+s3] =	stream.linear.scatter [tilespmem:s21], [sflag:$0x6], $0x1F40, $0x38;
	[tilespmem:$0x186A0] =	vst v63  }
0xcd: {  	_ =	swait.ge [sflag:s20], $0x1F40  }
0xce: {  	[sflag:s20] =	ssyncset.done $0x0  }
0xcf: {  	s18 =	rddreg [dreg:$0x6];
	[sflag:s20] =	ssyncadd.s32 $0xFFFFE0C0  }
0xd0: {  	[hbm4b:s18+s3] =	stream.linear.scatter [tilespmem:s24], [sflag:$0x7], $0x1F40, $0x38;
	[tilespmem:$0x186A0] =	vst v63  }
0xd1: {  	_ =	swait.ge [sflag:s1], $0x1F40  }
0xd2: {  	[sflag:s1] =	ssyncset.done $0x0  }
0xd3: {  	s15 =	rddreg [dreg:$0x7];
	[sflag:s1] =	ssyncadd.s32 $0xFFFFE0C0  }
0xd4: {  	[hbm4b:s15+s3] =	stream.linear.scatter [tilespmem:s26], [sflag:$0x8], $0x1F40, $0x38;
	[tilespmem:$0x186A0] =	vst v63  }
0xd5: {  	_ =	swait.ge [sflag:s28], $0x1F40  }
0xd6: {  	[sflag:s28] =	ssyncset.done $0x0  }
0xd7: {  	s18 =	rddreg [dreg:$0x8];
	[sflag:s28] =	ssyncadd.s32 $0xFFFFE0C0  }
0xd8: {  	[hbm4b:s18+s3] =	stream.linear.scatter [tilespmem:s29], [sflag:$0x9], $0x1F40, $0x38;
	[tilespmem:$0x186A0] =	vst v63  }
0xd9: {  	_ =	swait.ge [sflag:s0], $0x1F40  }
0xda: {  	[sflag:s0] =	ssyncset.done $0x0  }
0xdb: {  	[sflag:s0] =	ssyncadd.s32 $0xFFFFE0C0  }
0xdc: {  	[hbm4b:s16+s3] =	stream.linear.scatter [tilespmem:s31], [sflag:$0xA], $0x1F40, $0x38;
	[tilespmem:$0x186A0] =	vst v63  }
0xdd: {  	_ =	swait.ge [sflag:s30], $0x1F40  }
0xde: {  	[sflag:s30] =	ssyncset.done $0x0  }
0xdf: {  	[sflag:s30] =	ssyncadd.s32 $0xFFFFE0C0  }
0xe0: {  	_ =	swait.ge [sflag:s25], $0x1F40  }
0xe1: {  	[sflag:s25] =	ssyncset.done $0x0  }
0xe2: {  	[sflag:s25] =	ssyncadd.s32 $0xFFFFE0C0  }
0xe3: {  	_ =	swait.ge [sflag:s5], $0x1F40  }
0xe4: {  	[sflag:s5] =	ssyncset.done $0x0  }
0xe5: {  	s13 =	sadd.s32 $0x1, s13;
	[sflag:s5] =	ssyncadd.s32 $0xFFFFE0C0  }
0xe6: {  	p0 =	sne.s32 s13, s17;
	_ =	swait.ge [sflag:s6], $0x1F40  }
.Ltmp2:
0xe7: {  	[sflag:s6] =	ssyncset.done $0x0;
	(pc) =	sbr.rel @p0 .LBB2_1-.Ltmp2, $4  }
0xe8: {  	[sflag:s6] =	ssyncadd.s32 $0xFFFFE0C0  }
0xe9: {  	_ =	swait.ge [sflag:s12], $0x1F40  }
0xea: {  	[sflag:s12] =	ssyncset.done $0x0  }
0xeb: {  	[sflag:s12] =	ssyncadd.s32 $0xFFFFE0C0  }
0xec: {  	_ =	sfence.sel $0x180000  }
0xed: {  	[bflag:$0x0] =	sbarrier.arrive $0xFFFF  }
0xee: {  	_ =	strace $0x9000004A  }
0xef: {  	s0 =	stileid.u32;
	[bflag:$0x2] =	sbarrier.arrive $0xFFFF  }
0xf0: {  	p0 =	sne.s32 s0, $0x0;
	s0 =	rddreg [dreg:$0x2]  }
0xf1: {  	s0 =	sadd.s32 @!p0 $0x100000, s0  }
0xf2: {  	[sflag:s0] =	ssyncadd.tile.s32 @!p0 $0x1;
	_ =	shalt  }
.Lfunc_end2:
_tile_overlayer_lowered:
.L_overlay_start_2:
0xf3: {  	(tag) =	ssettag $0x2  }
0xf4: {  	s0 =	rddreg [dreg:$0x0];
	s2 =	stileid.u32  }
0xf5: {  	s1 =	rddreg [dreg:$0x1];
	p0 =	sne.s32 s2, $0x0  }
0xf6: {  	s3 =	rddreg [dreg:$0x2];
	[bflag:$0x3] =	sbarrier.arrive $0xFFFF;
	s2 =	simm.s32 @!p0 $0x1C0B  }
0xf7: {  	[timem:s3], [sflag:s2] =	dma.local @!p0 [hbm:s0], s1  }
0xf8: {  	s0 =	simm.s32 @!p0 $0xB  }
0xf9: {  	_ =	swait.ge @!p0 [sflag:s0], s1  }
0xfa: {  	s1 =	ssub.s32 @!p0 $0x0, s1;
	[sflag:s0] =	ssyncset.done @!p0 $0x0  }
0xfb: {  	[sflag:s0] =	ssyncadd.s32 @!p0 s1  }
0xfc: {  	[bflag:$0x3] =	sbarrier.arrive $0xFFFF  }
0xfd: {  	_ =	shalt  }

// kernel: kernel.14.cloned.1.call-start
scs
__scs_entry_jumppad:
0x0: {  	(pc) =	sbr.rel $0x88, $3  }
0x1: {  	(tag) =	ssettag $0x0;
	lr =	simm.s32 $0x1  }
0x2: {  	[smem:$0x3F9B] =	sst lr;
	_ =	strace $0xD0000000  }
0x3: {  	_ = 	snop  }
0x4: {  	_ = 	snop  }
0x5: {  	_ = 	snop  }
0x6: {  	_ = 	snop  }
0x7: {  	_ = 	snop  }
__scs_overlays_trampoline_lowered:
0x8: {  	[smem:$0x3FAA] =	sst s0  }
0x9: {  	[smem:$0x3FAB] =	sst s1  }
0xa: {  	[smem:$0x3FAC] =	sst s2  }
0xb: {  	[smem:$0x3FAD] =	sst s3  }
0xc: {  	[smem:$0x3FAE] =	sst s4  }
0xd: {  	[smem:$0x3FAF] =	sst s5  }
0xe: {  	[smem:$0x3FB0] =	sst s6  }
0xf: {  	[smem:$0x3FB1] =	sst s7  }
0x10: {  	[smem:$0x3FB2] =	sst s8  }
0x11: {  	[smem:$0x3FB3] =	sst s9;
	s0 =	simm.s32 @!p0 $0x0  }
0x12: {  	s1 =	sld [smem:$0x3F99];
	s0 =	simm.s32 @p0 $0x1  }
0x13: {  	[smem:$0x3FB4] =	sst s0;
	s0 =	simm.s32 @!p1 $0x0  }
0x14: {  	s2 =	sld [smem:$0x3F98];
	s0 =	simm.s32 @p1 $0x1  }
0x15: {  	[smem:$0x3FB5] =	sst s0;
	s0 =	simm.s32 @!p2 $0x0  }
0x16: {  	s3 =	sld [smem:$0x3FDB];
	s0 =	simm.s32 @p2 $0x1  }
0x17: {  	s4 =	simm.s32 $0x1BF5;
	[smem:$0x3FB7] =	sst s0  }
0x18: {  	s0 =	sld [smem:$0x3F9A];
	_ =	swait.ge [sflag:s4], $0x0  }
0x19: {  	s7 =	sld [smem:$0x3F9B]  }
0x1a: {  	s8 =	sadd.s32 $0xFFFFE003, lr  }
0x1b: {  	s9 =	sadd.s32 $0xFFFFFEF7, lr;
	s5 =	simm.s32 $0xFFFFFFFF;
	p2 =	slt.u32 s8, $0xFFFFF086  }
0x1c: {  	p1 =	slt.u32 s9, $0xF7A;
	s5 =	simm.s32 @!p2 $0x0  }
0x1d: {  	s5 =	simm.s32 @p1 $0x1;
	p0 =	seq.s32 s7, s2  }
0x1e: {  	s7 =	smul.u32 @!p0 $0xF7A, s2;
	p2 =	seq.s32 @!p0 s5, $0x0  }
0x1f: {  	s9 =	smul.u32 $0xF7A, s1;
	s8 =	simm.s32 @!p0 $0x1BF5;
	p2 =	por !p2, p0  }
0x20: {  	[sflag:s8] =	ssyncset.s32 @!p0 $0xFFFFF086;
	s6 =	sadd.s32 @!p0 s3, s7;
	s7 =	simm.s32 @!p0 $0x108  }
0x21: {  	s3 =	sadd.s32 s3, s9;
	s6 =	sadd.s32 @!p0 $0x88, s6;
	s7 =	simm.s32 @p2 $0x1082  }
0x22: {  	[simem:s7], [sflag:s8] =	dma.local @!p0 [hbm:s6], $0xF7A  }
0x23: {  	s9 =	sor.u32 $0xD0000000, s2;
	s6 =	simm.s32 $0x108;
	_ =	swait.ge @!p0 [sflag:s8], $0x0  }
0x24: {  	s3 =	sadd.s32 $0x88, s3;
	s6 =	simm.s32 @!p1 $0x1082;
	[sflag:s4] =	ssyncset.s32 $0xFFFFF086  }
0x25: {  	[simem:s6], [sflag:s4] =	dma.local [hbm:s3], $0xF7A  }
0x26: {  	[smem:$0x3F9B] =	sst s1;
	(tag) =	ssettag s2;
	_ =	strace s9  }
0x27: {  	s1 =	sld [smem:$0x3FAB]  }
0x28: {  	s2 =	sld [smem:$0x3FAC]  }
0x29: {  	s4 =	sld [smem:$0x3FAE]  }
0x2a: {  	p0 =	seq.s32 s5, $0x0;
	s5 =	sld [smem:$0x3FAF]  }
0x2b: {  	s6 =	sld [smem:$0x3FB0]  }
0x2c: {  	s7 =	sld [smem:$0x3FB1]  }
0x2d: {  	s3 =	simm.s32 $0x108;
	s8 =	sld [smem:$0x3FB2]  }
0x2e: {  	s3 =	simm.s32 @!p0 $0x1082;
	s9 =	sld [smem:$0x3FB3]  }
0x2f: {  	lr =	sadd.s32 s0, s3;
	s0 =	sld [smem:$0x3FAA]  }
0x30: {  	s3 =	sld [smem:$0x3FAD]  }
0x31: {  	[smem:$0x3FB6] =	sst s10  }
0x32: {  	s10 =	sld [smem:$0x3FB4];
	_ =	sdelay $0x3  }
0x33: {  	p0 =	seq.s32 s10, $0x1;
	s10 =	sld [smem:$0x3FB6];
	_ =	sdelay $0x3  }
0x34: {  	[smem:$0x3FB6] =	sst s10  }
0x35: {  	s10 =	sld [smem:$0x3FB5];
	_ =	sdelay $0x3  }
0x36: {  	p1 =	seq.s32 s10, $0x1;
	s10 =	sld [smem:$0x3FB6];
	_ =	sdelay $0x3  }
0x37: {  	[smem:$0x3FB6] =	sst s10  }
0x38: {  	s10 =	sld [smem:$0x3FB7]  }
0x39: {  	_ = 	snop;
	(pc) =	sbr.ind lr, $3  }
0x3a: {  	_ = 	snop  }
0x3b: {  	_ = 	snop  }
0x3c: {  	p2 =	seq.s32 s10, $0x1;
	s10 =	sld [smem:$0x3FB6]  }
0x3d: {  	_ =	shalt  }
0x3e: {  	_ =	shalt  }
0x3f: {  	_ =	shalt  }
0x40: {  	_ =	shalt  }
0x41: {  	_ =	shalt  }
0x42: {  	_ =	shalt  }
0x43: {  	_ =	shalt  }
0x44: {  	_ =	shalt  }
0x45: {  	_ =	shalt  }
0x46: {  	_ =	shalt  }
0x47: {  	_ =	shalt  }
0x48: {  	_ =	shalt  }
0x49: {  	_ =	shalt  }
0x4a: {  	_ =	shalt  }
0x4b: {  	_ =	shalt  }
0x4c: {  	_ =	shalt  }
0x4d: {  	_ =	shalt  }
0x4e: {  	_ =	shalt  }
0x4f: {  	_ =	shalt  }
0x50: {  	_ =	shalt  }
0x51: {  	_ =	shalt  }
0x52: {  	_ =	shalt  }
0x53: {  	_ =	shalt  }
0x54: {  	_ =	shalt  }
0x55: {  	_ =	shalt  }
0x56: {  	_ =	shalt  }
0x57: {  	_ =	shalt  }
0x58: {  	_ =	shalt  }
0x59: {  	_ =	shalt  }
0x5a: {  	_ =	shalt  }
0x5b: {  	_ =	shalt  }
0x5c: {  	_ =	shalt  }
0x5d: {  	_ =	shalt  }
0x5e: {  	_ =	shalt  }
0x5f: {  	_ =	shalt  }
0x60: {  	_ =	shalt  }
0x61: {  	_ =	shalt  }
0x62: {  	_ =	shalt  }
0x63: {  	_ =	shalt  }
0x64: {  	_ =	shalt  }
0x65: {  	_ =	shalt  }
0x66: {  	_ =	shalt  }
0x67: {  	_ =	shalt  }
0x68: {  	_ =	shalt  }
0x69: {  	_ =	shalt  }
0x6a: {  	_ =	shalt  }
0x6b: {  	_ =	shalt  }
0x6c: {  	_ =	shalt  }
0x6d: {  	_ =	shalt  }
0x6e: {  	_ =	shalt  }
0x6f: {  	_ =	shalt  }
0x70: {  	_ =	shalt  }
0x71: {  	_ =	shalt  }
0x72: {  	_ =	shalt  }
0x73: {  	_ =	shalt  }
0x74: {  	_ =	shalt  }
0x75: {  	_ =	shalt  }
0x76: {  	_ =	shalt  }
0x77: {  	_ =	shalt  }
0x78: {  	_ =	shalt  }
0x79: {  	_ =	shalt  }
0x7a: {  	_ =	shalt  }
0x7b: {  	_ =	shalt  }
0x7c: {  	_ =	shalt  }
0x7d: {  	_ =	shalt  }
0x7e: {  	_ =	shalt  }
0x7f: {  	_ =	shalt  }
0x80: {  	_ =	shalt  }
0x81: {  	_ =	shalt  }
0x82: {  	_ =	shalt  }
0x83: {  	_ =	shalt  }
0x84: {  	_ =	shalt  }
0x85: {  	_ =	shalt  }
0x86: {  	_ =	shalt  }
0x87: {  	_ =	shalt  }
.Lfunc_end0:
.L_simem_size_0:
called_computation.2_lowered:
.L_overlay_start_0:
0x88: {  	s2 =	sld [smem:$0x3FD9]  }
0x89: {  	s3 =	sld [smem:$0x3FFE];
	_ =	sdelay $0x1  }
0x8a: {  	s1 =	srdreg.scid  }
0x8b: {  	s0 =	sand.u32 $0x1, s1  }
0x8c: {  	s16 =	sshll.u32 s0, $0xA;
	s2 =	sadd.s32 s3, s2  }
0x8d: {  	s2 =	sadd.s32 s2, s16  }
0x8e: {  	[smem:$0x3FC2] =	sst s2  }
0x8f: {  	_ = 	snop  }
0x90: {  	(tm) =	ssettm $0x1  }
0x91: {  	s17 =	sld [smem:$0x3FFB];
	_ =	sdelay $0x3  }
0x92: {  	_ =	strace s17  }
0x93: {  	s2 =	sld [smem:$0x3FFC];
	_ =	sdelay $0x3  }
0x94: {  	_ =	strace s2  }
0x95: {  	s2 =	sld [smem:$0x3FFD];
	_ =	sdelay $0x3  }
0x96: {  	_ =	strace s2  }
0x97: {  	_ =	strace $0x8FFFFFFF  }
0x98: {  	s18 =	sld [smem:$0x3FDB];
	_ =	sdelay $0x1  }
0x99: {  	s19 =	simm.s32 $_scs_section_size  }
0x9a: {  	s4 =	simm.s32 $_size__tile_overlayer_lowered;
	s5 =	simm.s32 $_tile_overlayer_lowered  }
0x9b: {  	s22 =	simm.s32 $0x1BFF;
	s21 =	sshll.u32 s5, $0x1;
	s2 =	sadd.s32 s19, s18  }
0x9c: {  	s6 =	simm.s32 $0x0;
	s20 =	sshll.u32 s4, $0x1;
	s4 =	sadd.s32 s21, s2  }
0x9d: {  	[timem:s6], [sflag:s22] =	dma.local [hbm:s4], s20  }
0x9e: {  	_ =	swait.ge [sflag:s22], s20  }
0x9f: {  	s3 =	ssub.s32 $0x0, s20;
	[sflag:s22] =	ssyncset.done $0x0  }
0xa0: {  	[sflag:s22] =	ssyncadd.s32 s3;
	_ =	sdelay $0x1  }
0xa1: {  	s23 =	simm.s32 $0x1B8B  }
0xa2: {  	_ =	swait.ge [sflag:s23], $0x1  }
0xa3: {  	[sflag:s23] =	ssyncset.done $0x0  }
0xa4: {  	s25 =	simm.s32 $0x1B8E;
	s24 =	sld [smem:$0x3FFE];
	[sflag:s23] =	ssyncadd.s32 $0xFFFFFFFF  }
0xa5: {  	s26 =	simm.s32 $execute0_lowered;
	[smem:$0x3FD2] =	sst s25  }
0xa6: {  	s4 =	sshll.u32 s26, $0x1;
	_ =	strace $0x8000004C;
	[dreg:$0x1] =	wrdreg $0xFFFFFFFF  }
0xa7: {  	s28 =	simm.s32 $_size_execute0_lowered;
	s2 =	sadd.s32 s2, s4;
	[dreg:$0x0] =	wrdreg $0x0  }
0xa8: {  	s4 =	sshll.u32 s28, $0x1;
	[dreg:$0x2] =	wrdreg s2  }
0xa9: {  	[dreg:$0x3] =	wrdreg s4  }
0xaa: {  	[dreg:$0x4] =	wrdreg $0xC0  }
0xab: {  	_ =	task [dreg:s6], $0x5FFFF  }
0xac: {  	[dreg:$0x1] =	wrdreg $0xFFFFFFFF  }
0xad: {  	[dreg:$0x0] =	wrdreg $0x60  }
0xae: {  	[dreg:$0x2] =	wrdreg s24  }
0xaf: {  	[dreg:$0x3] =	wrdreg $0xC6C00  }
0xb0: {  	[dreg:$0x4] =	wrdreg $0x9  }
0xb1: {  	_ =	task.clear_ibuf [dreg:s6], $0x5FFFF;
	_ =	strace $0x9000004C  }
0xb2: {  	s29 =	simm.s32 $0x9;
	_ =	strace $0x8000004E  }
0xb3: {  	_ =	swait.ge [sflag:s29], $0x1  }
0xb4: {  	[sflag:s29] =	ssyncadd.s32 $0xFFFFFFFF  }
0xb5: {  	_ =	strace $0x9000004E  }
0xb6: {  	_ =	sfence  }
0xb7: {  	s30 =	sld [smem:$0x0];
	_ =	sdelay $0x2  }
0xb8: {  	s31 =	sshll.u32 s1, $0xD;
	s1 =	sshrl.u32 s1, $0x2  }
0xb9: {  	s3 =	sand.u32 $0x4000, s31;
	s1 =	sadd.s32 s1, s30  }
0xba: {  	s0 =	sor.u32 s3, s0;
	s1 =	sshll.u32 s1, $0x11  }
0xbb: {  	s0 =	sor.u32 s1, s0  }
0xbc: {  	s0 =	sadd.s32 $0x8F2B, s0  }
0xbd: {  	[sflag:s0] =	ssyncadd.remote.s32 $0x1  }
0xbe: {  	_ =	sfence.sel $0xFFFF  }
0xbf: {  	[dreg:$0x0] =	wrdreg $0xFFFFFFFF;
	(pc) =	sbr.abs _section_cstart, $3  }
0xc0: {  	[dreg:$0x1] =	wrdreg $0xFFFFFFFF  }
0xc1: {  	_ =	task.clear_ibuf [dreg:s6], $0x2FFFF;
	_ =	strace $0x9FFFFFFF  }
0xc2: {  	(tm) =	ssettm $0x7FFFFFFF  }
0xc3: {  	_ =	shalt  }
tec
execute0_lowered:
.L_overlay_start_1:
0x0: {  	(tag) =	ssettag $0x1  }
0x1: {  	s1 =	rddreg [dreg:$0x0]  }
0x2: {  	s0 =	srdreg.scid;
	s7 =	rddreg [dreg:$0x1]  }
0x3: {  	s12 =	stileid.u32;
	s2 =	simm.s32 $0x0;
	s28 =	simm.s32 $0x2710  }
0x4: {  	s29 =	simm.s32 $0x4E20;
	s30 =	simm.s32 $0x1;
	s31 =	simm.s32 $0x2  }
0x5: {  	s0 =	sand.u32 $0x1, s0;
	[smem:$0x7FF] =	sst s2;
	s6 =	smul.u32 $0x9C40, s12  }
0x6: {  	s8 =	smul.u32 $0x280, s12;
	s22 =	sadd.s32 $0x2580, s7;
	s23 =	sadd.s32 $0x4C90, s7  }
0x7: {  	s24 =	sadd.s32 $0x73A0, s7;
	s25 =	sadd.s32 $0x9AB0, s7;
	s26 =	sadd.s32 $0xC1C0, s7  }
0x8: {  	s16 =	sadd.s32 $0xE8D0, s7;
	_ =	strace $0x8000004D;
	[dreg:$0x5] =	wrdreg s22  }
0x9: {  	s17 =	sadd.s32 $0x10FE0, s7;
	s18 =	sadd.s32 $0x136F0, s7;
	[dreg:$0x7] =	wrdreg s23  }
0xa: {  	p0 =	sne.s32 s12, $0xF;
	s3 =	sshll.u32 s0, $0x4;
	[dreg:$0x8] =	wrdreg s24  }
0xb: {  	s5 =	ssub.s32 $0x2, s0;
	s0 =	smul.u32 $0x2710, s0;
	[dreg:$0x9] =	wrdreg s25  }
0xc: {  	[dreg:$0xa] =	wrdreg s26;
	s22 =	sadd.s32 $0x1D330, s7;
	s23 =	sadd.s32 $0x1FA40, s7  }
0xd: {  	s24 =	sadd.s32 $0x22150, s7;
	s25 =	sadd.s32 $0x24860, s7;
	s26 =	sadd.s32 $0x26F70, s7  }
0xe: {  	s3 =	sor.u32 s12, s3;
	s19 =	sshrl.u32 s5, $0x1;
	s6 =	sshrl.u32 s6, $0x2  }
0xf: {  	s4 =	smul.u32 $0x2710, s3;
	s3 =	sadd.s32 $0x15E00, s1;
	s10 =	ssub.s32 s5, s19  }
0x10: {  	s20 =	sadd.s32 s8, s0;
	s6 =	sadd.s32 s6, s7;
	s0 =	sshrl.u32 s0, $0x3  }
0x11: {  	s8 =	sadd.s32 s8, s7;
	s19 =	sadd.s32 $0x15E00, s7;
	s4 =	sshrl.u32 s4, $0x3  }
0x12: {  	[dreg:$0x3] =	wrdreg s8;
	s11 =	smax.u32 s10, $0x1;
	s9 =	sadd.s32 s4, s1  }
0x13: {  	s8 =	simm.s32 $0x9C40;
	s1 =	sadd.s32 $0x16400, s1;
	s4 =	sadd.s32 $0x2400, s9  }
.Ltmp0:
0x14: {  	s5 =	sadd.s32 $0xC040, s9;
	s9 =	sshrl.u32 s20, $0x3;
	(pc) =	sbr.rel .LBB2_1-.Ltmp0, $4  }
0x15: {  	s10 =	simm.s32 $0x0;
	s0 =	sadd.s32 s1, s0;
	s21 =	sadd.s32 s1, s9  }
0x16: {  	s20 =	sadd.s32 $0x18510, s7;
	s0 =	sadd.s32 $0x4B0, s0;
	[dreg:$0x4] =	wrdreg s21  }
0x17: {  	s1 =	simm.s32 $0x7530;
	s9 =	simm.s32 $0xC440;
	[dreg:$0x6] =	wrdreg s0  }
0x18: {  	v0 =	vimm.f32 $0.0e+00;
	s21 =	sadd.s32 $0x1AC20, s7;
	s0 =	simm.s32 $0x3;
	s7 =	simm.s32 $0x4  }
.LBB2_11:
0x19: {  	v8 =	vld [tilespmem:s14+$0x9EC0]  }
0x1a: {  	v9 =	vld [tilespmem:s12+$0xB540];
	v3 =	vadd.f32 v3, v7  }
0x1b: {  	v52 =	vld [tilespmem:s14+$0xA140]  }
0x1c: {  	v10 =	vld [tilespmem:s12+$0xB7C0];
	v4 =	vadd.f32 v4, v6;
	[tilespmem:s13+$0xC440] =	vst v3  }
0x1d: {  	v3 =	vld [tilespmem:s14+$0xA3C0]  }
0x1e: {  	v4 =	vadd.f32 v5, v4;
	v2 =	vadd.f32 v8, v2  }
0x1f: {  	v53 =	vld [tilespmem:s14+$0xA640]  }
0x20: {  	v54 =	vld [tilespmem:s12+$0xBA40];
	v1 =	vadd.f32 v1, v4;
	v2 =	vadd.f32 v52, v2  }
0x21: {  	v55 =	vld [tilespmem:s14+$0xA8C0]  }
0x22: {  	v56 =	vld [tilespmem:s12+$0xBCC0];
	v1 =	vadd.f32 v9, v1;
	v2 =	vadd.f32 v3, v2  }
0x23: {  	v3 =	vld [tilespmem:s14+$0xAB40]  }
0x24: {  	v57 =	vld [tilespmem:s12+$0xBF40];
	v1 =	vadd.f32 v10, v1;
	v2 =	vadd.f32 v53, v2  }
0x25: {  	v58 =	vld [tilespmem:s14+$0xADC0]  }
0x26: {  	v59 =	vld [tilespmem:s12+$0xC1C0];
	v1 =	vadd.f32 v54, v1;
	v2 =	vadd.f32 v55, v2  }
0x27: {  	v60 =	vld [tilespmem:s14+$0xB040]  }
0x28: {  	v1 =	vadd.f32 v56, v1;
	v2 =	vadd.f32 v3, v2  }
0x29: {  	v3 =	vld [tilespmem:s14+$0xB2C0]  }
0x2a: {  	v1 =	vadd.f32 v57, v1;
	v2 =	vadd.f32 v58, v2  }
0x2b: {  	v61 =	vld [tilespmem:s14+$0xB540]  }
0x2c: {  	v1 =	vadd.f32 v59, v1;
	v2 =	vadd.f32 v60, v2  }
0x2d: {  	v62 =	vld [tilespmem:s14+$0xB7C0]  }
0x2e: {  	[tilespmem:s12+$0xC440] =	vst v1;
	v1 =	vadd.f32 v3, v2  }
0x2f: {  	v2 =	vld [tilespmem:s14+$0xBA40]  }
0x30: {  	v1 =	vadd.f32 v61, v1  }
0x31: {  	v3 =	vld [tilespmem:s14+$0xBCC0]  }
0x32: {  	v1 =	vadd.f32 v62, v1  }
0x33: {  	v63 =	vld [tilespmem:s14+$0xBF40]  }
0x34: {  	v1 =	vadd.f32 v2, v1  }
0x35: {  	v2 =	vld [tilespmem:s14+$0xC1C0]  }
0x36: {  	v1 =	vadd.f32 v3, v1;
	_ =	sdelay $0x1  }
0x37: {  	v1 =	vadd.f32 v63, v1;
	_ =	sdelay $0x1  }
0x38: {  	v1 =	vadd.f32 v2, v1;
	_ =	sdelay $0x1  }
0x39: {  	s15 =	rddreg [dreg:$0x4];
	[tilespmem:s14+$0xC440] =	vst v1  }
0x3a: {  	[hbm4b:s15+s2] =	stream.linear.scatter [tilespmem:s9], [sflag:$0x4], $0x280, $0x38;
	[tilespmem:$0xEDD0] =	vst v63  }
0x3b: {  	_ =	swait.ge [sflag:s7], $0x280  }
0x3c: {  	[sflag:s7] =	ssyncset.done $0x0  }
0x3d: {  	[sflag:s7] =	ssyncadd.s32 $0xFFFFFD80  }
.LBB2_12:
0x3e: {  	s10 =	sadd.s32 $0x1, s10  }
0x3f: {  	p1 =	sne.s32 s10, s11  }
.Ltmp1:
0x40: {  	_ = 	snop;
	(pc) =	sbr.rel @!p1 .LBB2_13-.Ltmp1, $1  }
0x41: {  	_ =	sdelay $0x3  }
.LBB2_1:
0x42: {  	[tilespmem:s2], [sflag:$0x1] =	stream.linear.gather [hbm4b:s4+s2], $0x2710, $0x38;
	[tilespmem:$0xEDD0] =	vst v63  }
0x43: {  	_ = 	snop  }
0x44: {  	[tilespmem:s28], [sflag:$0x2] =	stream.linear.gather [hbm4b:s5+s2], $0x2710, $0x38;
	[tilespmem:$0xEDD0] =	vst v63  }
0x45: {  	s12 =	simm.s32 $0x40;
	s13 =	simm.s32 $0x0  }
0x46: {  	[tilespmem:s29], [sflag:$0x3] =	stream.linear.gather [hbm4b:s3+s2], $0x2710, $0x38;
	[tilespmem:$0xEDD0] =	vst v63  }
.LBB2_2:
0x47: {  	p1 =	sne.s32 s12, $0x9C00;
	[tilespmem:s13+$0x7530] =	vst v0;
	s13 =	smov.u32 s12;
	s12 =	sadd.s32 $0x40, s12  }
.Ltmp2:
0x48: {  	(pc) =	sbr.rel @p1 .LBB2_2-.Ltmp2, $2  }
0x49: {  	_ =	sdelay $0x2  }
0x4a: {  	s13 =	sshra.s32 s13, $0x2  }
0x4b: {  	[tilespmem:s13+$0x7530] =	vst v0  }
0x4c: {  	_ =	swait.ge [sflag:s30], $0x2710  }
0x4d: {  	[sflag:s30] =	ssyncset.done $0x0  }
0x4e: {  	[sflag:s30] =	ssyncadd.s32 $0xFFFFD8F0  }
0x4f: {  	_ =	swait.ge [sflag:s31], $0x2710  }
0x50: {  	[sflag:s31] =	ssyncset.done $0x0  }
0x51: {  	[sflag:s31] =	ssyncadd.s32 $0xFFFFD8F0  }
0x52: {  	_ =	swait.ge [sflag:s0], $0x2710  }
0x53: {  	[sflag:s0] =	ssyncset.done $0x0  }
0x54: {  	s12 =	simm.s32 $0x0;
	[sflag:s0] =	ssyncadd.s32 $0xFFFFD8F0  }
.LBB2_4:
0x55: {  	s13 =	sshra.s32 s12, $0x2  }
0x56: {  	v1 =	vld [tilespmem:s13+$0x0];
	_ =	sdelay $0x4  }
0x57: {  	v2 =	vld [tilespmem:s13+$0x2710];
	_ =	sdelay $0x2  }
0x58: {  	v1 =	vld.idx.msk [tilespmem:v1+s29+$0x0], $0xffff;
	_ =	sdelay $0x4  }
0x59: {  	[tilespmem:v2+s1+$0x0] =	vst.idx.add.f32.msk $0xffff, v1  }
0x5a: {  	v1 =	vld [tilespmem:s13+$0x10];
	_ =	sdelay $0x4  }
0x5b: {  	v2 =	vld [tilespmem:s13+$0x2720];
	_ =	sdelay $0x2  }
0x5c: {  	v1 =	vld.idx.msk [tilespmem:v1+s29+$0x0], $0xffff;
	_ =	sdelay $0x4  }
0x5d: {  	[tilespmem:v2+s1+$0x0] =	vst.idx.add.f32.msk $0xffff, v1  }
0x5e: {  	v1 =	vld [tilespmem:s13+$0x20];
	_ =	sdelay $0x4  }
0x5f: {  	v2 =	vld [tilespmem:s13+$0x2730];
	_ =	sdelay $0x2  }
0x60: {  	v1 =	vld.idx.msk [tilespmem:v1+s29+$0x0], $0xffff;
	_ =	sdelay $0x4  }
0x61: {  	[tilespmem:v2+s1+$0x0] =	vst.idx.add.f32.msk $0xffff, v1  }
0x62: {  	v1 =	vld [tilespmem:s13+$0x30];
	_ =	sdelay $0x4  }
0x63: {  	v2 =	vld [tilespmem:s13+$0x2740];
	_ =	sdelay $0x2  }
0x64: {  	v1 =	vld.idx.msk [tilespmem:v1+s29+$0x0], $0xffff;
	_ =	sdelay $0x4  }
0x65: {  	[tilespmem:v2+s1+$0x0] =	vst.idx.add.f32.msk $0xffff, v1  }
0x66: {  	v1 =	vld [tilespmem:s13+$0x40];
	_ =	sdelay $0x4  }
0x67: {  	v2 =	vld [tilespmem:s13+$0x2750];
	_ =	sdelay $0x2  }
0x68: {  	p1 =	sne.s32 s12, $0x9B00;
	v1 =	vld.idx.msk [tilespmem:v1+s29+$0x0], $0xffff  }
.Ltmp3:
0x69: {  	_ = 	snop;
	(pc) =	sbr.rel @p1 .LBB2_4-.Ltmp3, $2  }
0x6a: {  	_ =	sdelay $0x2  }
0x6b: {  	s12 =	sadd.s32 $0x140, s12;
	[tilespmem:v2+s1+$0x0] =	vst.idx.add.f32.msk $0xffff, v1  }
0x6c: {  	[spmem:s6] =	stream.linear.scatter [tilespmem:s1], [sflag:$0x4], $0x2710, $0x38;
	[tilespmem:$0xEDD0] =	vst v63  }
.Ltmp4:
0x6d: {  	_ =	swait.ge [sflag:s7], $0x2710;
	(pc) =	sbr.rel @p0 .LBB2_9-.Ltmp4, $3  }
0x6e: {  	[sflag:s7] =	ssyncset.done $0x0  }
0x6f: {  	[sflag:s7] =	ssyncadd.s32 $0xFFFFD8F0  }
0x70: {  	[bflag:$0x0] =	sbarrier.arrive $0xFFFF;
	_ =	sdelay $0x1  }
0x71: {  	s12 =	rddreg [dreg:$0x5]  }
0x72: {  	[tilespmem:s8], [sflag:$0x4] =	stream.linear.gather [spmem:s12], $0x190, $0x38;
	[tilespmem:$0xEDD0] =	vst v63  }
0x73: {  	s15 =	rddreg [dreg:$0x7];
	s13 =	simm.s32 $0x9EC0  }
0x74: {  	[tilespmem:s13], [sflag:$0x4] =	stream.linear.gather [spmem:s15], $0x190, $0x38;
	[tilespmem:$0xEDD0] =	vst v63  }
0x75: {  	s14 =	rddreg [dreg:$0x8];
	s15 =	simm.s32 $0xA140  }
0x76: {  	[tilespmem:s15], [sflag:$0x4] =	stream.linear.gather [spmem:s14], $0x190, $0x38;
	[tilespmem:$0xEDD0] =	vst v63  }
0x77: {  	s14 =	rddreg [dreg:$0x9];
	s15 =	simm.s32 $0xA3C0  }
0x78: {  	[tilespmem:s15], [sflag:$0x4] =	stream.linear.gather [spmem:s14], $0x190, $0x38;
	[tilespmem:$0xEDD0] =	vst v63  }
0x79: {  	s14 =	rddreg [dreg:$0xa];
	s15 =	simm.s32 $0xA640  }
0x7a: {  	[tilespmem:s15], [sflag:$0x4] =	stream.linear.gather [spmem:s14], $0x190, $0x38;
	[tilespmem:$0xEDD0] =	vst v63  }
0x7b: {  	s14 =	simm.s32 $0xA8C0  }
0x7c: {  	[tilespmem:s14], [sflag:$0x4] =	stream.linear.gather [spmem:s16], $0x190, $0x38;
	[tilespmem:$0xEDD0] =	vst v63  }
0x7d: {  	s15 =	simm.s32 $0xAB40  }
0x7e: {  	[tilespmem:s15], [sflag:$0x4] =	stream.linear.gather [spmem:s17], $0x190, $0x38;
	[tilespmem:$0xEDD0] =	vst v63  }
0x7f: {  	s13 =	simm.s32 $0xADC0  }
0x80: {  	[tilespmem:s13], [sflag:$0x4] =	stream.linear.gather [spmem:s18], $0x190, $0x38;
	[tilespmem:$0xEDD0] =	vst v63  }
0x81: {  	s14 =	simm.s32 $0xB040  }
0x82: {  	[tilespmem:s14], [sflag:$0x4] =	stream.linear.gather [spmem:s19], $0x190, $0x38;
	[tilespmem:$0xEDD0] =	vst v63  }
0x83: {  	s15 =	simm.s32 $0xB2C0  }
0x84: {  	[tilespmem:s15], [sflag:$0x4] =	stream.linear.gather [spmem:s20], $0x190, $0x38;
	[tilespmem:$0xEDD0] =	vst v63  }
0x85: {  	s13 =	simm.s32 $0xB540  }
0x86: {  	[tilespmem:s13], [sflag:$0x4] =	stream.linear.gather [spmem:s21], $0x190, $0x38;
	[tilespmem:$0xEDD0] =	vst v63  }
0x87: {  	s14 =	simm.s32 $0xB7C0  }
0x88: {  	[tilespmem:s14], [sflag:$0x4] =	stream.linear.gather [spmem:s22], $0x190, $0x38;
	[tilespmem:$0xEDD0] =	vst v63  }
0x89: {  	s15 =	simm.s32 $0xBA40  }
0x8a: {  	[tilespmem:s15], [sflag:$0x4] =	stream.linear.gather [spmem:s23], $0x190, $0x38;
	[tilespmem:$0xEDD0] =	vst v63  }
0x8b: {  	s13 =	simm.s32 $0xBCC0  }
0x8c: {  	[tilespmem:s13], [sflag:$0x4] =	stream.linear.gather [spmem:s24], $0x190, $0x38;
	[tilespmem:$0xEDD0] =	vst v63  }
0x8d: {  	s14 =	simm.s32 $0xBF40  }
0x8e: {  	[tilespmem:s14], [sflag:$0x4] =	stream.linear.gather [spmem:s25], $0x190, $0x38;
	[tilespmem:$0xEDD0] =	vst v63  }
0x8f: {  	s15 =	simm.s32 $0xC1C0  }
0x90: {  	[tilespmem:s15], [sflag:$0x4] =	stream.linear.gather [spmem:s26], $0x190, $0x38;
	[tilespmem:$0xEDD0] =	vst v63  }
0x91: {  	_ =	swait.ge [sflag:s7], $0x1900  }
0x92: {  	[sflag:s7] =	ssyncset.done $0x0  }
0x93: {  	s13 =	simm.s32 $0x0;
	[sflag:s7] =	ssyncadd.s32 $0xFFFFE700  }
0x94: {  	v1 =	vld [tilespmem:s13+$0x9C40]  }
0x95: {  	v2 =	vld [tilespmem:s13+$0x9EC0];
	_ =	sdelay $0x1  }
0x96: {  	v3 =	vld [tilespmem:s13+$0xA140];
	_ =	sdelay $0x1  }
0x97: {  	v4 =	vld [tilespmem:s13+$0xA3C0]  }
0x98: {  	v1 =	vadd.f32 v2, v1  }
0x99: {  	v2 =	vld [tilespmem:s13+$0xA640]  }
0x9a: {  	v1 =	vadd.f32 v3, v1  }
0x9b: {  	v3 =	vld [tilespmem:s13+$0xA8C0]  }
0x9c: {  	v1 =	vadd.f32 v4, v1  }
0x9d: {  	v4 =	vld [tilespmem:s13+$0xAB40]  }
0x9e: {  	v1 =	vadd.f32 v2, v1  }
0x9f: {  	v2 =	vld [tilespmem:s13+$0xADC0]  }
0xa0: {  	s12 =	simm.s32 $0x10;
	v5 =	vld [tilespmem:s13+$0xB040];
	v1 =	vadd.f32 v3, v1  }
0xa1: {  	v6 =	vld [tilespmem:s12+$0x9C40]  }
0xa2: {  	v3 =	vld [tilespmem:s13+$0xB2C0];
	v1 =	vadd.f32 v4, v1  }
0xa3: {  	v4 =	vld [tilespmem:s12+$0x9EC0]  }
0xa4: {  	v7 =	vld [tilespmem:s12+$0xA140];
	v1 =	vadd.f32 v2, v1  }
0xa5: {  	v2 =	vld [tilespmem:s13+$0xB540]  }
0xa6: {  	v8 =	vld [tilespmem:s12+$0xA3C0];
	v1 =	vadd.f32 v5, v1  }
0xa7: {  	v5 =	vld [tilespmem:s13+$0xB7C0]  }
0xa8: {  	v4 =	vadd.f32 v4, v6;
	v6 =	vld [tilespmem:s12+$0xA640];
	v1 =	vadd.f32 v3, v1  }
0xa9: {  	v3 =	vld [tilespmem:s13+$0xBA40]  }
0xaa: {  	v4 =	vadd.f32 v7, v4;
	v7 =	vld [tilespmem:s12+$0xA8C0];
	v1 =	vadd.f32 v2, v1  }
0xab: {  	v2 =	vld [tilespmem:s13+$0xBCC0]  }
0xac: {  	v9 =	vld [tilespmem:s12+$0xAB40];
	v4 =	vadd.f32 v8, v4;
	v1 =	vadd.f32 v5, v1  }
0xad: {  	v8 =	vld [tilespmem:s13+$0xBF40]  }
0xae: {  	v5 =	vadd.f32 v6, v4;
	v4 =	vld [tilespmem:s12+$0xADC0];
	v6 =	vadd.f32 v3, v1  }
0xaf: {  	v3 =	vld [tilespmem:s13+$0xC1C0]  }
0xb0: {  	v1 =	vld [tilespmem:s12+$0xB2C0];
	v7 =	vadd.f32 v7, v5;
	v10 =	vadd.f32 v2, v6  }
0xb1: {  	s14 =	simm.s32 $0x20;
	v5 =	vld [tilespmem:s12+$0xB040]  }
0xb2: {  	s15 =	simm.s32 $0xC0;
	v2 =	vld [tilespmem:s14+$0x9C40];
	v6 =	vadd.f32 v9, v7;
	v7 =	vadd.f32 v8, v10  }
.LBB2_7:
0xb3: {  	p1 =	sne.s32 s15, $0x600;
	v8 =	vld [tilespmem:s14+$0x9EC0]  }
0xb4: {  	v4 =	vadd.f32 v4, v6;
	v6 =	vld [tilespmem:s12+$0xB540];
	v3 =	vadd.f32 v3, v7  }
0xb5: {  	v7 =	vld [tilespmem:s14+$0xA140]  }
0xb6: {  	v4 =	vadd.f32 v5, v4;
	v5 =	vld [tilespmem:s12+$0xB7C0];
	[tilespmem:s13+$0xC440] =	vst v3;
	s13 =	smov.u32 s12;
	s12 =	smov.u32 s14  }
0xb7: {  	v3 =	vld [tilespmem:s12+$0xA3C0]  }
0xb8: {  	v2 =	vadd.f32 v8, v2;
	v1 =	vadd.f32 v1, v4;
	v4 =	vld [tilespmem:s13+$0xBA40]  }
0xb9: {  	v8 =	vld [tilespmem:s12+$0xA640]  }
0xba: {  	v2 =	vadd.f32 v7, v2;
	v1 =	vadd.f32 v6, v1;
	v6 =	vld [tilespmem:s13+$0xBCC0]  }
0xbb: {  	v7 =	vld [tilespmem:s12+$0xA8C0]  }
0xbc: {  	v2 =	vadd.f32 v3, v2;
	v1 =	vadd.f32 v5, v1;
	v9 =	vld [tilespmem:s13+$0xBF40]  }
0xbd: {  	v10 =	vld [tilespmem:s12+$0xAB40]  }
.Ltmp5:
0xbe: {  	v2 =	vadd.f32 v8, v2;
	v5 =	vadd.f32 v4, v1;
	v3 =	vld [tilespmem:s13+$0xC1C0];
	(pc) =	sbr.rel @p1 .LBB2_7-.Ltmp5, $4  }
0xbf: {  	v4 =	vld [tilespmem:s12+$0xADC0]  }
0xc0: {  	v7 =	vadd.f32 v7, v2;
	v1 =	vld [tilespmem:s12+$0xB2C0];
	v8 =	vadd.f32 v6, v5  }
0xc1: {  	s14 =	sshra.s32 s15, $0x2;
	v5 =	vld [tilespmem:s12+$0xB040]  }
0xc2: {  	s15 =	sadd.s32 $0x40, s15;
	v2 =	vld [tilespmem:s14+$0x9C40];
	v6 =	vadd.f32 v10, v7;
	v7 =	vadd.f32 v9, v8  }
0xc3: {  	v8 =	vld [tilespmem:s14+$0x9EC0]  }
0xc4: {  	v9 =	vld [tilespmem:s12+$0xB540];
	v3 =	vadd.f32 v3, v7  }
0xc5: {  	v52 =	vld [tilespmem:s14+$0xA140]  }
0xc6: {  	v10 =	vld [tilespmem:s12+$0xB7C0];
	v4 =	vadd.f32 v4, v6;
	[tilespmem:s13+$0xC440] =	vst v3  }
0xc7: {  	v3 =	vld [tilespmem:s14+$0xA3C0]  }
0xc8: {  	v4 =	vadd.f32 v5, v4;
	v2 =	vadd.f32 v8, v2  }
0xc9: {  	v53 =	vld [tilespmem:s14+$0xA640]  }
0xca: {  	v54 =	vld [tilespmem:s12+$0xBA40];
	v1 =	vadd.f32 v1, v4;
	v2 =	vadd.f32 v52, v2  }
0xcb: {  	v55 =	vld [tilespmem:s14+$0xA8C0]  }
0xcc: {  	v56 =	vld [tilespmem:s12+$0xBCC0];
	v1 =	vadd.f32 v9, v1;
	v2 =	vadd.f32 v3, v2  }
0xcd: {  	v3 =	vld [tilespmem:s14+$0xAB40]  }
0xce: {  	v57 =	vld [tilespmem:s12+$0xBF40];
	v1 =	vadd.f32 v10, v1;
	v2 =	vadd.f32 v53, v2  }
0xcf: {  	v58 =	vld [tilespmem:s14+$0xADC0]  }
0xd0: {  	v59 =	vld [tilespmem:s12+$0xC1C0];
	v1 =	vadd.f32 v54, v1;
	v2 =	vadd.f32 v55, v2  }
0xd1: {  	v60 =	vld [tilespmem:s14+$0xB040]  }
0xd2: {  	v1 =	vadd.f32 v56, v1;
	v2 =	vadd.f32 v3, v2  }
0xd3: {  	v3 =	vld [tilespmem:s14+$0xB2C0]  }
0xd4: {  	v1 =	vadd.f32 v57, v1;
	v2 =	vadd.f32 v58, v2  }
0xd5: {  	v61 =	vld [tilespmem:s14+$0xB540]  }
0xd6: {  	v1 =	vadd.f32 v59, v1;
	v2 =	vadd.f32 v60, v2  }
0xd7: {  	v62 =	vld [tilespmem:s14+$0xB7C0]  }
0xd8: {  	[tilespmem:s12+$0xC440] =	vst v1;
	v1 =	vadd.f32 v3, v2  }
0xd9: {  	v2 =	vld [tilespmem:s14+$0xBA40]  }
0xda: {  	v1 =	vadd.f32 v61, v1  }
0xdb: {  	v3 =	vld [tilespmem:s14+$0xBCC0]  }
0xdc: {  	v1 =	vadd.f32 v62, v1  }
0xdd: {  	v63 =	vld [tilespmem:s14+$0xBF40]  }
0xde: {  	v1 =	vadd.f32 v2, v1  }
0xdf: {  	v2 =	vld [tilespmem:s14+$0xC1C0]  }
0xe0: {  	v1 =	vadd.f32 v3, v1;
	_ =	sdelay $0x1  }
0xe1: {  	v1 =	vadd.f32 v63, v1;
	_ =	sdelay $0x1  }
0xe2: {  	v1 =	vadd.f32 v2, v1;
	_ =	sdelay $0x1  }
.Ltmp6:
0xe3: {  	s15 =	rddreg [dreg:$0x6];
	[tilespmem:s14+$0xC440] =	vst v1;
	(pc) =	sbr.rel .LBB2_12-.Ltmp6, $4  }
0xe4: {  	[hbm4b:s15+s2] =	stream.linear.scatter [tilespmem:s9], [sflag:$0x4], $0x190, $0x38;
	[tilespmem:$0xEDD0] =	vst v63  }
0xe5: {  	_ =	swait.ge [sflag:s7], $0x190  }
0xe6: {  	[sflag:s7] =	ssyncset.done $0x0  }
0xe7: {  	[sflag:s7] =	ssyncadd.s32 $0xFFFFFE70  }
.LBB2_9:
0xe8: {  	s12 =	rddreg [dreg:$0x3];
	s13 =	simm.s32 $0x280  }
0xe9: {  	[tilespmem:s8], [sflag:$0x4] =	stream.strided.gather [spmem:s12], $0x2800, s28, s13, $0x38;
	[tilespmem:$0xEDD0] =	vst v63  }
0xea: {  	_ =	swait.ge [sflag:s7], $0x2800  }
0xeb: {  	[sflag:s7] =	ssyncset.done $0x0  }
0xec: {  	s13 =	simm.s32 $0x0;
	[sflag:s7] =	ssyncadd.s32 $0xFFFFD800  }
0xed: {  	v1 =	vld [tilespmem:s13+$0x9C40]  }
0xee: {  	v2 =	vld [tilespmem:s13+$0x9EC0];
	_ =	sdelay $0x1  }
0xef: {  	v3 =	vld [tilespmem:s13+$0xA140];
	_ =	sdelay $0x1  }
0xf0: {  	v4 =	vld [tilespmem:s13+$0xA3C0]  }
0xf1: {  	v1 =	vadd.f32 v2, v1  }
0xf2: {  	v2 =	vld [tilespmem:s13+$0xA640]  }
0xf3: {  	v1 =	vadd.f32 v3, v1  }
0xf4: {  	v3 =	vld [tilespmem:s13+$0xA8C0]  }
0xf5: {  	v1 =	vadd.f32 v4, v1  }
0xf6: {  	v4 =	vld [tilespmem:s13+$0xAB40]  }
0xf7: {  	v1 =	vadd.f32 v2, v1  }
0xf8: {  	v2 =	vld [tilespmem:s13+$0xADC0]  }
0xf9: {  	s12 =	simm.s32 $0x10;
	v5 =	vld [tilespmem:s13+$0xB040];
	v1 =	vadd.f32 v3, v1  }
0xfa: {  	v6 =	vld [tilespmem:s12+$0x9C40]  }
0xfb: {  	v3 =	vld [tilespmem:s13+$0xB2C0];
	v1 =	vadd.f32 v4, v1  }
0xfc: {  	v4 =	vld [tilespmem:s12+$0x9EC0]  }
0xfd: {  	v7 =	vld [tilespmem:s12+$0xA140];
	v1 =	vadd.f32 v2, v1  }
0xfe: {  	v2 =	vld [tilespmem:s13+$0xB540]  }
0xff: {  	v8 =	vld [tilespmem:s12+$0xA3C0];
	v1 =	vadd.f32 v5, v1  }
0x100: {  	v5 =	vld [tilespmem:s13+$0xB7C0]  }
0x101: {  	v4 =	vadd.f32 v4, v6;
	v6 =	vld [tilespmem:s12+$0xA640];
	v1 =	vadd.f32 v3, v1  }
0x102: {  	v3 =	vld [tilespmem:s13+$0xBA40]  }
0x103: {  	v4 =	vadd.f32 v7, v4;
	v7 =	vld [tilespmem:s12+$0xA8C0];
	v1 =	vadd.f32 v2, v1  }
0x104: {  	v2 =	vld [tilespmem:s13+$0xBCC0]  }
0x105: {  	v9 =	vld [tilespmem:s12+$0xAB40];
	v4 =	vadd.f32 v8, v4;
	v1 =	vadd.f32 v5, v1  }
0x106: {  	v8 =	vld [tilespmem:s13+$0xBF40]  }
0x107: {  	v5 =	vadd.f32 v6, v4;
	v4 =	vld [tilespmem:s12+$0xADC0];
	v6 =	vadd.f32 v3, v1  }
0x108: {  	v3 =	vld [tilespmem:s13+$0xC1C0]  }
0x109: {  	v1 =	vld [tilespmem:s12+$0xB2C0];
	v7 =	vadd.f32 v7, v5;
	v10 =	vadd.f32 v2, v6  }
0x10a: {  	s14 =	simm.s32 $0x20;
	v5 =	vld [tilespmem:s12+$0xB040]  }
0x10b: {  	s15 =	simm.s32 $0xC0;
	v2 =	vld [tilespmem:s14+$0x9C40];
	v6 =	vadd.f32 v9, v7;
	v7 =	vadd.f32 v8, v10  }
.LBB2_10:
0x10c: {  	p1 =	sne.s32 s15, $0x9C0;
	v8 =	vld [tilespmem:s14+$0x9EC0]  }
0x10d: {  	v4 =	vadd.f32 v4, v6;
	v3 =	vadd.f32 v3, v7;
	v6 =	vld [tilespmem:s12+$0xB540]  }
0x10e: {  	v7 =	vld [tilespmem:s14+$0xA140]  }
0x10f: {  	v4 =	vadd.f32 v5, v4;
	v5 =	vld [tilespmem:s12+$0xB7C0];
	[tilespmem:s13+$0xC440] =	vst v3;
	s13 =	smov.u32 s12;
	s12 =	smov.u32 s14  }
0x110: {  	v3 =	vld [tilespmem:s12+$0xA3C0]  }
0x111: {  	v1 =	vadd.f32 v1, v4;
	v2 =	vadd.f32 v8, v2;
	v4 =	vld [tilespmem:s13+$0xBA40]  }
0x112: {  	v8 =	vld [tilespmem:s12+$0xA640]  }
0x113: {  	v1 =	vadd.f32 v6, v1;
	v2 =	vadd.f32 v7, v2;
	v6 =	vld [tilespmem:s13+$0xBCC0]  }
0x114: {  	v7 =	vld [tilespmem:s12+$0xA8C0]  }
0x115: {  	v1 =	vadd.f32 v5, v1;
	v2 =	vadd.f32 v3, v2;
	v9 =	vld [tilespmem:s13+$0xBF40]  }
0x116: {  	v10 =	vld [tilespmem:s12+$0xAB40]  }
.Ltmp7:
0x117: {  	v5 =	vadd.f32 v4, v1;
	v2 =	vadd.f32 v8, v2;
	v3 =	vld [tilespmem:s13+$0xC1C0];
	(pc) =	sbr.rel @p1 .LBB2_10-.Ltmp7, $4  }
0x118: {  	v4 =	vld [tilespmem:s12+$0xADC0]  }
0x119: {  	v8 =	vadd.f32 v6, v5;
	v7 =	vadd.f32 v7, v2;
	v1 =	vld [tilespmem:s12+$0xB2C0]  }
0x11a: {  	s14 =	sshra.s32 s15, $0x2;
	v5 =	vld [tilespmem:s12+$0xB040]  }
0x11b: {  	s15 =	sadd.s32 $0x40, s15;
	v2 =	vld [tilespmem:s14+$0x9C40];
	v6 =	vadd.f32 v10, v7;
	v7 =	vadd.f32 v9, v8  }
.Ltmp8:
0x11c: {  	_ = 	snop;
	(pc) =	sbr.rel .LBB2_11-.Ltmp8, $1  }
0x11d: {  	_ =	sdelay $0x3  }
.LBB2_13:
0x11e: {  	_ =	sfence.sel $0x180000  }
0x11f: {  	[bflag:$0x0] =	sbarrier.arrive $0xFFFF  }
0x120: {  	_ =	strace $0x9000004D  }
0x121: {  	s0 =	stileid.u32;
	[bflag:$0x2] =	sbarrier.arrive $0xFFFF  }
0x122: {  	p0 =	sne.s32 s0, $0x0;
	s0 =	rddreg [dreg:$0x2]  }
0x123: {  	s0 =	sadd.s32 @!p0 $0x100000, s0  }
0x124: {  	[sflag:s0] =	ssyncadd.tile.s32 @!p0 $0x1;
	_ =	shalt  }
.Lfunc_end2:
_tile_overlayer_lowered:
.L_overlay_start_2:
0x125: {  	(tag) =	ssettag $0x2  }
0x126: {  	s0 =	rddreg [dreg:$0x0];
	s2 =	stileid.u32  }
0x127: {  	s1 =	rddreg [dreg:$0x1];
	p0 =	sne.s32 s2, $0x0  }
0x128: {  	s3 =	rddreg [dreg:$0x2];
	[bflag:$0x3] =	sbarrier.arrive $0xFFFF;
	s2 =	simm.s32 @!p0 $0x1C04  }
0x129: {  	[timem:s3], [sflag:s2] =	dma.local @!p0 [hbm:s0], s1  }
0x12a: {  	s0 =	simm.s32 @!p0 $0x4  }
0x12b: {  	_ =	swait.ge @!p0 [sflag:s0], s1  }
0x12c: {  	s1 =	ssub.s32 @!p0 $0x0, s1;
	[sflag:s0] =	ssyncset.done @!p0 $0x0  }
0x12d: {  	[sflag:s0] =	ssyncadd.s32 @!p0 s1  }
0x12e: {  	[bflag:$0x3] =	sbarrier.arrive $0xFFFF  }
0x12f: {  	_ =	shalt  }

// kernel: kernel.8.cloned.1.call-start
scs
__scs_entry_jumppad:
0x0: {  	(pc) =	sbr.rel $0x88, $3  }
0x1: {  	(tag) =	ssettag $0x0;
	lr =	simm.s32 $0x1  }
0x2: {  	[smem:$0x3F9B] =	sst lr;
	_ =	strace $0xD0000000  }
0x3: {  	_ = 	snop  }
0x4: {  	_ = 	snop  }
0x5: {  	_ = 	snop  }
0x6: {  	_ = 	snop  }
0x7: {  	_ = 	snop  }
__scs_overlays_trampoline_lowered:
0x8: {  	[smem:$0x3FAA] =	sst s0  }
0x9: {  	[smem:$0x3FAB] =	sst s1  }
0xa: {  	[smem:$0x3FAC] =	sst s2  }
0xb: {  	[smem:$0x3FAD] =	sst s3  }
0xc: {  	[smem:$0x3FAE] =	sst s4  }
0xd: {  	[smem:$0x3FAF] =	sst s5  }
0xe: {  	[smem:$0x3FB0] =	sst s6  }
0xf: {  	[smem:$0x3FB1] =	sst s7  }
0x10: {  	[smem:$0x3FB2] =	sst s8  }
0x11: {  	[smem:$0x3FB3] =	sst s9;
	s0 =	simm.s32 @!p0 $0x0  }
0x12: {  	s1 =	sld [smem:$0x3F99];
	s0 =	simm.s32 @p0 $0x1  }
0x13: {  	[smem:$0x3FB4] =	sst s0;
	s0 =	simm.s32 @!p1 $0x0  }
0x14: {  	s2 =	sld [smem:$0x3F98];
	s0 =	simm.s32 @p1 $0x1  }
0x15: {  	[smem:$0x3FB5] =	sst s0;
	s0 =	simm.s32 @!p2 $0x0  }
0x16: {  	s3 =	sld [smem:$0x3FDB];
	s0 =	simm.s32 @p2 $0x1  }
0x17: {  	s4 =	simm.s32 $0x1BF5;
	[smem:$0x3FB7] =	sst s0  }
0x18: {  	s0 =	sld [smem:$0x3F9A];
	_ =	swait.ge [sflag:s4], $0x0  }
0x19: {  	s7 =	sld [smem:$0x3F9B]  }
0x1a: {  	s8 =	sadd.s32 $0xFFFFE003, lr  }
0x1b: {  	s9 =	sadd.s32 $0xFFFFFEF7, lr;
	s5 =	simm.s32 $0xFFFFFFFF;
	p2 =	slt.u32 s8, $0xFFFFF086  }
0x1c: {  	p1 =	slt.u32 s9, $0xF7A;
	s5 =	simm.s32 @!p2 $0x0  }
0x1d: {  	s5 =	simm.s32 @p1 $0x1;
	p0 =	seq.s32 s7, s2  }
0x1e: {  	s7 =	smul.u32 @!p0 $0xF7A, s2;
	p2 =	seq.s32 @!p0 s5, $0x0  }
0x1f: {  	s9 =	smul.u32 $0xF7A, s1;
	s8 =	simm.s32 @!p0 $0x1BF5;
	p2 =	por !p2, p0  }
0x20: {  	[sflag:s8] =	ssyncset.s32 @!p0 $0xFFFFF086;
	s6 =	sadd.s32 @!p0 s3, s7;
	s7 =	simm.s32 @!p0 $0x108  }
0x21: {  	s3 =	sadd.s32 s3, s9;
	s6 =	sadd.s32 @!p0 $0x88, s6;
	s7 =	simm.s32 @p2 $0x1082  }
0x22: {  	[simem:s7], [sflag:s8] =	dma.local @!p0 [hbm:s6], $0xF7A  }
0x23: {  	s9 =	sor.u32 $0xD0000000, s2;
	s6 =	simm.s32 $0x108;
	_ =	swait.ge @!p0 [sflag:s8], $0x0  }
0x24: {  	s3 =	sadd.s32 $0x88, s3;
	s6 =	simm.s32 @!p1 $0x1082;
	[sflag:s4] =	ssyncset.s32 $0xFFFFF086  }
0x25: {  	[simem:s6], [sflag:s4] =	dma.local [hbm:s3], $0xF7A  }
0x26: {  	[smem:$0x3F9B] =	sst s1;
	(tag) =	ssettag s2;
	_ =	strace s9  }
0x27: {  	s1 =	sld [smem:$0x3FAB]  }
0x28: {  	s2 =	sld [smem:$0x3FAC]  }
0x29: {  	s4 =	sld [smem:$0x3FAE]  }
0x2a: {  	p0 =	seq.s32 s5, $0x0;
	s5 =	sld [smem:$0x3FAF]  }
0x2b: {  	s6 =	sld [smem:$0x3FB0]  }
0x2c: {  	s7 =	sld [smem:$0x3FB1]  }
0x2d: {  	s3 =	simm.s32 $0x108;
	s8 =	sld [smem:$0x3FB2]  }
0x2e: {  	s3 =	simm.s32 @!p0 $0x1082;
	s9 =	sld [smem:$0x3FB3]  }
0x2f: {  	lr =	sadd.s32 s0, s3;
	s0 =	sld [smem:$0x3FAA]  }
0x30: {  	s3 =	sld [smem:$0x3FAD]  }
0x31: {  	[smem:$0x3FB6] =	sst s10  }
0x32: {  	s10 =	sld [smem:$0x3FB4];
	_ =	sdelay $0x3  }
0x33: {  	p0 =	seq.s32 s10, $0x1;
	s10 =	sld [smem:$0x3FB6];
	_ =	sdelay $0x3  }
0x34: {  	[smem:$0x3FB6] =	sst s10  }
0x35: {  	s10 =	sld [smem:$0x3FB5];
	_ =	sdelay $0x3  }
0x36: {  	p1 =	seq.s32 s10, $0x1;
	s10 =	sld [smem:$0x3FB6];
	_ =	sdelay $0x3  }
0x37: {  	[smem:$0x3FB6] =	sst s10  }
0x38: {  	s10 =	sld [smem:$0x3FB7]  }
0x39: {  	_ = 	snop;
	(pc) =	sbr.ind lr, $3  }
0x3a: {  	_ = 	snop  }
0x3b: {  	_ = 	snop  }
0x3c: {  	p2 =	seq.s32 s10, $0x1;
	s10 =	sld [smem:$0x3FB6]  }
0x3d: {  	_ =	shalt  }
0x3e: {  	_ =	shalt  }
0x3f: {  	_ =	shalt  }
0x40: {  	_ =	shalt  }
0x41: {  	_ =	shalt  }
0x42: {  	_ =	shalt  }
0x43: {  	_ =	shalt  }
0x44: {  	_ =	shalt  }
0x45: {  	_ =	shalt  }
0x46: {  	_ =	shalt  }
0x47: {  	_ =	shalt  }
0x48: {  	_ =	shalt  }
0x49: {  	_ =	shalt  }
0x4a: {  	_ =	shalt  }
0x4b: {  	_ =	shalt  }
0x4c: {  	_ =	shalt  }
0x4d: {  	_ =	shalt  }
0x4e: {  	_ =	shalt  }
0x4f: {  	_ =	shalt  }
0x50: {  	_ =	shalt  }
0x51: {  	_ =	shalt  }
0x52: {  	_ =	shalt  }
0x53: {  	_ =	shalt  }
0x54: {  	_ =	shalt  }
0x55: {  	_ =	shalt  }
0x56: {  	_ =	shalt  }
0x57: {  	_ =	shalt  }
0x58: {  	_ =	shalt  }
0x59: {  	_ =	shalt  }
0x5a: {  	_ =	shalt  }
0x5b: {  	_ =	shalt  }
0x5c: {  	_ =	shalt  }
0x5d: {  	_ =	shalt  }
0x5e: {  	_ =	shalt  }
0x5f: {  	_ =	shalt  }
0x60: {  	_ =	shalt  }
0x61: {  	_ =	shalt  }
0x62: {  	_ =	shalt  }
0x63: {  	_ =	shalt  }
0x64: {  	_ =	shalt  }
0x65: {  	_ =	shalt  }
0x66: {  	_ =	shalt  }
0x67: {  	_ =	shalt  }
0x68: {  	_ =	shalt  }
0x69: {  	_ =	shalt  }
0x6a: {  	_ =	shalt  }
0x6b: {  	_ =	shalt  }
0x6c: {  	_ =	shalt  }
0x6d: {  	_ =	shalt  }
0x6e: {  	_ =	shalt  }
0x6f: {  	_ =	shalt  }
0x70: {  	_ =	shalt  }
0x71: {  	_ =	shalt  }
0x72: {  	_ =	shalt  }
0x73: {  	_ =	shalt  }
0x74: {  	_ =	shalt  }
0x75: {  	_ =	shalt  }
0x76: {  	_ =	shalt  }
0x77: {  	_ =	shalt  }
0x78: {  	_ =	shalt  }
0x79: {  	_ =	shalt  }
0x7a: {  	_ =	shalt  }
0x7b: {  	_ =	shalt  }
0x7c: {  	_ =	shalt  }
0x7d: {  	_ =	shalt  }
0x7e: {  	_ =	shalt  }
0x7f: {  	_ =	shalt  }
0x80: {  	_ =	shalt  }
0x81: {  	_ =	shalt  }
0x82: {  	_ =	shalt  }
0x83: {  	_ =	shalt  }
0x84: {  	_ =	shalt  }
0x85: {  	_ =	shalt  }
0x86: {  	_ =	shalt  }
0x87: {  	_ =	shalt  }
.Lfunc_end0:
.L_simem_size_0:
called_computation_lowered:
.L_overlay_start_0:
0x88: {  	s2 =	sld [smem:$0x3FD9]  }
0x89: {  	s3 =	sld [smem:$0x3FFE];
	_ =	sdelay $0x1  }
0x8a: {  	s1 =	srdreg.scid  }
0x8b: {  	s0 =	sand.u32 $0x1, s1  }
0x8c: {  	s16 =	sshll.u32 s0, $0xA;
	s2 =	sadd.s32 s3, s2  }
0x8d: {  	s2 =	sadd.s32 s2, s16  }
0x8e: {  	[smem:$0x3FC2] =	sst s2  }
0x8f: {  	_ = 	snop  }
0x90: {  	(tm) =	ssettm $0x1  }
0x91: {  	s17 =	sld [smem:$0x3FFB];
	_ =	sdelay $0x3  }
0x92: {  	_ =	strace s17  }
0x93: {  	s2 =	sld [smem:$0x3FFC];
	_ =	sdelay $0x3  }
0x94: {  	_ =	strace s2  }
0x95: {  	s2 =	sld [smem:$0x3FFD];
	_ =	sdelay $0x3  }
0x96: {  	_ =	strace s2  }
0x97: {  	_ =	strace $0x8FFFFFFF  }
0x98: {  	s18 =	sld [smem:$0x3FDB];
	_ =	sdelay $0x1  }
0x99: {  	s19 =	simm.s32 $_scs_section_size  }
0x9a: {  	s4 =	simm.s32 $_size__tile_overlayer_lowered;
	s5 =	simm.s32 $_tile_overlayer_lowered  }
0x9b: {  	s22 =	simm.s32 $0x1BFF;
	s21 =	sshll.u32 s5, $0x1;
	s2 =	sadd.s32 s19, s18  }
0x9c: {  	s6 =	simm.s32 $0x0;
	s20 =	sshll.u32 s4, $0x1;
	s4 =	sadd.s32 s21, s2  }
0x9d: {  	[timem:s6], [sflag:s22] =	dma.local [hbm:s4], s20  }
0x9e: {  	_ =	swait.ge [sflag:s22], s20  }
0x9f: {  	s3 =	ssub.s32 $0x0, s20;
	[sflag:s22] =	ssyncset.done $0x0  }
0xa0: {  	[sflag:s22] =	ssyncadd.s32 s3;
	_ =	sdelay $0x1  }
0xa1: {  	s23 =	simm.s32 $0x1B8B  }
0xa2: {  	_ =	swait.ge [sflag:s23], $0x1  }
0xa3: {  	[sflag:s23] =	ssyncset.done $0x0  }
0xa4: {  	s25 =	simm.s32 $0x1B8E;
	s24 =	sld [smem:$0x3FFE];
	[sflag:s23] =	ssyncadd.s32 $0xFFFFFFFF  }
0xa5: {  	s26 =	simm.s32 $execute0_lowered;
	[smem:$0x3FD2] =	sst s25  }
0xa6: {  	s4 =	sshll.u32 s26, $0x1;
	_ =	strace $0x80000046;
	[dreg:$0x1] =	wrdreg $0xFFFFFFFF  }
0xa7: {  	s28 =	simm.s32 $_size_execute0_lowered;
	s2 =	sadd.s32 s2, s4;
	[dreg:$0x0] =	wrdreg $0x0  }
0xa8: {  	s4 =	sshll.u32 s28, $0x1;
	[dreg:$0x2] =	wrdreg s2  }
0xa9: {  	[dreg:$0x3] =	wrdreg s4  }
0xaa: {  	[dreg:$0x4] =	wrdreg $0xC0  }
0xab: {  	_ =	task [dreg:s6], $0x5FFFF  }
0xac: {  	[dreg:$0x1] =	wrdreg $0xFFFFFFFF  }
0xad: {  	[dreg:$0x0] =	wrdreg $0x60  }
0xae: {  	[dreg:$0x2] =	wrdreg s24  }
0xaf: {  	[dreg:$0x3] =	wrdreg $0x78A00  }
0xb0: {  	[dreg:$0x4] =	wrdreg $0x9  }
0xb1: {  	_ =	task.clear_ibuf [dreg:s6], $0x5FFFF;
	_ =	strace $0x90000046  }
0xb2: {  	s29 =	simm.s32 $0x9;
	_ =	strace $0x80000048  }
0xb3: {  	_ =	swait.ge [sflag:s29], $0x1  }
0xb4: {  	[sflag:s29] =	ssyncadd.s32 $0xFFFFFFFF  }
0xb5: {  	_ =	strace $0x90000048  }
0xb6: {  	_ =	sfence  }
0xb7: {  	s30 =	sld [smem:$0x0];
	_ =	sdelay $0x2  }
0xb8: {  	s31 =	sshll.u32 s1, $0xD;
	s1 =	sshrl.u32 s1, $0x2  }
0xb9: {  	s3 =	sand.u32 $0x4000, s31;
	s1 =	sadd.s32 s1, s30  }
0xba: {  	s0 =	sor.u32 s3, s0;
	s1 =	sshll.u32 s1, $0x11  }
0xbb: {  	s0 =	sor.u32 s1, s0  }
0xbc: {  	s0 =	sadd.s32 $0x8F2B, s0  }
0xbd: {  	[sflag:s0] =	ssyncadd.remote.s32 $0x1  }
0xbe: {  	_ =	sfence.sel $0xFFFF  }
0xbf: {  	[dreg:$0x0] =	wrdreg $0xFFFFFFFF;
	(pc) =	sbr.abs _section_cstart, $3  }
0xc0: {  	[dreg:$0x1] =	wrdreg $0xFFFFFFFF  }
0xc1: {  	_ =	task.clear_ibuf [dreg:s6], $0x2FFFF;
	_ =	strace $0x9FFFFFFF  }
0xc2: {  	(tm) =	ssettm $0x7FFFFFFF  }
0xc3: {  	_ =	shalt  }
tec
execute0_lowered:
.L_overlay_start_1:
0x0: {  	(tag) =	ssettag $0x1  }
0x1: {  	s1 =	rddreg [dreg:$0x0]  }
0x2: {  	s0 =	srdreg.scid;
	s5 =	rddreg [dreg:$0x1]  }
0x3: {  	s26 =	stileid.u32;
	s2 =	simm.s32 $0x0;
	s28 =	simm.s32 $0x2  }
0x4: {  	s29 =	simm.s32 $0x4E20;
	s31 =	simm.s32 $0x0;
	s0 =	sand.u32 $0x1, s0  }
0x5: {  	[smem:$0x7FF] =	sst s2;
	s6 =	sadd.s32 $0x15E00, s1;
	s4 =	smul.u32 $0x9C40, s26  }
0x6: {  	s8 =	smul.u32 $0x280, s26;
	s10 =	sadd.s32 $0x4C90, s5;
	s11 =	sadd.s32 $0x73A0, s5  }
0x7: {  	s12 =	sadd.s32 $0x9AB0, s5;
	s13 =	sadd.s32 $0xC1C0, s5;
	s14 =	sadd.s32 $0xE8D0, s5  }
0x8: {  	s15 =	sadd.s32 $0x10FE0, s5;
	s16 =	sadd.s32 $0x136F0, s5;
	s17 =	sadd.s32 $0x15E00, s5  }
0x9: {  	s18 =	sadd.s32 $0x18510, s5;
	s19 =	sadd.s32 $0x1AC20, s5;
	s20 =	sadd.s32 $0x1D330, s5  }
0xa: {  	s21 =	sadd.s32 $0x1FA40, s5;
	s22 =	sadd.s32 $0x22150, s5;
	s23 =	sadd.s32 $0x24860, s5  }
0xb: {  	p0 =	sne.s32 s26, $0xF;
	s3 =	sshll.u32 s0, $0x4;
	_ =	strace $0x80000047  }
0xc: {  	s7 =	ssub.s32 $0x2, s0;
	s0 =	smul.u32 $0x2710, s0;
	s3 =	sor.u32 s26, s3  }
0xd: {  	s9 =	sshrl.u32 s7, $0x1;
	s24 =	sshrl.u32 s4, $0x2;
	s30 =	sadd.s32 s8, s5  }
0xe: {  	s26 =	simm.s32 $0x2710;
	s3 =	smul.u32 $0x2710, s3;
	s9 =	ssub.s32 s7, s9  }
0xf: {  	s4 =	sadd.s32 s24, s5;
	s25 =	sadd.s32 s8, s0;
	s0 =	sshrl.u32 s0, $0x3  }
.Ltmp0:
0x10: {  	[dreg:$0x3] =	wrdreg s30;
	s3 =	sshrl.u32 s3, $0x3;
	(pc) =	sbr.rel .LBB2_1-.Ltmp0, $4  }
0x11: {  	s7 =	sadd.s32 $0x2580, s5;
	s24 =	sadd.s32 $0x26F70, s5;
	s1 =	sadd.s32 s1, s3  }
0x12: {  	s0 =	sadd.s32 s6, s0;
	s3 =	sadd.s32 $0xC040, s1;
	s1 =	sshrl.u32 s25, $0x3  }
0x13: {  	s9 =	smax.u32 s9, $0x1;
	s8 =	sadd.s32 $0x4B0, s0;
	s1 =	sadd.s32 s6, s1  }
0x14: {  	v0 =	vimm.f32 $0.0e+00;
	v1 =	vimm.f32 $1.000000000e+00;
	s25 =	simm.s32 $0x1;
	[dreg:$0x4] =	wrdreg s1;
	s1 =	simm.s32 $0x7620  }
.LBB2_11:
0x15: {  	v9 =	vld [tilespmem:s5+$0x50A0]  }
0x16: {  	v10 =	vld [tilespmem:s0+$0x6720];
	v4 =	vadd.f32 v4, v8  }
0x17: {  	v49 =	vld [tilespmem:s5+$0x5320]  }
0x18: {  	v11 =	vld [tilespmem:s0+$0x69A0];
	v5 =	vadd.f32 v5, v7;
	[tilespmem:s30+$0x7620] =	vst v4  }
0x19: {  	v4 =	vld [tilespmem:s5+$0x55A0]  }
0x1a: {  	v5 =	vadd.f32 v6, v5;
	v3 =	vadd.f32 v9, v3  }
0x1b: {  	v50 =	vld [tilespmem:s5+$0x5820]  }
0x1c: {  	v51 =	vld [tilespmem:s0+$0x6C20];
	v2 =	vadd.f32 v2, v5;
	v3 =	vadd.f32 v49, v3  }
0x1d: {  	v52 =	vld [tilespmem:s5+$0x5AA0]  }
0x1e: {  	v53 =	vld [tilespmem:s0+$0x6EA0];
	v2 =	vadd.f32 v10, v2;
	v3 =	vadd.f32 v4, v3  }
0x1f: {  	v54 =	vld [tilespmem:s5+$0x5D20]  }
0x20: {  	v55 =	vld [tilespmem:s0+$0x7120];
	v2 =	vadd.f32 v11, v2;
	v3 =	vadd.f32 v50, v3  }
0x21: {  	v56 =	vld [tilespmem:s5+$0x5FA0]  }
0x22: {  	v57 =	vld [tilespmem:s0+$0x73A0];
	v2 =	vadd.f32 v51, v2;
	v3 =	vadd.f32 v52, v3  }
0x23: {  	v58 =	vld [tilespmem:s5+$0x6220]  }
0x24: {  	v2 =	vadd.f32 v53, v2;
	v3 =	vadd.f32 v54, v3  }
0x25: {  	v59 =	vld [tilespmem:s5+$0x64A0]  }
0x26: {  	v2 =	vadd.f32 v55, v2;
	v3 =	vadd.f32 v56, v3  }
0x27: {  	v60 =	vld [tilespmem:s5+$0x6720]  }
0x28: {  	v2 =	vadd.f32 v57, v2;
	v3 =	vadd.f32 v58, v3  }
0x29: {  	v61 =	vld [tilespmem:s5+$0x69A0]  }
0x2a: {  	[tilespmem:s0+$0x7620] =	vst v2;
	v2 =	vadd.f32 v59, v3  }
0x2b: {  	v3 =	vld [tilespmem:s5+$0x6C20]  }
0x2c: {  	v2 =	vadd.f32 v60, v2  }
0x2d: {  	v62 =	vld [tilespmem:s5+$0x6EA0]  }
0x2e: {  	v2 =	vadd.f32 v61, v2  }
0x2f: {  	v63 =	vld [tilespmem:s5+$0x7120]  }
0x30: {  	v2 =	vadd.f32 v3, v2  }
0x31: {  	v3 =	vld [tilespmem:s5+$0x73A0]  }
0x32: {  	v2 =	vadd.f32 v62, v2;
	_ =	sdelay $0x1  }
0x33: {  	v2 =	vadd.f32 v63, v2;
	_ =	sdelay $0x1  }
0x34: {  	v2 =	vadd.f32 v3, v2;
	_ =	sdelay $0x1  }
0x35: {  	s30 =	rddreg [dreg:$0x4];
	[tilespmem:s5+$0x7620] =	vst v2  }
0x36: {  	[hbm4b:s30+s2] =	stream.linear.scatter [tilespmem:s1], [sflag:$0x2], $0x280, $0x38;
	[tilespmem:$0x9FB0] =	vst v63  }
0x37: {  	_ =	swait.ge [sflag:s28], $0x280  }
0x38: {  	[sflag:s28] =	ssyncset.done $0x0  }
0x39: {  	[sflag:s28] =	ssyncadd.s32 $0xFFFFFD80  }
.LBB2_12:
0x3a: {  	s31 =	sadd.s32 $0x1, s31  }
0x3b: {  	p1 =	sne.s32 s31, s9  }
.Ltmp1:
0x3c: {  	_ = 	snop;
	(pc) =	sbr.rel @!p1 .LBB2_13-.Ltmp1, $1  }
0x3d: {  	_ =	sdelay $0x3  }
.LBB2_1:
0x3e: {  	[tilespmem:s2], [sflag:$0x1] =	stream.linear.gather [hbm4b:s3+s2], $0x2710, $0x38;
	[tilespmem:$0x9FB0] =	vst v63  }
0x3f: {  	s0 =	simm.s32 $0x40;
	s5 =	simm.s32 $0x0  }
.LBB2_2:
0x40: {  	p1 =	sne.s32 s0, $0x9C00;
	[tilespmem:s5+$0x2710] =	vst v0;
	s5 =	smov.u32 s0;
	s0 =	sadd.s32 $0x40, s0  }
.Ltmp2:
0x41: {  	(pc) =	sbr.rel @p1 .LBB2_2-.Ltmp2, $2  }
0x42: {  	_ =	sdelay $0x2  }
0x43: {  	s5 =	sshra.s32 s5, $0x2  }
0x44: {  	[tilespmem:s5+$0x2710] =	vst v0  }
0x45: {  	_ =	swait.ge [sflag:s25], $0x2710  }
0x46: {  	[sflag:s25] =	ssyncset.done $0x0  }
0x47: {  	s0 =	simm.s32 $0x0;
	[sflag:s25] =	ssyncadd.s32 $0xFFFFD8F0  }
.LBB2_4:
0x48: {  	s5 =	sshra.s32 s0, $0x2  }
0x49: {  	v2 =	vld [tilespmem:s5+$0x0];
	_ =	sdelay $0x7  }
0x4a: {  	[tilespmem:v2+s26+$0x0] =	vst.idx.add.f32.msk $0xffff, v1  }
0x4b: {  	v2 =	vld [tilespmem:s5+$0x10];
	_ =	sdelay $0x7  }
0x4c: {  	[tilespmem:v2+s26+$0x0] =	vst.idx.add.f32.msk $0xffff, v1  }
0x4d: {  	v2 =	vld [tilespmem:s5+$0x20];
	_ =	sdelay $0x7  }
0x4e: {  	[tilespmem:v2+s26+$0x0] =	vst.idx.add.f32.msk $0xffff, v1  }
0x4f: {  	v2 =	vld [tilespmem:s5+$0x30];
	_ =	sdelay $0x7  }
0x50: {  	[tilespmem:v2+s26+$0x0] =	vst.idx.add.f32.msk $0xffff, v1  }
0x51: {  	v2 =	vld [tilespmem:s5+$0x40];
	_ =	sdelay $0x2  }
0x52: {  	p1 =	sne.s32 s0, $0x9B00  }
.Ltmp3:
0x53: {  	_ = 	snop;
	(pc) =	sbr.rel @p1 .LBB2_4-.Ltmp3, $2  }
0x54: {  	_ =	sdelay $0x2  }
0x55: {  	s0 =	sadd.s32 $0x140, s0;
	[tilespmem:v2+s26+$0x0] =	vst.idx.add.f32.msk $0xffff, v1  }
0x56: {  	[spmem:s4] =	stream.linear.scatter [tilespmem:s26], [sflag:$0x2], $0x2710, $0x38;
	[tilespmem:$0x9FB0] =	vst v63  }
.Ltmp4:
0x57: {  	_ =	swait.ge [sflag:s28], $0x2710;
	(pc) =	sbr.rel @p0 .LBB2_9-.Ltmp4, $3  }
0x58: {  	[sflag:s28] =	ssyncset.done $0x0  }
0x59: {  	[sflag:s28] =	ssyncadd.s32 $0xFFFFD8F0  }
0x5a: {  	[bflag:$0x0] =	sbarrier.arrive $0xFFFF;
	_ =	sdelay $0x1  }
0x5b: {  	[tilespmem:s29], [sflag:$0x2] =	stream.linear.gather [spmem:s7], $0x190, $0x38;
	[tilespmem:$0x9FB0] =	vst v63  }
0x5c: {  	s0 =	simm.s32 $0x50A0  }
0x5d: {  	[tilespmem:s0], [sflag:$0x2] =	stream.linear.gather [spmem:s10], $0x190, $0x38;
	[tilespmem:$0x9FB0] =	vst v63  }
0x5e: {  	s5 =	simm.s32 $0x5320  }
0x5f: {  	[tilespmem:s5], [sflag:$0x2] =	stream.linear.gather [spmem:s11], $0x190, $0x38;
	[tilespmem:$0x9FB0] =	vst v63  }
0x60: {  	s6 =	simm.s32 $0x55A0  }
0x61: {  	[tilespmem:s6], [sflag:$0x2] =	stream.linear.gather [spmem:s12], $0x190, $0x38;
	[tilespmem:$0x9FB0] =	vst v63  }
0x62: {  	s5 =	simm.s32 $0x5820  }
0x63: {  	[tilespmem:s5], [sflag:$0x2] =	stream.linear.gather [spmem:s13], $0x190, $0x38;
	[tilespmem:$0x9FB0] =	vst v63  }
0x64: {  	s6 =	simm.s32 $0x5AA0  }
0x65: {  	[tilespmem:s6], [sflag:$0x2] =	stream.linear.gather [spmem:s14], $0x190, $0x38;
	[tilespmem:$0x9FB0] =	vst v63  }
0x66: {  	s5 =	simm.s32 $0x5D20  }
0x67: {  	[tilespmem:s5], [sflag:$0x2] =	stream.linear.gather [spmem:s15], $0x190, $0x38;
	[tilespmem:$0x9FB0] =	vst v63  }
0x68: {  	s6 =	simm.s32 $0x5FA0  }
0x69: {  	[tilespmem:s6], [sflag:$0x2] =	stream.linear.gather [spmem:s16], $0x190, $0x38;
	[tilespmem:$0x9FB0] =	vst v63  }
0x6a: {  	s5 =	simm.s32 $0x6220  }
0x6b: {  	[tilespmem:s5], [sflag:$0x2] =	stream.linear.gather [spmem:s17], $0x190, $0x38;
	[tilespmem:$0x9FB0] =	vst v63  }
0x6c: {  	s6 =	simm.s32 $0x64A0  }
0x6d: {  	[tilespmem:s6], [sflag:$0x2] =	stream.linear.gather [spmem:s18], $0x190, $0x38;
	[tilespmem:$0x9FB0] =	vst v63  }
0x6e: {  	s5 =	simm.s32 $0x6720  }
0x6f: {  	[tilespmem:s5], [sflag:$0x2] =	stream.linear.gather [spmem:s19], $0x190, $0x38;
	[tilespmem:$0x9FB0] =	vst v63  }
0x70: {  	s6 =	simm.s32 $0x69A0  }
0x71: {  	[tilespmem:s6], [sflag:$0x2] =	stream.linear.gather [spmem:s20], $0x190, $0x38;
	[tilespmem:$0x9FB0] =	vst v63  }
0x72: {  	s5 =	simm.s32 $0x6C20  }
0x73: {  	[tilespmem:s5], [sflag:$0x2] =	stream.linear.gather [spmem:s21], $0x190, $0x38;
	[tilespmem:$0x9FB0] =	vst v63  }
0x74: {  	s6 =	simm.s32 $0x6EA0  }
0x75: {  	[tilespmem:s6], [sflag:$0x2] =	stream.linear.gather [spmem:s22], $0x190, $0x38;
	[tilespmem:$0x9FB0] =	vst v63  }
0x76: {  	s5 =	simm.s32 $0x7120  }
0x77: {  	[tilespmem:s5], [sflag:$0x2] =	stream.linear.gather [spmem:s23], $0x190, $0x38;
	[tilespmem:$0x9FB0] =	vst v63  }
0x78: {  	s6 =	simm.s32 $0x73A0  }
0x79: {  	[tilespmem:s6], [sflag:$0x2] =	stream.linear.gather [spmem:s24], $0x190, $0x38;
	[tilespmem:$0x9FB0] =	vst v63  }
0x7a: {  	_ =	swait.ge [sflag:s28], $0x1900  }
0x7b: {  	[sflag:s28] =	ssyncset.done $0x0  }
0x7c: {  	s30 =	simm.s32 $0x0;
	[sflag:s28] =	ssyncadd.s32 $0xFFFFE700  }
0x7d: {  	v2 =	vld [tilespmem:s30+$0x4E20]  }
0x7e: {  	v3 =	vld [tilespmem:s30+$0x50A0];
	_ =	sdelay $0x1  }
0x7f: {  	v4 =	vld [tilespmem:s30+$0x5320];
	_ =	sdelay $0x1  }
0x80: {  	v5 =	vld [tilespmem:s30+$0x55A0]  }
0x81: {  	v2 =	vadd.f32 v3, v2  }
0x82: {  	v3 =	vld [tilespmem:s30+$0x5820]  }
0x83: {  	v2 =	vadd.f32 v4, v2  }
0x84: {  	v4 =	vld [tilespmem:s30+$0x5AA0]  }
0x85: {  	v2 =	vadd.f32 v5, v2  }
0x86: {  	v5 =	vld [tilespmem:s30+$0x5D20]  }
0x87: {  	v2 =	vadd.f32 v3, v2  }
0x88: {  	v3 =	vld [tilespmem:s30+$0x5FA0]  }
0x89: {  	s0 =	simm.s32 $0x10;
	v6 =	vld [tilespmem:s30+$0x6220];
	v2 =	vadd.f32 v4, v2  }
0x8a: {  	v7 =	vld [tilespmem:s0+$0x4E20]  }
0x8b: {  	v4 =	vld [tilespmem:s30+$0x64A0];
	v2 =	vadd.f32 v5, v2  }
0x8c: {  	v5 =	vld [tilespmem:s0+$0x50A0]  }
0x8d: {  	v8 =	vld [tilespmem:s0+$0x5320];
	v2 =	vadd.f32 v3, v2  }
0x8e: {  	v3 =	vld [tilespmem:s30+$0x6720]  }
0x8f: {  	v9 =	vld [tilespmem:s0+$0x55A0];
	v2 =	vadd.f32 v6, v2  }
0x90: {  	v6 =	vld [tilespmem:s30+$0x69A0]  }
0x91: {  	v5 =	vadd.f32 v5, v7;
	v7 =	vld [tilespmem:s0+$0x5820];
	v2 =	vadd.f32 v4, v2  }
0x92: {  	v4 =	vld [tilespmem:s30+$0x6C20]  }
0x93: {  	v5 =	vadd.f32 v8, v5;
	v8 =	vld [tilespmem:s0+$0x5AA0];
	v2 =	vadd.f32 v3, v2  }
0x94: {  	v3 =	vld [tilespmem:s30+$0x6EA0]  }
0x95: {  	v10 =	vld [tilespmem:s0+$0x5D20];
	v5 =	vadd.f32 v9, v5;
	v2 =	vadd.f32 v6, v2  }
0x96: {  	v9 =	vld [tilespmem:s30+$0x7120]  }
0x97: {  	v6 =	vadd.f32 v7, v5;
	v5 =	vld [tilespmem:s0+$0x5FA0];
	v7 =	vadd.f32 v4, v2  }
0x98: {  	v4 =	vld [tilespmem:s30+$0x73A0]  }
0x99: {  	v2 =	vld [tilespmem:s0+$0x64A0];
	v8 =	vadd.f32 v8, v6;
	v11 =	vadd.f32 v3, v7  }
0x9a: {  	s5 =	simm.s32 $0x20;
	v6 =	vld [tilespmem:s0+$0x6220]  }
0x9b: {  	s6 =	simm.s32 $0xC0;
	v3 =	vld [tilespmem:s5+$0x4E20];
	v7 =	vadd.f32 v10, v8;
	v8 =	vadd.f32 v9, v11  }
.LBB2_7:
0x9c: {  	p1 =	sne.s32 s6, $0x600;
	v9 =	vld [tilespmem:s5+$0x50A0]  }
0x9d: {  	v5 =	vadd.f32 v5, v7;
	v7 =	vld [tilespmem:s0+$0x6720];
	v4 =	vadd.f32 v4, v8  }
0x9e: {  	v8 =	vld [tilespmem:s5+$0x5320]  }
0x9f: {  	v5 =	vadd.f32 v6, v5;
	v6 =	vld [tilespmem:s0+$0x69A0];
	[tilespmem:s30+$0x7620] =	vst v4;
	s30 =	smov.u32 s0;
	s0 =	smov.u32 s5  }
0xa0: {  	v4 =	vld [tilespmem:s0+$0x55A0]  }
0xa1: {  	v3 =	vadd.f32 v9, v3;
	v2 =	vadd.f32 v2, v5;
	v5 =	vld [tilespmem:s30+$0x6C20]  }
0xa2: {  	v9 =	vld [tilespmem:s0+$0x5820]  }
0xa3: {  	v3 =	vadd.f32 v8, v3;
	v2 =	vadd.f32 v7, v2;
	v7 =	vld [tilespmem:s30+$0x6EA0]  }
0xa4: {  	v8 =	vld [tilespmem:s0+$0x5AA0]  }
0xa5: {  	v3 =	vadd.f32 v4, v3;
	v2 =	vadd.f32 v6, v2;
	v10 =	vld [tilespmem:s30+$0x7120]  }
0xa6: {  	v11 =	vld [tilespmem:s0+$0x5D20]  }
.Ltmp5:
0xa7: {  	v3 =	vadd.f32 v9, v3;
	v6 =	vadd.f32 v5, v2;
	v4 =	vld [tilespmem:s30+$0x73A0];
	(pc) =	sbr.rel @p1 .LBB2_7-.Ltmp5, $4  }
0xa8: {  	v5 =	vld [tilespmem:s0+$0x5FA0]  }
0xa9: {  	v8 =	vadd.f32 v8, v3;
	v2 =	vld [tilespmem:s0+$0x64A0];
	v9 =	vadd.f32 v7, v6  }
0xaa: {  	s5 =	sshra.s32 s6, $0x2;
	v6 =	vld [tilespmem:s0+$0x6220]  }
0xab: {  	s6 =	sadd.s32 $0x40, s6;
	v3 =	vld [tilespmem:s5+$0x4E20];
	v7 =	vadd.f32 v11, v8;
	v8 =	vadd.f32 v10, v9  }
0xac: {  	v9 =	vld [tilespmem:s5+$0x50A0]  }
0xad: {  	v10 =	vld [tilespmem:s0+$0x6720];
	v4 =	vadd.f32 v4, v8  }
0xae: {  	v49 =	vld [tilespmem:s5+$0x5320]  }
0xaf: {  	v11 =	vld [tilespmem:s0+$0x69A0];
	v5 =	vadd.f32 v5, v7;
	[tilespmem:s30+$0x7620] =	vst v4  }
0xb0: {  	v4 =	vld [tilespmem:s5+$0x55A0]  }
0xb1: {  	v5 =	vadd.f32 v6, v5;
	v3 =	vadd.f32 v9, v3  }
0xb2: {  	v50 =	vld [tilespmem:s5+$0x5820]  }
0xb3: {  	v51 =	vld [tilespmem:s0+$0x6C20];
	v2 =	vadd.f32 v2, v5;
	v3 =	vadd.f32 v49, v3  }
0xb4: {  	v52 =	vld [tilespmem:s5+$0x5AA0]  }
0xb5: {  	v53 =	vld [tilespmem:s0+$0x6EA0];
	v2 =	vadd.f32 v10, v2;
	v3 =	vadd.f32 v4, v3  }
0xb6: {  	v54 =	vld [tilespmem:s5+$0x5D20]  }
0xb7: {  	v55 =	vld [tilespmem:s0+$0x7120];
	v2 =	vadd.f32 v11, v2;
	v3 =	vadd.f32 v50, v3  }
0xb8: {  	v56 =	vld [tilespmem:s5+$0x5FA0]  }
0xb9: {  	v57 =	vld [tilespmem:s0+$0x73A0];
	v2 =	vadd.f32 v51, v2;
	v3 =	vadd.f32 v52, v3  }
0xba: {  	v58 =	vld [tilespmem:s5+$0x6220]  }
0xbb: {  	v2 =	vadd.f32 v53, v2;
	v3 =	vadd.f32 v54, v3  }
0xbc: {  	v59 =	vld [tilespmem:s5+$0x64A0]  }
0xbd: {  	v2 =	vadd.f32 v55, v2;
	v3 =	vadd.f32 v56, v3  }
0xbe: {  	v60 =	vld [tilespmem:s5+$0x6720]  }
0xbf: {  	v2 =	vadd.f32 v57, v2;
	v3 =	vadd.f32 v58, v3  }
0xc0: {  	v61 =	vld [tilespmem:s5+$0x69A0]  }
0xc1: {  	[tilespmem:s0+$0x7620] =	vst v2;
	v2 =	vadd.f32 v59, v3  }
0xc2: {  	v3 =	vld [tilespmem:s5+$0x6C20]  }
0xc3: {  	v2 =	vadd.f32 v60, v2  }
0xc4: {  	v62 =	vld [tilespmem:s5+$0x6EA0]  }
0xc5: {  	v2 =	vadd.f32 v61, v2  }
0xc6: {  	v63 =	vld [tilespmem:s5+$0x7120]  }
0xc7: {  	v2 =	vadd.f32 v3, v2  }
0xc8: {  	v3 =	vld [tilespmem:s5+$0x73A0]  }
0xc9: {  	v2 =	vadd.f32 v62, v2;
	_ =	sdelay $0x1  }
0xca: {  	v2 =	vadd.f32 v63, v2;
	_ =	sdelay $0x1  }
0xcb: {  	v2 =	vadd.f32 v3, v2;
	_ =	sdelay $0x1  }
.Ltmp6:
0xcc: {  	[tilespmem:s5+$0x7620] =	vst v2;
	(pc) =	sbr.rel .LBB2_12-.Ltmp6, $4  }
0xcd: {  	[hbm4b:s8+s2] =	stream.linear.scatter [tilespmem:s1], [sflag:$0x2], $0x190, $0x38;
	[tilespmem:$0x9FB0] =	vst v63  }
0xce: {  	_ =	swait.ge [sflag:s28], $0x190  }
0xcf: {  	[sflag:s28] =	ssyncset.done $0x0  }
0xd0: {  	[sflag:s28] =	ssyncadd.s32 $0xFFFFFE70  }
.LBB2_9:
0xd1: {  	s0 =	rddreg [dreg:$0x3];
	s5 =	simm.s32 $0x280  }
0xd2: {  	[tilespmem:s29], [sflag:$0x2] =	stream.strided.gather [spmem:s0], $0x2800, s26, s5, $0x38;
	[tilespmem:$0x9FB0] =	vst v63  }
0xd3: {  	_ =	swait.ge [sflag:s28], $0x2800  }
0xd4: {  	[sflag:s28] =	ssyncset.done $0x0  }
0xd5: {  	s30 =	simm.s32 $0x0;
	[sflag:s28] =	ssyncadd.s32 $0xFFFFD800  }
0xd6: {  	v2 =	vld [tilespmem:s30+$0x4E20]  }
0xd7: {  	v3 =	vld [tilespmem:s30+$0x50A0];
	_ =	sdelay $0x1  }
0xd8: {  	v4 =	vld [tilespmem:s30+$0x5320];
	_ =	sdelay $0x1  }
0xd9: {  	v5 =	vld [tilespmem:s30+$0x55A0]  }
0xda: {  	v2 =	vadd.f32 v3, v2  }
0xdb: {  	v3 =	vld [tilespmem:s30+$0x5820]  }
0xdc: {  	v2 =	vadd.f32 v4, v2  }
0xdd: {  	v4 =	vld [tilespmem:s30+$0x5AA0]  }
0xde: {  	v2 =	vadd.f32 v5, v2  }
0xdf: {  	v5 =	vld [tilespmem:s30+$0x5D20]  }
0xe0: {  	v2 =	vadd.f32 v3, v2  }
0xe1: {  	v3 =	vld [tilespmem:s30+$0x5FA0]  }
0xe2: {  	s0 =	simm.s32 $0x10;
	v6 =	vld [tilespmem:s30+$0x6220];
	v2 =	vadd.f32 v4, v2  }
0xe3: {  	v7 =	vld [tilespmem:s0+$0x4E20]  }
0xe4: {  	v4 =	vld [tilespmem:s30+$0x64A0];
	v2 =	vadd.f32 v5, v2  }
0xe5: {  	v5 =	vld [tilespmem:s0+$0x50A0]  }
0xe6: {  	v8 =	vld [tilespmem:s0+$0x5320];
	v2 =	vadd.f32 v3, v2  }
0xe7: {  	v3 =	vld [tilespmem:s30+$0x6720]  }
0xe8: {  	v9 =	vld [tilespmem:s0+$0x55A0];
	v2 =	vadd.f32 v6, v2  }
0xe9: {  	v6 =	vld [tilespmem:s30+$0x69A0]  }
0xea: {  	v5 =	vadd.f32 v5, v7;
	v7 =	vld [tilespmem:s0+$0x5820];
	v2 =	vadd.f32 v4, v2  }
0xeb: {  	v4 =	vld [tilespmem:s30+$0x6C20]  }
0xec: {  	v5 =	vadd.f32 v8, v5;
	v8 =	vld [tilespmem:s0+$0x5AA0];
	v2 =	vadd.f32 v3, v2  }
0xed: {  	v3 =	vld [tilespmem:s30+$0x6EA0]  }
0xee: {  	v10 =	vld [tilespmem:s0+$0x5D20];
	v5 =	vadd.f32 v9, v5;
	v2 =	vadd.f32 v6, v2  }
0xef: {  	v9 =	vld [tilespmem:s30+$0x7120]  }
0xf0: {  	v6 =	vadd.f32 v7, v5;
	v5 =	vld [tilespmem:s0+$0x5FA0];
	v7 =	vadd.f32 v4, v2  }
0xf1: {  	v4 =	vld [tilespmem:s30+$0x73A0]  }
0xf2: {  	v2 =	vld [tilespmem:s0+$0x64A0];
	v8 =	vadd.f32 v8, v6;
	v11 =	vadd.f32 v3, v7  }
0xf3: {  	s5 =	simm.s32 $0x20;
	v6 =	vld [tilespmem:s0+$0x6220]  }
0xf4: {  	s6 =	simm.s32 $0xC0;
	v3 =	vld [tilespmem:s5+$0x4E20];
	v7 =	vadd.f32 v10, v8;
	v8 =	vadd.f32 v9, v11  }
.LBB2_10:
0xf5: {  	p1 =	sne.s32 s6, $0x9C0;
	v9 =	vld [tilespmem:s5+$0x50A0]  }
0xf6: {  	v5 =	vadd.f32 v5, v7;
	v4 =	vadd.f32 v4, v8;
	v7 =	vld [tilespmem:s0+$0x6720]  }
0xf7: {  	v8 =	vld [tilespmem:s5+$0x5320]  }
0xf8: {  	v5 =	vadd.f32 v6, v5;
	v6 =	vld [tilespmem:s0+$0x69A0];
	[tilespmem:s30+$0x7620] =	vst v4;
	s30 =	smov.u32 s0;
	s0 =	smov.u32 s5  }
0xf9: {  	v4 =	vld [tilespmem:s0+$0x55A0]  }
0xfa: {  	v2 =	vadd.f32 v2, v5;
	v3 =	vadd.f32 v9, v3;
	v5 =	vld [tilespmem:s30+$0x6C20]  }
0xfb: {  	v9 =	vld [tilespmem:s0+$0x5820]  }
0xfc: {  	v2 =	vadd.f32 v7, v2;
	v3 =	vadd.f32 v8, v3;
	v7 =	vld [tilespmem:s30+$0x6EA0]  }
0xfd: {  	v8 =	vld [tilespmem:s0+$0x5AA0]  }
0xfe: {  	v2 =	vadd.f32 v6, v2;
	v3 =	vadd.f32 v4, v3;
	v10 =	vld [tilespmem:s30+$0x7120]  }
0xff: {  	v11 =	vld [tilespmem:s0+$0x5D20]  }
.Ltmp7:
0x100: {  	v6 =	vadd.f32 v5, v2;
	v3 =	vadd.f32 v9, v3;
	v4 =	vld [tilespmem:s30+$0x73A0];
	(pc) =	sbr.rel @p1 .LBB2_10-.Ltmp7, $4  }
0x101: {  	v5 =	vld [tilespmem:s0+$0x5FA0]  }
0x102: {  	v9 =	vadd.f32 v7, v6;
	v8 =	vadd.f32 v8, v3;
	v2 =	vld [tilespmem:s0+$0x64A0]  }
0x103: {  	s5 =	sshra.s32 s6, $0x2;
	v6 =	vld [tilespmem:s0+$0x6220]  }
0x104: {  	s6 =	sadd.s32 $0x40, s6;
	v3 =	vld [tilespmem:s5+$0x4E20];
	v7 =	vadd.f32 v11, v8;
	v8 =	vadd.f32 v10, v9  }
.Ltmp8:
0x105: {  	_ = 	snop;
	(pc) =	sbr.rel .LBB2_11-.Ltmp8, $1  }
0x106: {  	_ =	sdelay $0x3  }
.LBB2_13:
0x107: {  	_ =	sfence.sel $0x180000  }
0x108: {  	[bflag:$0x0] =	sbarrier.arrive $0xFFFF  }
0x109: {  	_ =	strace $0x90000047  }
0x10a: {  	s0 =	stileid.u32;
	[bflag:$0x2] =	sbarrier.arrive $0xFFFF  }
0x10b: {  	p0 =	sne.s32 s0, $0x0;
	s0 =	rddreg [dreg:$0x2]  }
0x10c: {  	s0 =	sadd.s32 @!p0 $0x100000, s0  }
0x10d: {  	[sflag:s0] =	ssyncadd.tile.s32 @!p0 $0x1;
	_ =	shalt  }
.Lfunc_end2:
_tile_overlayer_lowered:
.L_overlay_start_2:
0x10e: {  	(tag) =	ssettag $0x2  }
0x10f: {  	s0 =	rddreg [dreg:$0x0];
	s2 =	stileid.u32  }
0x110: {  	s1 =	rddreg [dreg:$0x1];
	p0 =	sne.s32 s2, $0x0  }
0x111: {  	s3 =	rddreg [dreg:$0x2];
	[bflag:$0x3] =	sbarrier.arrive $0xFFFF;
	s2 =	simm.s32 @!p0 $0x1C02  }
0x112: {  	[timem:s3], [sflag:s2] =	dma.local @!p0 [hbm:s0], s1  }
0x113: {  	s0 =	simm.s32 @!p0 $0x2  }
0x114: {  	_ =	swait.ge @!p0 [sflag:s0], s1  }
0x115: {  	s1 =	ssub.s32 @!p0 $0x0, s1;
	[sflag:s0] =	ssyncset.done @!p0 $0x0  }
0x116: {  	[sflag:s0] =	ssyncadd.s32 @!p0 s1  }
0x117: {  	[bflag:$0x3] =	sbarrier.arrive $0xFFFF  }
0x118: {  	_ =	shalt  }

</sc_bundles>
